<compile_context>
chip_gen: v7x
topology: tpu7x:2x2x1
jax: 0.10.2.dev20260603
libtpu: 0.0.44.dev20260713+nightly
codegen_flags: <defaults>
</compile_context>

<pallas_src>
import jax
import jax.numpy as jnp
from jax import lax
from jax.experimental import pallas as pl
from jax.experimental.pallas import tpu as pltpu
from jax.experimental.pallas import tpu_sc as plsc

B, N, L = 4096, 50, 5
D = 64
G = B * N
NC, NS = 2, 16
NW = NC * NS
GW = G // NW
CG = 128
NCH = GW // CG


def _sc_body(uidx, iidx, ust, uvt, ist, ivt,
             us_out, uv_out, is_out, iv_out,
             idx_u, idx_i, rows_u, rows_i, srows_u, srows_i,
             acc_u, acc_i, sacc_u, sacc_i,
             gsem_u, gsem_i, isem_u, isem_i, wbsem_u, wbsem_i):
    wid = lax.axis_index("s") * NC + lax.axis_index("c")
    base = wid * GW

    FU = (uidx, ust, uvt, us_out, uv_out, idx_u, rows_u, srows_u,
          acc_u, sacc_u, gsem_u, isem_u, wbsem_u)
    FI = (iidx, ist, ivt, is_out, iv_out, idx_i, rows_i, srows_i,
          acc_i, sacc_i, gsem_i, isem_i, wbsem_i)

    def fire_idx(f, c):
        idx_hbm, _, _, _, _, idx_v, _, _, _, _, _, isem, _ = f
        pltpu.async_copy(idx_hbm.at[:, pl.ds(base + c * CG, CG)], idx_v, isem)

    def wait_idx(f):
        idx_hbm, _, _, _, _, idx_v, _, _, _, _, _, isem, _ = f
        pltpu.make_async_copy(idx_hbm.at[:, pl.ds(0, CG)], idx_v, isem).wait()

    def fire_gathers(f):
        _, st, vt, _, _, idx_v, rows_v, srows_v, _, _, gsem, _, _ = f
        for l in range(L):
            pltpu.async_copy(vt.at[idx_v.at[l]], rows_v.at[l], gsem)
        for l in range(L):
            pltpu.async_copy(st.at[idx_v.at[l]], srows_v.at[l], gsem)

    def wait_gathers(f):
        _, st, vt, _, _, _, rows_v, srows_v, _, _, gsem, _, _ = f
        for l in range(L):
            pltpu.make_async_copy(vt.at[pl.ds(0, CG)], rows_v.at[l],
                                  gsem).wait()
        for l in range(L):
            pltpu.make_async_copy(st.at[pl.ds(0, CG)], srows_v.at[l],
                                  gsem).wait()

    def reduce(f):
        _, _, _, _, _, _, rows_v, srows_v, acc_v, sacc_v, _, _, _ = f

        def vred(g, c2):
            for q in range(D // 16):
                acc = rows_v[0, g, pl.ds(q * 16, 16)]
                for l in range(1, L):
                    acc = acc + rows_v[l, g, pl.ds(q * 16, 16)]
                acc_v[g, pl.ds(q * 16, 16)] = acc
            return c2

        lax.fori_loop(0, CG, vred, 0, unroll=2)

        def sred(t, c2):
            acc = srows_v[0, pl.ds(t * 16, 16)]
            for l in range(1, L):
                acc = acc + srows_v[l, pl.ds(t * 16, 16)]
            sacc_v[pl.ds(t * 16, 16)] = acc
            return c2

        lax.fori_loop(0, CG // 16, sred, 0)

    def fire_wb(f, c):
        _, _, _, outs, outv, _, _, _, acc_v, sacc_v, _, _, wbsem = f
        g0 = base + c * CG
        pltpu.async_copy(acc_v, outv.at[pl.ds(g0, CG)], wbsem)
        pltpu.async_copy(sacc_v, outs.at[pl.ds(g0, CG)], wbsem)

    def wait_wb(f):
        _, _, _, outs, outv, _, _, _, acc_v, sacc_v, _, _, wbsem = f
        pltpu.make_async_copy(acc_v, outv.at[pl.ds(0, CG)], wbsem).wait()
        pltpu.make_async_copy(sacc_v, outs.at[pl.ds(0, CG)], wbsem).wait()

    fire_idx(FI, 0)
    pltpu.sync_copy(uidx.at[:, pl.ds(base, CG)], idx_u)
    fire_gathers(FU)

    def chunk_body(c, carry):
        wait_gathers(FU)

        @pl.when(c < NCH - 1)
        def _():
            fire_idx(FU, c + 1)

        wait_idx(FI)

        @pl.when(c > 0)
        def _():
            wait_wb(FI)

        fire_gathers(FI)

        @pl.when(c > 0)
        def _():
            wait_wb(FU)

        reduce(FU)
        fire_wb(FU, c)

        wait_gathers(FI)

        @pl.when(c < NCH - 1)
        def _():
            fire_idx(FI, c + 1)
            wait_idx(FU)
            fire_gathers(FU)

        reduce(FI)
        fire_wb(FI, c)
        return carry

    lax.fori_loop(0, NCH, chunk_body, 0)
    wait_wb(FU)
    wait_wb(FI)


def kernel(user_id, item_id, user_scalar_table, user_vector_table,
           item_scalar_table, item_vector_table):
    uidx = user_id.reshape(G, L).T.astype(jnp.int32)
    iidx = item_id.reshape(G, L).T.astype(jnp.int32)

    call = pl.kernel(
        _sc_body,
        out_type=(
            jax.ShapeDtypeStruct((G,), jnp.float32),
            jax.ShapeDtypeStruct((G, D), jnp.float32),
            jax.ShapeDtypeStruct((G,), jnp.float32),
            jax.ShapeDtypeStruct((G, D), jnp.float32),
        ),
        mesh=plsc.VectorSubcoreMesh(core_axis_name="c", subcore_axis_name="s"),
        scratch_types=[
            pltpu.VMEM((L, CG), jnp.int32),
            pltpu.VMEM((L, CG), jnp.int32),
            pltpu.VMEM((L, CG, D), jnp.float32),
            pltpu.VMEM((L, CG, D), jnp.float32),
            pltpu.VMEM((L, CG), jnp.float32),
            pltpu.VMEM((L, CG), jnp.float32),
            pltpu.VMEM((CG, D), jnp.float32),
            pltpu.VMEM((CG, D), jnp.float32),
            pltpu.VMEM((CG,), jnp.float32),
            pltpu.VMEM((CG,), jnp.float32),
            pltpu.SemaphoreType.DMA,
            pltpu.SemaphoreType.DMA,
            pltpu.SemaphoreType.DMA,
            pltpu.SemaphoreType.DMA,
            pltpu.SemaphoreType.DMA,
            pltpu.SemaphoreType.DMA,
        ],
        compiler_params=pltpu.CompilerParams(use_tc_tiling_on_sc=False),
    )
    us, uv, is_, iv = call(
        uidx, iidx,
        user_scalar_table.reshape(-1), user_vector_table,
        item_scalar_table.reshape(-1), item_vector_table)
    return (us.reshape(B, N, 1), uv.reshape(B, N, 1, D),
            is_.reshape(B, N, 1), iv.reshape(B, N, 1, D))

# --- scband reference (transcript-rebuilt; emitter-appended) ---
"""Pipeline reference for scband-field-embeddings-4320737099864 (READ-ONLY COPY).

The authoritative reference and input builder live on the scoring server;
editing this copy changes nothing except your own understanding.
"""

import jax, jax.numpy as jnp
import numpy as np

VOCAB = 100000
EMB = 64
B, N, L = 4096, 50, 5


def setup_inputs(seed: int = 0) -> dict:
    key = jax.random.key(seed)
    ks = jax.random.split(key, 6)
    user_id = jax.random.randint(ks[0], (B, N, L), 0, VOCAB + 1)
    item_id = jax.random.randint(ks[1], (B, N, L), 0, VOCAB + 1)

    def table(k, d):
        t = jax.random.normal(k, (VOCAB + 1, d), dtype=jnp.float32) * 0.01
        return t.at[0].set(0.0)  # padding_idx=0 row is zeros

    return {
        "user_id": user_id,
        "item_id": item_id,
        "user_scalar_table": table(ks[2], 1),
        "user_vector_table": table(ks[3], EMB),
        "item_scalar_table": table(ks[4], 1),
        "item_vector_table": table(ks[5], EMB),
    }


def _field_emb(values, s_table, v_table):
    # padding_idx=0 semantics: gathered rows at idx 0 contribute zero (row is zero,
    # and masking also blocks gradient flow to row 0 as torch does)
    mask = (values != 0).astype(jnp.float32)[..., None]
    s = jnp.take(s_table, values, axis=0) * mask  # [B, N, L, 1]
    v = jnp.take(v_table, values, axis=0) * mask  # [B, N, L, EMB]
    s = s.reshape(values.shape[0], N, -1)         # [B, N, L]
    v = v.reshape(values.shape[0], N, -1, EMB)    # [B, N, L, EMB]
    # combiner == 'sum'
    s_c = jnp.sum(s, axis=2, keepdims=True)       # [B, N, 1]
    v_c = jnp.sum(v, axis=2, keepdims=True)       # [B, N, 1, EMB]
    return s_c, v_c


def reference(user_id, item_id, user_scalar_table, user_vector_table, item_scalar_table, item_vector_table):
    us, uv = _field_emb(user_id, user_scalar_table, user_vector_table)
    is_, iv = _field_emb(item_id, item_scalar_table, item_vector_table)
    # corresponds to {'scalar': {user_id, item_id}, 'vector': {user_id, item_id}}
    return (us, uv, is_, iv)

if __name__ == "__main__":
    import jax
    _d = setup_inputs()
    print(jax.jit(kernel)(*tuple(_d.values())))

</pallas_src>

<mosaic_0001>
#map = affine_map<(d0, d1) -> (0, 0)>
#map1 = affine_map<(d0, d1) -> (0)>
module attributes {stable_mosaic.version = 14 : i64} {
  func.func @_sc_body(%arg0: i32, %arg1: i32, %arg2: memref<5x204800xi32, #tpu.memory_space<hbm>>, %arg3: memref<5x204800xi32, #tpu.memory_space<hbm>>, %arg4: memref<100001xf32, #tpu.memory_space<hbm>>, %arg5: memref<100001x64xf32, #tpu.memory_space<hbm>>, %arg6: memref<100001xf32, #tpu.memory_space<hbm>>, %arg7: memref<100001x64xf32, #tpu.memory_space<hbm>>, %arg8: memref<204800xf32, #tpu.memory_space<hbm>>, %arg9: memref<204800x64xf32, #tpu.memory_space<hbm>>, %arg10: memref<204800xf32, #tpu.memory_space<hbm>>, %arg11: memref<204800x64xf32, #tpu.memory_space<hbm>>, %arg12: memref<5x128xi32, #tpu.memory_space<vmem>>, %arg13: memref<5x128xi32, #tpu.memory_space<vmem>>, %arg14: memref<5x128x64xf32, #tpu.memory_space<vmem>>, %arg15: memref<5x128x64xf32, #tpu.memory_space<vmem>>, %arg16: memref<5x128xf32, #tpu.memory_space<vmem>>, %arg17: memref<5x128xf32, #tpu.memory_space<vmem>>, %arg18: memref<128x64xf32, #tpu.memory_space<vmem>>, %arg19: memref<128x64xf32, #tpu.memory_space<vmem>>, %arg20: memref<128xf32, #tpu.memory_space<vmem>>, %arg21: memref<128xf32, #tpu.memory_space<vmem>>, %arg22: memref<!tpu.dma_semaphore, #tpu.memory_space<semaphore_mem>>, %arg23: memref<!tpu.dma_semaphore, #tpu.memory_space<semaphore_mem>>, %arg24: memref<!tpu.dma_semaphore, #tpu.memory_space<semaphore_mem>>, %arg25: memref<!tpu.dma_semaphore, #tpu.memory_space<semaphore_mem>>, %arg26: memref<!tpu.dma_semaphore, #tpu.memory_space<semaphore_mem>>, %arg27: memref<!tpu.dma_semaphore, #tpu.memory_space<semaphore_mem>>) attributes {dimension_semantics = [#tpu.dimension_semantics<core_parallel>, #tpu.dimension_semantics<subcore_parallel>], iteration_bounds = array<i64: 2, 16>, scalar_prefetch = 0 : i64, scratch_operands = 16 : i64, tpu.core_type = #tpu.core_type<sc_vector_subcore>, window_params = [{transform_indices = #map}, {transform_indices = #map}, {transform_indices = #map1}, {transform_indices = #map}, {transform_indices = #map1}, {transform_indices = #map}, {transform_indices = #map1}, {transform_indices = #map}, {transform_indices = #map1}, {transform_indices = #map}]} {
    %mul3A = arith.constant 2 : i32
    %mul3A_0 = arith.muli %arg1, %mul3A : i32
    %add3A = arith.addi %mul3A_0, %arg0 : i32
    %mul3A_1 = arith.constant 6400 : i32
    %mul3A_2 = arith.muli %add3A, %mul3A_1 : i32
    %add3A_3 = arith.constant 0 : i32
    %add3A_4 = arith.addi %mul3A_2, %add3A_3 : i32
    %dma_start3A = arith.constant 0 : i32
    %dma_start3A_5 = tpu.memref_slice %arg3[%dma_start3A, %add3A_4] : memref<5x204800xi32, #tpu.memory_space<hbm>> -> memref<5x128xi32, #tpu.memory_space<hbm>>
    %dma_start3A_6 = arith.constant 0 : i32
    %dma_start3A_7 = tpu.memref_slice %arg3[%dma_start3A_6, %add3A_4] : memref<5x204800xi32, #tpu.memory_space<hbm>> -> memref<5x128xi32, #tpu.memory_space<hbm>>
    tpu.enqueue_dma source(%dma_start3A_7 : memref<5x128xi32, #tpu.memory_space<hbm>>) target(%arg13 : memref<5x128xi32, #tpu.memory_space<vmem>>) target_semaphore(%arg25 : memref<!tpu.dma_semaphore, #tpu.memory_space<semaphore_mem>>)
    "tpu.region"() ({
      %run_scoped3A = tpu.sem_alloc : memref<!tpu.dma_semaphore, #tpu.memory_space<semaphore_mem>>
      %dma_start3A_142 = arith.constant 0 : i32
      %dma_start3A_143 = tpu.memref_slice %arg2[%dma_start3A_142, %mul3A_2] : memref<5x204800xi32, #tpu.memory_space<hbm>> -> memref<5x128xi32, #tpu.memory_space<hbm>>
      %dma_start3A_144 = arith.constant 0 : i32
      %dma_start3A_145 = tpu.memref_slice %arg2[%dma_start3A_144, %mul3A_2] : memref<5x204800xi32, #tpu.memory_space<hbm>> -> memref<5x128xi32, #tpu.memory_space<hbm>>
      tpu.enqueue_dma source(%dma_start3A_145 : memref<5x128xi32, #tpu.memory_space<hbm>>) target(%arg12 : memref<5x128xi32, #tpu.memory_space<vmem>>) target_semaphore(%run_scoped3A : memref<!tpu.dma_semaphore, #tpu.memory_space<semaphore_mem>>)
      %dma_wait3A_146 = arith.constant 0 : i32
      %dma_wait3A_147 = tpu.memref_slice %arg2[%dma_wait3A_146, %mul3A_2] : memref<5x204800xi32, #tpu.memory_space<hbm>> -> memref<5x128xi32, #tpu.memory_space<hbm>>
      %dma_wait3A_148 = arith.constant 0 : i32
      %dma_wait3A_149 = tpu.memref_slice %arg2[%dma_wait3A_148, %mul3A_2] : memref<5x204800xi32, #tpu.memory_space<hbm>> -> memref<5x128xi32, #tpu.memory_space<hbm>>
      tpu.wait_dma2 semaphore(%run_scoped3A : memref<!tpu.dma_semaphore, #tpu.memory_space<semaphore_mem>>) src(%dma_wait3A_149 : memref<5x128xi32, #tpu.memory_space<hbm>>) dst(%arg12 : memref<5x128xi32, #tpu.memory_space<vmem>>)
      tpu.yield
    }) : () -> ()
    %dma_start3A_8 = arith.constant 0 : i32
    %dma_start3A_9 = arith.constant 0 : i32
    %dma_start3A_10 = arith.constant 0 : i32
    %dma_start3A_11 = arith.constant 0 : i32
    %dma_start3A_12 = tpu.memref_slice %arg14[%dma_start3A_9, %dma_start3A_10, %dma_start3A_11] : memref<5x128x64xf32, #tpu.memory_space<vmem>> -> memref<1x128x64xf32, #tpu.memory_space<vmem>>
    %dma_start3A_13 = tpu.memref_squeeze %dma_start3A_12 : memref<1x128x64xf32, #tpu.memory_space<vmem>> -> memref<128x64xf32, #tpu.memory_space<vmem>>
    %dma_start3A_14 = arith.constant 0 : i32
    %dma_start3A_15 = tpu.memref_slice %arg12[%dma_start3A_8, %dma_start3A_14] : memref<5x128xi32, #tpu.memory_space<vmem>> -> memref<1x128xi32, #tpu.memory_space<vmem>>
    %dma_start3A_16 = tpu.memref_squeeze %dma_start3A_15 : memref<1x128xi32, #tpu.memory_space<vmem>> -> memref<128xi32, #tpu.memory_space<vmem>>
    %dma_start3A_17 = arith.constant 0 : i32
    %dma_start3A_18 = arith.constant 0 : i32
    %dma_start3A_19 = tpu.memref_slice %arg5[%dma_start3A_17, %dma_start3A_18] : memref<100001x64xf32, #tpu.memory_space<hbm>> -> memref<100001x64xf32, #tpu.memory_space<hbm>>
    tpu.enqueue_indirect_dma source(%dma_start3A_19 : memref<100001x64xf32, #tpu.memory_space<hbm>>) target(%dma_start3A_13 : memref<128x64xf32, #tpu.memory_space<vmem>>) offsets(%dma_start3A_16 : memref<128xi32, #tpu.memory_space<vmem>>) semaphore(%arg22 : memref<!tpu.dma_semaphore, #tpu.memory_space<semaphore_mem>>)
    %dma_start3A_20 = arith.constant 1 : i32
    %dma_start3A_21 = arith.constant 1 : i32
    %dma_start3A_22 = arith.constant 0 : i32
    %dma_start3A_23 = arith.constant 0 : i32
    %dma_start3A_24 = tpu.memref_slice %arg14[%dma_start3A_21, %dma_start3A_22, %dma_start3A_23] : memref<5x128x64xf32, #tpu.memory_space<vmem>> -> memref<1x128x64xf32, #tpu.memory_space<vmem>>
    %dma_start3A_25 = tpu.memref_squeeze %dma_start3A_24 : memref<1x128x64xf32, #tpu.memory_space<vmem>> -> memref<128x64xf32, #tpu.memory_space<vmem>>
    %dma_start3A_26 = arith.constant 0 : i32
    %dma_start3A_27 = tpu.memref_slice %arg12[%dma_start3A_20, %dma_start3A_26] : memref<5x128xi32, #tpu.memory_space<vmem>> -> memref<1x128xi32, #tpu.memory_space<vmem>>
    %dma_start3A_28 = tpu.memref_squeeze %dma_start3A_27 : memref<1x128xi32, #tpu.memory_space<vmem>> -> memref<128xi32, #tpu.memory_space<vmem>>
    %dma_start3A_29 = arith.constant 0 : i32
    %dma_start3A_30 = arith.constant 0 : i32
    %dma_start3A_31 = tpu.memref_slice %arg5[%dma_start3A_29, %dma_start3A_30] : memref<100001x64xf32, #tpu.memory_space<hbm>> -> memref<100001x64xf32, #tpu.memory_space<hbm>>
    tpu.enqueue_indirect_dma source(%dma_start3A_31 : memref<100001x64xf32, #tpu.memory_space<hbm>>) target(%dma_start3A_25 : memref<128x64xf32, #tpu.memory_space<vmem>>) offsets(%dma_start3A_28 : memref<128xi32, #tpu.memory_space<vmem>>) semaphore(%arg22 : memref<!tpu.dma_semaphore, #tpu.memory_space<semaphore_mem>>)
    %dma_start3A_32 = arith.constant 2 : i32
    %dma_start3A_33 = arith.constant 2 : i32
    %dma_start3A_34 = arith.constant 0 : i32
    %dma_start3A_35 = arith.constant 0 : i32
    %dma_start3A_36 = tpu.memref_slice %arg14[%dma_start3A_33, %dma_start3A_34, %dma_start3A_35] : memref<5x128x64xf32, #tpu.memory_space<vmem>> -> memref<1x128x64xf32, #tpu.memory_space<vmem>>
    %dma_start3A_37 = tpu.memref_squeeze %dma_start3A_36 : memref<1x128x64xf32, #tpu.memory_space<vmem>> -> memref<128x64xf32, #tpu.memory_space<vmem>>
    %dma_start3A_38 = arith.constant 0 : i32
    %dma_start3A_39 = tpu.memref_slice %arg12[%dma_start3A_32, %dma_start3A_38] : memref<5x128xi32, #tpu.memory_space<vmem>> -> memref<1x128xi32, #tpu.memory_space<vmem>>
    %dma_start3A_40 = tpu.memref_squeeze %dma_start3A_39 : memref<1x128xi32, #tpu.memory_space<vmem>> -> memref<128xi32, #tpu.memory_space<vmem>>
    %dma_start3A_41 = arith.constant 0 : i32
    %dma_start3A_42 = arith.constant 0 : i32
    %dma_start3A_43 = tpu.memref_slice %arg5[%dma_start3A_41, %dma_start3A_42] : memref<100001x64xf32, #tpu.memory_space<hbm>> -> memref<100001x64xf32, #tpu.memory_space<hbm>>
    tpu.enqueue_indirect_dma source(%dma_start3A_43 : memref<100001x64xf32, #tpu.memory_space<hbm>>) target(%dma_start3A_37 : memref<128x64xf32, #tpu.memory_space<vmem>>) offsets(%dma_start3A_40 : memref<128xi32, #tpu.memory_space<vmem>>) semaphore(%arg22 : memref<!tpu.dma_semaphore, #tpu.memory_space<semaphore_mem>>)
    %dma_start3A_44 = arith.constant 3 : i32
    %dma_start3A_45 = arith.constant 3 : i32
    %dma_start3A_46 = arith.constant 0 : i32
    %dma_start3A_47 = arith.constant 0 : i32
    %dma_start3A_48 = tpu.memref_slice %arg14[%dma_start3A_45, %dma_start3A_46, %dma_start3A_47] : memref<5x128x64xf32, #tpu.memory_space<vmem>> -> memref<1x128x64xf32, #tpu.memory_space<vmem>>
    %dma_start3A_49 = tpu.memref_squeeze %dma_start3A_48 : memref<1x128x64xf32, #tpu.memory_space<vmem>> -> memref<128x64xf32, #tpu.memory_space<vmem>>
    %dma_start3A_50 = arith.constant 0 : i32
    %dma_start3A_51 = tpu.memref_slice %arg12[%dma_start3A_44, %dma_start3A_50] : memref<5x128xi32, #tpu.memory_space<vmem>> -> memref<1x128xi32, #tpu.memory_space<vmem>>
    %dma_start3A_52 = tpu.memref_squeeze %dma_start3A_51 : memref<1x128xi32, #tpu.memory_space<vmem>> -> memref<128xi32, #tpu.memory_space<vmem>>
    %dma_start3A_53 = arith.constant 0 : i32
    %dma_start3A_54 = arith.constant 0 : i32
    %dma_start3A_55 = tpu.memref_slice %arg5[%dma_start3A_53, %dma_start3A_54] : memref<100001x64xf32, #tpu.memory_space<hbm>> -> memref<100001x64xf32, #tpu.memory_space<hbm>>
    tpu.enqueue_indirect_dma source(%dma_start3A_55 : memref<100001x64xf32, #tpu.memory_space<hbm>>) target(%dma_start3A_49 : memref<128x64xf32, #tpu.memory_space<vmem>>) offsets(%dma_start3A_52 : memref<128xi32, #tpu.memory_space<vmem>>) semaphore(%arg22 : memref<!tpu.dma_semaphore, #tpu.memory_space<semaphore_mem>>)
    %dma_start3A_56 = arith.constant 4 : i32
    %dma_start3A_57 = arith.constant 4 : i32
    %dma_start3A_58 = arith.constant 0 : i32
    %dma_start3A_59 = arith.constant 0 : i32
    %dma_start3A_60 = tpu.memref_slice %arg14[%dma_start3A_57, %dma_start3A_58, %dma_start3A_59] : memref<5x128x64xf32, #tpu.memory_space<vmem>> -> memref<1x128x64xf32, #tpu.memory_space<vmem>>
    %dma_start3A_61 = tpu.memref_squeeze %dma_start3A_60 : memref<1x128x64xf32, #tpu.memory_space<vmem>> -> memref<128x64xf32, #tpu.memory_space<vmem>>
    %dma_start3A_62 = arith.constant 0 : i32
    %dma_start3A_63 = tpu.memref_slice %arg12[%dma_start3A_56, %dma_start3A_62] : memref<5x128xi32, #tpu.memory_space<vmem>> -> memref<1x128xi32, #tpu.memory_space<vmem>>
    %dma_start3A_64 = tpu.memref_squeeze %dma_start3A_63 : memref<1x128xi32, #tpu.memory_space<vmem>> -> memref<128xi32, #tpu.memory_space<vmem>>
    %dma_start3A_65 = arith.constant 0 : i32
    %dma_start3A_66 = arith.constant 0 : i32
    %dma_start3A_67 = tpu.memref_slice %arg5[%dma_start3A_65, %dma_start3A_66] : memref<100001x64xf32, #tpu.memory_space<hbm>> -> memref<100001x64xf32, #tpu.memory_space<hbm>>
    tpu.enqueue_indirect_dma source(%dma_start3A_67 : memref<100001x64xf32, #tpu.memory_space<hbm>>) target(%dma_start3A_61 : memref<128x64xf32, #tpu.memory_space<vmem>>) offsets(%dma_start3A_64 : memref<128xi32, #tpu.memory_space<vmem>>) semaphore(%arg22 : memref<!tpu.dma_semaphore, #tpu.memory_space<semaphore_mem>>)
    %dma_start3A_68 = arith.constant 0 : i32
    %dma_start3A_69 = arith.constant 0 : i32
    %dma_start3A_70 = arith.constant 0 : i32
    %dma_start3A_71 = tpu.memref_slice %arg16[%dma_start3A_69, %dma_start3A_70] : memref<5x128xf32, #tpu.memory_space<vmem>> -> memref<1x128xf32, #tpu.memory_space<vmem>>
    %dma_start3A_72 = tpu.memref_squeeze %dma_start3A_71 : memref<1x128xf32, #tpu.memory_space<vmem>> -> memref<128xf32, #tpu.memory_space<vmem>>
    %dma_start3A_73 = arith.constant 0 : i32
    %dma_start3A_74 = tpu.memref_slice %arg12[%dma_start3A_68, %dma_start3A_73] : memref<5x128xi32, #tpu.memory_space<vmem>> -> memref<1x128xi32, #tpu.memory_space<vmem>>
    %dma_start3A_75 = tpu.memref_squeeze %dma_start3A_74 : memref<1x128xi32, #tpu.memory_space<vmem>> -> memref<128xi32, #tpu.memory_space<vmem>>
    %dma_start3A_76 = arith.constant 0 : i32
    %dma_start3A_77 = tpu.memref_slice %arg4[%dma_start3A_76] : memref<100001xf32, #tpu.memory_space<hbm>> -> memref<100001xf32, #tpu.memory_space<hbm>>
    tpu.enqueue_indirect_dma source(%dma_start3A_77 : memref<100001xf32, #tpu.memory_space<hbm>>) target(%dma_start3A_72 : memref<128xf32, #tpu.memory_space<vmem>>) offsets(%dma_start3A_75 : memref<128xi32, #tpu.memory_space<vmem>>) semaphore(%arg22 : memref<!tpu.dma_semaphore, #tpu.memory_space<semaphore_mem>>)
    %dma_start3A_78 = arith.constant 1 : i32
    %dma_start3A_79 = arith.constant 1 : i32
    %dma_start3A_80 = arith.constant 0 : i32
    %dma_start3A_81 = tpu.memref_slice %arg16[%dma_start3A_79, %dma_start3A_80] : memref<5x128xf32, #tpu.memory_space<vmem>> -> memref<1x128xf32, #tpu.memory_space<vmem>>
    %dma_start3A_82 = tpu.memref_squeeze %dma_start3A_81 : memref<1x128xf32, #tpu.memory_space<vmem>> -> memref<128xf32, #tpu.memory_space<vmem>>
    %dma_start3A_83 = arith.constant 0 : i32
    %dma_start3A_84 = tpu.memref_slice %arg12[%dma_start3A_78, %dma_start3A_83] : memref<5x128xi32, #tpu.memory_space<vmem>> -> memref<1x128xi32, #tpu.memory_space<vmem>>
    %dma_start3A_85 = tpu.memref_squeeze %dma_start3A_84 : memref<1x128xi32, #tpu.memory_space<vmem>> -> memref<128xi32, #tpu.memory_space<vmem>>
    %dma_start3A_86 = arith.constant 0 : i32
    %dma_start3A_87 = tpu.memref_slice %arg4[%dma_start3A_86] : memref<100001xf32, #tpu.memory_space<hbm>> -> memref<100001xf32, #tpu.memory_space<hbm>>
    tpu.enqueue_indirect_dma source(%dma_start3A_87 : memref<100001xf32, #tpu.memory_space<hbm>>) target(%dma_start3A_82 : memref<128xf32, #tpu.memory_space<vmem>>) offsets(%dma_start3A_85 : memref<128xi32, #tpu.memory_space<vmem>>) semaphore(%arg22 : memref<!tpu.dma_semaphore, #tpu.memory_space<semaphore_mem>>)
    %dma_start3A_88 = arith.constant 2 : i32
    %dma_start3A_89 = arith.constant 2 : i32
    %dma_start3A_90 = arith.constant 0 : i32
    %dma_start3A_91 = tpu.memref_slice %arg16[%dma_start3A_89, %dma_start3A_90] : memref<5x128xf32, #tpu.memory_space<vmem>> -> memref<1x128xf32, #tpu.memory_space<vmem>>
    %dma_start3A_92 = tpu.memref_squeeze %dma_start3A_91 : memref<1x128xf32, #tpu.memory_space<vmem>> -> memref<128xf32, #tpu.memory_space<vmem>>
    %dma_start3A_93 = arith.constant 0 : i32
    %dma_start3A_94 = tpu.memref_slice %arg12[%dma_start3A_88, %dma_start3A_93] : memref<5x128xi32, #tpu.memory_space<vmem>> -> memref<1x128xi32, #tpu.memory_space<vmem>>
    %dma_start3A_95 = tpu.memref_squeeze %dma_start3A_94 : memref<1x128xi32, #tpu.memory_space<vmem>> -> memref<128xi32, #tpu.memory_space<vmem>>
    %dma_start3A_96 = arith.constant 0 : i32
    %dma_start3A_97 = tpu.memref_slice %arg4[%dma_start3A_96] : memref<100001xf32, #tpu.memory_space<hbm>> -> memref<100001xf32, #tpu.memory_space<hbm>>
    tpu.enqueue_indirect_dma source(%dma_start3A_97 : memref<100001xf32, #tpu.memory_space<hbm>>) target(%dma_start3A_92 : memref<128xf32, #tpu.memory_space<vmem>>) offsets(%dma_start3A_95 : memref<128xi32, #tpu.memory_space<vmem>>) semaphore(%arg22 : memref<!tpu.dma_semaphore, #tpu.memory_space<semaphore_mem>>)
    %dma_start3A_98 = arith.constant 3 : i32
    %dma_start3A_99 = arith.constant 3 : i32
    %dma_start3A_100 = arith.constant 0 : i32
    %dma_start3A_101 = tpu.memref_slice %arg16[%dma_start3A_99, %dma_start3A_100] : memref<5x128xf32, #tpu.memory_space<vmem>> -> memref<1x128xf32, #tpu.memory_space<vmem>>
    %dma_start3A_102 = tpu.memref_squeeze %dma_start3A_101 : memref<1x128xf32, #tpu.memory_space<vmem>> -> memref<128xf32, #tpu.memory_space<vmem>>
    %dma_start3A_103 = arith.constant 0 : i32
    %dma_start3A_104 = tpu.memref_slice %arg12[%dma_start3A_98, %dma_start3A_103] : memref<5x128xi32, #tpu.memory_space<vmem>> -> memref<1x128xi32, #tpu.memory_space<vmem>>
    %dma_start3A_105 = tpu.memref_squeeze %dma_start3A_104 : memref<1x128xi32, #tpu.memory_space<vmem>> -> memref<128xi32, #tpu.memory_space<vmem>>
    %dma_start3A_106 = arith.constant 0 : i32
    %dma_start3A_107 = tpu.memref_slice %arg4[%dma_start3A_106] : memref<100001xf32, #tpu.memory_space<hbm>> -> memref<100001xf32, #tpu.memory_space<hbm>>
    tpu.enqueue_indirect_dma source(%dma_start3A_107 : memref<100001xf32, #tpu.memory_space<hbm>>) target(%dma_start3A_102 : memref<128xf32, #tpu.memory_space<vmem>>) offsets(%dma_start3A_105 : memref<128xi32, #tpu.memory_space<vmem>>) semaphore(%arg22 : memref<!tpu.dma_semaphore, #tpu.memory_space<semaphore_mem>>)
    %dma_start3A_108 = arith.constant 4 : i32
    %dma_start3A_109 = arith.constant 4 : i32
    %dma_start3A_110 = arith.constant 0 : i32
    %dma_start3A_111 = tpu.memref_slice %arg16[%dma_start3A_109, %dma_start3A_110] : memref<5x128xf32, #tpu.memory_space<vmem>> -> memref<1x128xf32, #tpu.memory_space<vmem>>
    %dma_start3A_112 = tpu.memref_squeeze %dma_start3A_111 : memref<1x128xf32, #tpu.memory_space<vmem>> -> memref<128xf32, #tpu.memory_space<vmem>>
    %dma_start3A_113 = arith.constant 0 : i32
    %dma_start3A_114 = tpu.memref_slice %arg12[%dma_start3A_108, %dma_start3A_113] : memref<5x128xi32, #tpu.memory_space<vmem>> -> memref<1x128xi32, #tpu.memory_space<vmem>>
    %dma_start3A_115 = tpu.memref_squeeze %dma_start3A_114 : memref<1x128xi32, #tpu.memory_space<vmem>> -> memref<128xi32, #tpu.memory_space<vmem>>
    %dma_start3A_116 = arith.constant 0 : i32
    %dma_start3A_117 = tpu.memref_slice %arg4[%dma_start3A_116] : memref<100001xf32, #tpu.memory_space<hbm>> -> memref<100001xf32, #tpu.memory_space<hbm>>
    tpu.enqueue_indirect_dma source(%dma_start3A_117 : memref<100001xf32, #tpu.memory_space<hbm>>) target(%dma_start3A_112 : memref<128xf32, #tpu.memory_space<vmem>>) offsets(%dma_start3A_115 : memref<128xi32, #tpu.memory_space<vmem>>) semaphore(%arg22 : memref<!tpu.dma_semaphore, #tpu.memory_space<semaphore_mem>>)
    %scan3A = arith.constant 0 : i32
    %scan3A_118 = arith.constant 0 : i32
    %scan3A_119 = arith.constant 50 : i32
    %scan3A_120 = arith.addi %scan3A_118, %scan3A_119 : i32
    %scan3A_121 = arith.constant 1 : i32
    scf.for %scan3A_142 = %scan3A_118 to %scan3A_120 step %scan3A_121  : i32 {
      %dma_wait3A_143 = arith.constant 0 : i32
      %dma_wait3A_144 = arith.constant 0 : i32
      %dma_wait3A_145 = arith.constant 0 : i32
      %dma_wait3A_146 = tpu.memref_slice %arg14[%dma_wait3A_143, %dma_wait3A_144, %dma_wait3A_145] : memref<5x128x64xf32, #tpu.memory_space<vmem>> -> memref<1x128x64xf32, #tpu.memory_space<vmem>>
      %dma_wait3A_147 = tpu.memref_squeeze %dma_wait3A_146 : memref<1x128x64xf32, #tpu.memory_space<vmem>> -> memref<128x64xf32, #tpu.memory_space<vmem>>
      %dma_wait3A_148 = arith.constant 0 : i32
      %dma_wait3A_149 = arith.constant 0 : i32
      %dma_wait3A_150 = tpu.memref_slice %arg5[%dma_wait3A_148, %dma_wait3A_149] : memref<100001x64xf32, #tpu.memory_space<hbm>> -> memref<128x64xf32, #tpu.memory_space<hbm>>
      %dma_wait3A_151 = arith.constant 0 : i32
      %dma_wait3A_152 = arith.constant 0 : i32
      %dma_wait3A_153 = tpu.memref_slice %arg14[%dma_wait3A_143, %dma_wait3A_151, %dma_wait3A_152] : memref<5x128x64xf32, #tpu.memory_space<vmem>> -> memref<1x128x64xf32, #tpu.memory_space<vmem>>
      %dma_wait3A_154 = tpu.memref_squeeze %dma_wait3A_153 : memref<1x128x64xf32, #tpu.memory_space<vmem>> -> memref<128x64xf32, #tpu.memory_space<vmem>>
      %dma_wait3A_155 = arith.constant 0 : i32
      %dma_wait3A_156 = arith.constant 0 : i32
      %dma_wait3A_157 = tpu.memref_slice %arg5[%dma_wait3A_155, %dma_wait3A_156] : memref<100001x64xf32, #tpu.memory_space<hbm>> -> memref<128x64xf32, #tpu.memory_space<hbm>>
      tpu.wait_dma2 semaphore(%arg22 : memref<!tpu.dma_semaphore, #tpu.memory_space<semaphore_mem>>) src(%dma_wait3A_157 : memref<128x64xf32, #tpu.memory_space<hbm>>) dst(%dma_wait3A_154 : memref<128x64xf32, #tpu.memory_space<vmem>>)
      %dma_wait3A_158 = arith.constant 1 : i32
      %dma_wait3A_159 = arith.constant 0 : i32
      %dma_wait3A_160 = arith.constant 0 : i32
      %dma_wait3A_161 = tpu.memref_slice %arg14[%dma_wait3A_158, %dma_wait3A_159, %dma_wait3A_160] : memref<5x128x64xf32, #tpu.memory_space<vmem>> -> memref<1x128x64xf32, #tpu.memory_space<vmem>>
      %dma_wait3A_162 = tpu.memref_squeeze %dma_wait3A_161 : memref<1x128x64xf32, #tpu.memory_space<vmem>> -> memref<128x64xf32, #tpu.memory_space<vmem>>
      %dma_wait3A_163 = arith.constant 0 : i32
      %dma_wait3A_164 = arith.constant 0 : i32
      %dma_wait3A_165 = tpu.memref_slice %arg5[%dma_wait3A_163, %dma_wait3A_164] : memref<100001x64xf32, #tpu.memory_space<hbm>> -> memref<128x64xf32, #tpu.memory_space<hbm>>
      %dma_wait3A_166 = arith.constant 0 : i32
      %dma_wait3A_167 = arith.constant 0 : i32
      %dma_wait3A_168 = tpu.memref_slice %arg14[%dma_wait3A_158, %dma_wait3A_166, %dma_wait3A_167] : memref<5x128x64xf32, #tpu.memory_space<vmem>> -> memref<1x128x64xf32, #tpu.memory_space<vmem>>
      %dma_wait3A_169 = tpu.memref_squeeze %dma_wait3A_168 : memref<1x128x64xf32, #tpu.memory_space<vmem>> -> memref<128x64xf32, #tpu.memory_space<vmem>>
      %dma_wait3A_170 = arith.constant 0 : i32
      %dma_wait3A_171 = arith.constant 0 : i32
      %dma_wait3A_172 = tpu.memref_slice %arg5[%dma_wait3A_170, %dma_wait3A_171] : memref<100001x64xf32, #tpu.memory_space<hbm>> -> memref<128x64xf32, #tpu.memory_space<hbm>>
      tpu.wait_dma2 semaphore(%arg22 : memref<!tpu.dma_semaphore, #tpu.memory_space<semaphore_mem>>) src(%dma_wait3A_172 : memref<128x64xf32, #tpu.memory_space<hbm>>) dst(%dma_wait3A_169 : memref<128x64xf32, #tpu.memory_space<vmem>>)
      %dma_wait3A_173 = arith.constant 2 : i32
      %dma_wait3A_174 = arith.constant 0 : i32
      %dma_wait3A_175 = arith.constant 0 : i32
      %dma_wait3A_176 = tpu.memref_slice %arg14[%dma_wait3A_173, %dma_wait3A_174, %dma_wait3A_175] : memref<5x128x64xf32, #tpu.memory_space<vmem>> -> memref<1x128x64xf32, #tpu.memory_space<vmem>>
      %dma_wait3A_177 = tpu.memref_squeeze %dma_wait3A_176 : memref<1x128x64xf32, #tpu.memory_space<vmem>> -> memref<128x64xf32, #tpu.memory_space<vmem>>
      %dma_wait3A_178 = arith.constant 0 : i32
      %dma_wait3A_179 = arith.constant 0 : i32
      %dma_wait3A_180 = tpu.memref_slice %arg5[%dma_wait3A_178, %dma_wait3A_179] : memref<100001x64xf32, #tpu.memory_space<hbm>> -> memref<128x64xf32, #tpu.memory_space<hbm>>
      %dma_wait3A_181 = arith.constant 0 : i32
      %dma_wait3A_182 = arith.constant 0 : i32
      %dma_wait3A_183 = tpu.memref_slice %arg14[%dma_wait3A_173, %dma_wait3A_181, %dma_wait3A_182] : memref<5x128x64xf32, #tpu.memory_space<vmem>> -> memref<1x128x64xf32, #tpu.memory_space<vmem>>
      %dma_wait3A_184 = tpu.memref_squeeze %dma_wait3A_183 : memref<1x128x64xf32, #tpu.memory_space<vmem>> -> memref<128x64xf32, #tpu.memory_space<vmem>>
      %dma_wait3A_185 = arith.constant 0 : i32
      %dma_wait3A_186 = arith.constant 0 : i32
      %dma_wait3A_187 = tpu.memref_slice %arg5[%dma_wait3A_185, %dma_wait3A_186] : memref<100001x64xf32, #tpu.memory_space<hbm>> -> memref<128x64xf32, #tpu.memory_space<hbm>>
      tpu.wait_dma2 semaphore(%arg22 : memref<!tpu.dma_semaphore, #tpu.memory_space<semaphore_mem>>) src(%dma_wait3A_187 : memref<128x64xf32, #tpu.memory_space<hbm>>) dst(%dma_wait3A_184 : memref<128x64xf32, #tpu.memory_space<vmem>>)
      %dma_wait3A_188 = arith.constant 3 : i32
      %dma_wait3A_189 = arith.constant 0 : i32
      %dma_wait3A_190 = arith.constant 0 : i32
      %dma_wait3A_191 = tpu.memref_slice %arg14[%dma_wait3A_188, %dma_wait3A_189, %dma_wait3A_190] : memref<5x128x64xf32, #tpu.memory_space<vmem>> -> memref<1x128x64xf32, #tpu.memory_space<vmem>>
      %dma_wait3A_192 = tpu.memref_squeeze %dma_wait3A_191 : memref<1x128x64xf32, #tpu.memory_space<vmem>> -> memref<128x64xf32, #tpu.memory_space<vmem>>
      %dma_wait3A_193 = arith.constant 0 : i32
      %dma_wait3A_194 = arith.constant 0 : i32
      %dma_wait3A_195 = tpu.memref_slice %arg5[%dma_wait3A_193, %dma_wait3A_194] : memref<100001x64xf32, #tpu.memory_space<hbm>> -> memref<128x64xf32, #tpu.memory_space<hbm>>
      %dma_wait3A_196 = arith.constant 0 : i32
      %dma_wait3A_197 = arith.constant 0 : i32
      %dma_wait3A_198 = tpu.memref_slice %arg14[%dma_wait3A_188, %dma_wait3A_196, %dma_wait3A_197] : memref<5x128x64xf32, #tpu.memory_space<vmem>> -> memref<1x128x64xf32, #tpu.memory_space<vmem>>
      %dma_wait3A_199 = tpu.memref_squeeze %dma_wait3A_198 : memref<1x128x64xf32, #tpu.memory_space<vmem>> -> memref<128x64xf32, #tpu.memory_space<vmem>>
      %dma_wait3A_200 = arith.constant 0 : i32
      %dma_wait3A_201 = arith.constant 0 : i32
      %dma_wait3A_202 = tpu.memref_slice %arg5[%dma_wait3A_200, %dma_wait3A_201] : memref<100001x64xf32, #tpu.memory_space<hbm>> -> memref<128x64xf32, #tpu.memory_space<hbm>>
      tpu.wait_dma2 semaphore(%arg22 : memref<!tpu.dma_semaphore, #tpu.memory_space<semaphore_mem>>) src(%dma_wait3A_202 : memref<128x64xf32, #tpu.memory_space<hbm>>) dst(%dma_wait3A_199 : memref<128x64xf32, #tpu.memory_space<vmem>>)
      %dma_wait3A_203 = arith.constant 4 : i32
      %dma_wait3A_204 = arith.constant 0 : i32
      %dma_wait3A_205 = arith.constant 0 : i32
      %dma_wait3A_206 = tpu.memref_slice %arg14[%dma_wait3A_203, %dma_wait3A_204, %dma_wait3A_205] : memref<5x128x64xf32, #tpu.memory_space<vmem>> -> memref<1x128x64xf32, #tpu.memory_space<vmem>>
      %dma_wait3A_207 = tpu.memref_squeeze %dma_wait3A_206 : memref<1x128x64xf32, #tpu.memory_space<vmem>> -> memref<128x64xf32, #tpu.memory_space<vmem>>
      %dma_wait3A_208 = arith.constant 0 : i32
      %dma_wait3A_209 = arith.constant 0 : i32
      %dma_wait3A_210 = tpu.memref_slice %arg5[%dma_wait3A_208, %dma_wait3A_209] : memref<100001x64xf32, #tpu.memory_space<hbm>> -> memref<128x64xf32, #tpu.memory_space<hbm>>
      %dma_wait3A_211 = arith.constant 0 : i32
      %dma_wait3A_212 = arith.constant 0 : i32
      %dma_wait3A_213 = tpu.memref_slice %arg14[%dma_wait3A_203, %dma_wait3A_211, %dma_wait3A_212] : memref<5x128x64xf32, #tpu.memory_space<vmem>> -> memref<1x128x64xf32, #tpu.memory_space<vmem>>
      %dma_wait3A_214 = tpu.memref_squeeze %dma_wait3A_213 : memref<1x128x64xf32, #tpu.memory_space<vmem>> -> memref<128x64xf32, #tpu.memory_space<vmem>>
      %dma_wait3A_215 = arith.constant 0 : i32
      %dma_wait3A_216 = arith.constant 0 : i32
      %dma_wait3A_217 = tpu.memref_slice %arg5[%dma_wait3A_215, %dma_wait3A_216] : memref<100001x64xf32, #tpu.memory_space<hbm>> -> memref<128x64xf32, #tpu.memory_space<hbm>>
      tpu.wait_dma2 semaphore(%arg22 : memref<!tpu.dma_semaphore, #tpu.memory_space<semaphore_mem>>) src(%dma_wait3A_217 : memref<128x64xf32, #tpu.memory_space<hbm>>) dst(%dma_wait3A_214 : memref<128x64xf32, #tpu.memory_space<vmem>>)
      %dma_wait3A_218 = arith.constant 0 : i32
      %dma_wait3A_219 = arith.constant 0 : i32
      %dma_wait3A_220 = tpu.memref_slice %arg16[%dma_wait3A_218, %dma_wait3A_219] : memref<5x128xf32, #tpu.memory_space<vmem>> -> memref<1x128xf32, #tpu.memory_space<vmem>>
      %dma_wait3A_221 = tpu.memref_squeeze %dma_wait3A_220 : memref<1x128xf32, #tpu.memory_space<vmem>> -> memref<128xf32, #tpu.memory_space<vmem>>
      %dma_wait3A_222 = arith.constant 0 : i32
      %dma_wait3A_223 = tpu.memref_slice %arg4[%dma_wait3A_222] : memref<100001xf32, #tpu.memory_space<hbm>> -> memref<128xf32, #tpu.memory_space<hbm>>
      %dma_wait3A_224 = arith.constant 0 : i32
      %dma_wait3A_225 = tpu.memref_slice %arg16[%dma_wait3A_218, %dma_wait3A_224] : memref<5x128xf32, #tpu.memory_space<vmem>> -> memref<1x128xf32, #tpu.memory_space<vmem>>
      %dma_wait3A_226 = tpu.memref_squeeze %dma_wait3A_225 : memref<1x128xf32, #tpu.memory_space<vmem>> -> memref<128xf32, #tpu.memory_space<vmem>>
      %dma_wait3A_227 = arith.constant 0 : i32
      %dma_wait3A_228 = tpu.memref_slice %arg4[%dma_wait3A_227] : memref<100001xf32, #tpu.memory_space<hbm>> -> memref<128xf32, #tpu.memory_space<hbm>>
      tpu.wait_dma2 semaphore(%arg22 : memref<!tpu.dma_semaphore, #tpu.memory_space<semaphore_mem>>) src(%dma_wait3A_228 : memref<128xf32, #tpu.memory_space<hbm>>) dst(%dma_wait3A_226 : memref<128xf32, #tpu.memory_space<vmem>>)
      %dma_wait3A_229 = arith.constant 1 : i32
      %dma_wait3A_230 = arith.constant 0 : i32
      %dma_wait3A_231 = tpu.memref_slice %arg16[%dma_wait3A_229, %dma_wait3A_230] : memref<5x128xf32, #tpu.memory_space<vmem>> -> memref<1x128xf32, #tpu.memory_space<vmem>>
      %dma_wait3A_232 = tpu.memref_squeeze %dma_wait3A_231 : memref<1x128xf32, #tpu.memory_space<vmem>> -> memref<128xf32, #tpu.memory_space<vmem>>
      %dma_wait3A_233 = arith.constant 0 : i32
      %dma_wait3A_234 = tpu.memref_slice %arg4[%dma_wait3A_233] : memref<100001xf32, #tpu.memory_space<hbm>> -> memref<128xf32, #tpu.memory_space<hbm>>
      %dma_wait3A_235 = arith.constant 0 : i32
      %dma_wait3A_236 = tpu.memref_slice %arg16[%dma_wait3A_229, %dma_wait3A_235] : memref<5x128xf32, #tpu.memory_space<vmem>> -> memref<1x128xf32, #tpu.memory_space<vmem>>
      %dma_wait3A_237 = tpu.memref_squeeze %dma_wait3A_236 : memref<1x128xf32, #tpu.memory_space<vmem>> -> memref<128xf32, #tpu.memory_space<vmem>>
      %dma_wait3A_238 = arith.constant 0 : i32
      %dma_wait3A_239 = tpu.memref_slice %arg4[%dma_wait3A_238] : memref<100001xf32, #tpu.memory_space<hbm>> -> memref<128xf32, #tpu.memory_space<hbm>>
      tpu.wait_dma2 semaphore(%arg22 : memref<!tpu.dma_semaphore, #tpu.memory_space<semaphore_mem>>) src(%dma_wait3A_239 : memref<128xf32, #tpu.memory_space<hbm>>) dst(%dma_wait3A_237 : memref<128xf32, #tpu.memory_space<vmem>>)
      %dma_wait3A_240 = arith.constant 2 : i32
      %dma_wait3A_241 = arith.constant 0 : i32
      %dma_wait3A_242 = tpu.memref_slice %arg16[%dma_wait3A_240, %dma_wait3A_241] : memref<5x128xf32, #tpu.memory_space<vmem>> -> memref<1x128xf32, #tpu.memory_space<vmem>>
      %dma_wait3A_243 = tpu.memref_squeeze %dma_wait3A_242 : memref<1x128xf32, #tpu.memory_space<vmem>> -> memref<128xf32, #tpu.memory_space<vmem>>
      %dma_wait3A_244 = arith.constant 0 : i32
      %dma_wait3A_245 = tpu.memref_slice %arg4[%dma_wait3A_244] : memref<100001xf32, #tpu.memory_space<hbm>> -> memref<128xf32, #tpu.memory_space<hbm>>
      %dma_wait3A_246 = arith.constant 0 : i32
      %dma_wait3A_247 = tpu.memref_slice %arg16[%dma_wait3A_240, %dma_wait3A_246] : memref<5x128xf32, #tpu.memory_space<vmem>> -> memref<1x128xf32, #tpu.memory_space<vmem>>
      %dma_wait3A_248 = tpu.memref_squeeze %dma_wait3A_247 : memref<1x128xf32, #tpu.memory_space<vmem>> -> memref<128xf32, #tpu.memory_space<vmem>>
      %dma_wait3A_249 = arith.constant 0 : i32
      %dma_wait3A_250 = tpu.memref_slice %arg4[%dma_wait3A_249] : memref<100001xf32, #tpu.memory_space<hbm>> -> memref<128xf32, #tpu.memory_space<hbm>>
      tpu.wait_dma2 semaphore(%arg22 : memref<!tpu.dma_semaphore, #tpu.memory_space<semaphore_mem>>) src(%dma_wait3A_250 : memref<128xf32, #tpu.memory_space<hbm>>) dst(%dma_wait3A_248 : memref<128xf32, #tpu.memory_space<vmem>>)
      %dma_wait3A_251 = arith.constant 3 : i32
      %dma_wait3A_252 = arith.constant 0 : i32
      %dma_wait3A_253 = tpu.memref_slice %arg16[%dma_wait3A_251, %dma_wait3A_252] : memref<5x128xf32, #tpu.memory_space<vmem>> -> memref<1x128xf32, #tpu.memory_space<vmem>>
      %dma_wait3A_254 = tpu.memref_squeeze %dma_wait3A_253 : memref<1x128xf32, #tpu.memory_space<vmem>> -> memref<128xf32, #tpu.memory_space<vmem>>
      %dma_wait3A_255 = arith.constant 0 : i32
      %dma_wait3A_256 = tpu.memref_slice %arg4[%dma_wait3A_255] : memref<100001xf32, #tpu.memory_space<hbm>> -> memref<128xf32, #tpu.memory_space<hbm>>
      %dma_wait3A_257 = arith.constant 0 : i32
      %dma_wait3A_258 = tpu.memref_slice %arg16[%dma_wait3A_251, %dma_wait3A_257] : memref<5x128xf32, #tpu.memory_space<vmem>> -> memref<1x128xf32, #tpu.memory_space<vmem>>
      %dma_wait3A_259 = tpu.memref_squeeze %dma_wait3A_258 : memref<1x128xf32, #tpu.memory_space<vmem>> -> memref<128xf32, #tpu.memory_space<vmem>>
      %dma_wait3A_260 = arith.constant 0 : i32
      %dma_wait3A_261 = tpu.memref_slice %arg4[%dma_wait3A_260] : memref<100001xf32, #tpu.memory_space<hbm>> -> memref<128xf32, #tpu.memory_space<hbm>>
      tpu.wait_dma2 semaphore(%arg22 : memref<!tpu.dma_semaphore, #tpu.memory_space<semaphore_mem>>) src(%dma_wait3A_261 : memref<128xf32, #tpu.memory_space<hbm>>) dst(%dma_wait3A_259 : memref<128xf32, #tpu.memory_space<vmem>>)
      %dma_wait3A_262 = arith.constant 4 : i32
      %dma_wait3A_263 = arith.constant 0 : i32
      %dma_wait3A_264 = tpu.memref_slice %arg16[%dma_wait3A_262, %dma_wait3A_263] : memref<5x128xf32, #tpu.memory_space<vmem>> -> memref<1x128xf32, #tpu.memory_space<vmem>>
      %dma_wait3A_265 = tpu.memref_squeeze %dma_wait3A_264 : memref<1x128xf32, #tpu.memory_space<vmem>> -> memref<128xf32, #tpu.memory_space<vmem>>
      %dma_wait3A_266 = arith.constant 0 : i32
      %dma_wait3A_267 = tpu.memref_slice %arg4[%dma_wait3A_266] : memref<100001xf32, #tpu.memory_space<hbm>> -> memref<128xf32, #tpu.memory_space<hbm>>
      %dma_wait3A_268 = arith.constant 0 : i32
      %dma_wait3A_269 = tpu.memref_slice %arg16[%dma_wait3A_262, %dma_wait3A_268] : memref<5x128xf32, #tpu.memory_space<vmem>> -> memref<1x128xf32, #tpu.memory_space<vmem>>
      %dma_wait3A_270 = tpu.memref_squeeze %dma_wait3A_269 : memref<1x128xf32, #tpu.memory_space<vmem>> -> memref<128xf32, #tpu.memory_space<vmem>>
      %dma_wait3A_271 = arith.constant 0 : i32
      %dma_wait3A_272 = tpu.memref_slice %arg4[%dma_wait3A_271] : memref<100001xf32, #tpu.memory_space<hbm>> -> memref<128xf32, #tpu.memory_space<hbm>>
      tpu.wait_dma2 semaphore(%arg22 : memref<!tpu.dma_semaphore, #tpu.memory_space<semaphore_mem>>) src(%dma_wait3A_272 : memref<128xf32, #tpu.memory_space<hbm>>) dst(%dma_wait3A_270 : memref<128xf32, #tpu.memory_space<vmem>>)
      %lt3A = arith.constant 49 : i32
      %lt3A_273 = arith.cmpi slt, %scan3A_142, %lt3A : i32
      %convert_element_type3A = arith.extui %lt3A_273 : i1 to i32
      %cond3A = arith.constant 0 : i32
      %cond3A_274 = arith.cmpi ne, %convert_element_type3A, %cond3A : i32
      scf.if %cond3A_274 {
        %add3A_577 = arith.constant 1 : i32
        %add3A_578 = arith.addi %scan3A_142, %add3A_577 : i32
        %mul3A_579 = arith.constant 128 : i32
        %mul3A_580 = arith.muli %add3A_578, %mul3A_579 : i32
        %add3A_581 = arith.addi %mul3A_2, %mul3A_580 : i32
        %dma_start3A_582 = arith.constant 0 : i32
        %dma_start3A_583 = tpu.memref_slice %arg2[%dma_start3A_582, %add3A_581] : memref<5x204800xi32, #tpu.memory_space<hbm>> -> memref<5x128xi32, #tpu.memory_space<hbm>>
        %dma_start3A_584 = arith.constant 0 : i32
        %dma_start3A_585 = tpu.memref_slice %arg2[%dma_start3A_584, %add3A_581] : memref<5x204800xi32, #tpu.memory_space<hbm>> -> memref<5x128xi32, #tpu.memory_space<hbm>>
        tpu.enqueue_dma source(%dma_start3A_585 : memref<5x128xi32, #tpu.memory_space<hbm>>) target(%arg12 : memref<5x128xi32, #tpu.memory_space<vmem>>) target_semaphore(%arg24 : memref<!tpu.dma_semaphore, #tpu.memory_space<semaphore_mem>>)
      } else {
      }
      %dma_wait3A_275 = arith.constant 0 : i32
      %dma_wait3A_276 = arith.constant 0 : i32
      %dma_wait3A_277 = tpu.memref_slice %arg3[%dma_wait3A_275, %dma_wait3A_276] : memref<5x204800xi32, #tpu.memory_space<hbm>> -> memref<5x128xi32, #tpu.memory_space<hbm>>
      %dma_wait3A_278 = arith.constant 0 : i32
      %dma_wait3A_279 = arith.constant 0 : i32
      %dma_wait3A_280 = tpu.memref_slice %arg3[%dma_wait3A_278, %dma_wait3A_279] : memref<5x204800xi32, #tpu.memory_space<hbm>> -> memref<5x128xi32, #tpu.memory_space<hbm>>
      tpu.wait_dma2 semaphore(%arg25 : memref<!tpu.dma_semaphore, #tpu.memory_space<semaphore_mem>>) src(%dma_wait3A_280 : memref<5x128xi32, #tpu.memory_space<hbm>>) dst(%arg13 : memref<5x128xi32, #tpu.memory_space<vmem>>)
      %gt3A = arith.constant 0 : i32
      %gt3A_281 = arith.cmpi sgt, %scan3A_142, %gt3A : i32
      %convert_element_type3A_282 = arith.extui %gt3A_281 : i1 to i32
      %cond3A_283 = arith.constant 0 : i32
      %cond3A_284 = arith.cmpi ne, %convert_element_type3A_282, %cond3A_283 : i32
      scf.if %cond3A_284 {
        %dma_wait3A_577 = arith.constant 0 : i32
        %dma_wait3A_578 = arith.constant 0 : i32
        %dma_wait3A_579 = tpu.memref_slice %arg11[%dma_wait3A_577, %dma_wait3A_578] : memref<204800x64xf32, #tpu.memory_space<hbm>> -> memref<128x64xf32, #tpu.memory_space<hbm>>
        %dma_wait3A_580 = arith.constant 0 : i32
        %dma_wait3A_581 = arith.constant 0 : i32
        %dma_wait3A_582 = tpu.memref_slice %arg11[%dma_wait3A_580, %dma_wait3A_581] : memref<204800x64xf32, #tpu.memory_space<hbm>> -> memref<128x64xf32, #tpu.memory_space<hbm>>
        tpu.wait_dma2 semaphore(%arg27 : memref<!tpu.dma_semaphore, #tpu.memory_space<semaphore_mem>>) src(%arg19 : memref<128x64xf32, #tpu.memory_space<vmem>>) dst(%dma_wait3A_582 : memref<128x64xf32, #tpu.memory_space<hbm>>)
        %dma_wait3A_583 = arith.constant 0 : i32
        %dma_wait3A_584 = tpu.memref_slice %arg10[%dma_wait3A_583] : memref<204800xf32, #tpu.memory_space<hbm>> -> memref<128xf32, #tpu.memory_space<hbm>>
        %dma_wait3A_585 = arith.constant 0 : i32
        %dma_wait3A_586 = tpu.memref_slice %arg10[%dma_wait3A_585] : memref<204800xf32, #tpu.memory_space<hbm>> -> memref<128xf32, #tpu.memory_space<hbm>>
        tpu.wait_dma2 semaphore(%arg27 : memref<!tpu.dma_semaphore, #tpu.memory_space<semaphore_mem>>) src(%arg21 : memref<128xf32, #tpu.memory_space<vmem>>) dst(%dma_wait3A_586 : memref<128xf32, #tpu.memory_space<hbm>>)
      } else {
      }
      %dma_start3A_285 = arith.constant 0 : i32
      %dma_start3A_286 = arith.constant 0 : i32
      %dma_start3A_287 = arith.constant 0 : i32
      %dma_start3A_288 = arith.constant 0 : i32
      %dma_start3A_289 = tpu.memref_slice %arg15[%dma_start3A_286, %dma_start3A_287, %dma_start3A_288] : memref<5x128x64xf32, #tpu.memory_space<vmem>> -> memref<1x128x64xf32, #tpu.memory_space<vmem>>
      %dma_start3A_290 = tpu.memref_squeeze %dma_start3A_289 : memref<1x128x64xf32, #tpu.memory_space<vmem>> -> memref<128x64xf32, #tpu.memory_space<vmem>>
      %dma_start3A_291 = arith.constant 0 : i32
      %dma_start3A_292 = tpu.memref_slice %arg13[%dma_start3A_285, %dma_start3A_291] : memref<5x128xi32, #tpu.memory_space<vmem>> -> memref<1x128xi32, #tpu.memory_space<vmem>>
      %dma_start3A_293 = tpu.memref_squeeze %dma_start3A_292 : memref<1x128xi32, #tpu.memory_space<vmem>> -> memref<128xi32, #tpu.memory_space<vmem>>
      %dma_start3A_294 = arith.constant 0 : i32
      %dma_start3A_295 = arith.constant 0 : i32
      %dma_start3A_296 = tpu.memref_slice %arg7[%dma_start3A_294, %dma_start3A_295] : memref<100001x64xf32, #tpu.memory_space<hbm>> -> memref<100001x64xf32, #tpu.memory_space<hbm>>
      tpu.enqueue_indirect_dma source(%dma_start3A_296 : memref<100001x64xf32, #tpu.memory_space<hbm>>) target(%dma_start3A_290 : memref<128x64xf32, #tpu.memory_space<vmem>>) offsets(%dma_start3A_293 : memref<128xi32, #tpu.memory_space<vmem>>) semaphore(%arg23 : memref<!tpu.dma_semaphore, #tpu.memory_space<semaphore_mem>>)
      %dma_start3A_297 = arith.constant 1 : i32
      %dma_start3A_298 = arith.constant 1 : i32
      %dma_start3A_299 = arith.constant 0 : i32
      %dma_start3A_300 = arith.constant 0 : i32
      %dma_start3A_301 = tpu.memref_slice %arg15[%dma_start3A_298, %dma_start3A_299, %dma_start3A_300] : memref<5x128x64xf32, #tpu.memory_space<vmem>> -> memref<1x128x64xf32, #tpu.memory_space<vmem>>
      %dma_start3A_302 = tpu.memref_squeeze %dma_start3A_301 : memref<1x128x64xf32, #tpu.memory_space<vmem>> -> memref<128x64xf32, #tpu.memory_space<vmem>>
      %dma_start3A_303 = arith.constant 0 : i32
      %dma_start3A_304 = tpu.memref_slice %arg13[%dma_start3A_297, %dma_start3A_303] : memref<5x128xi32, #tpu.memory_space<vmem>> -> memref<1x128xi32, #tpu.memory_space<vmem>>
      %dma_start3A_305 = tpu.memref_squeeze %dma_start3A_304 : memref<1x128xi32, #tpu.memory_space<vmem>> -> memref<128xi32, #tpu.memory_space<vmem>>
      %dma_start3A_306 = arith.constant 0 : i32
      %dma_start3A_307 = arith.constant 0 : i32
      %dma_start3A_308 = tpu.memref_slice %arg7[%dma_start3A_306, %dma_start3A_307] : memref<100001x64xf32, #tpu.memory_space<hbm>> -> memref<100001x64xf32, #tpu.memory_space<hbm>>
      tpu.enqueue_indirect_dma source(%dma_start3A_308 : memref<100001x64xf32, #tpu.memory_space<hbm>>) target(%dma_start3A_302 : memref<128x64xf32, #tpu.memory_space<vmem>>) offsets(%dma_start3A_305 : memref<128xi32, #tpu.memory_space<vmem>>) semaphore(%arg23 : memref<!tpu.dma_semaphore, #tpu.memory_space<semaphore_mem>>)
      %dma_start3A_309 = arith.constant 2 : i32
      %dma_start3A_310 = arith.constant 2 : i32
      %dma_start3A_311 = arith.constant 0 : i32
      %dma_start3A_312 = arith.constant 0 : i32
      %dma_start3A_313 = tpu.memref_slice %arg15[%dma_start3A_310, %dma_start3A_311, %dma_start3A_312] : memref<5x128x64xf32, #tpu.memory_space<vmem>> -> memref<1x128x64xf32, #tpu.memory_space<vmem>>
      %dma_start3A_314 = tpu.memref_squeeze %dma_start3A_313 : memref<1x128x64xf32, #tpu.memory_space<vmem>> -> memref<128x64xf32, #tpu.memory_space<vmem>>
      %dma_start3A_315 = arith.constant 0 : i32
      %dma_start3A_316 = tpu.memref_slice %arg13[%dma_start3A_309, %dma_start3A_315] : memref<5x128xi32, #tpu.memory_space<vmem>> -> memref<1x128xi32, #tpu.memory_space<vmem>>
      %dma_start3A_317 = tpu.memref_squeeze %dma_start3A_316 : memref<1x128xi32, #tpu.memory_space<vmem>> -> memref<128xi32, #tpu.memory_space<vmem>>
      %dma_start3A_318 = arith.constant 0 : i32
      %dma_start3A_319 = arith.constant 0 : i32
      %dma_start3A_320 = tpu.memref_slice %arg7[%dma_start3A_318, %dma_start3A_319] : memref<100001x64xf32, #tpu.memory_space<hbm>> -> memref<100001x64xf32, #tpu.memory_space<hbm>>
      tpu.enqueue_indirect_dma source(%dma_start3A_320 : memref<100001x64xf32, #tpu.memory_space<hbm>>) target(%dma_start3A_314 : memref<128x64xf32, #tpu.memory_space<vmem>>) offsets(%dma_start3A_317 : memref<128xi32, #tpu.memory_space<vmem>>) semaphore(%arg23 : memref<!tpu.dma_semaphore, #tpu.memory_space<semaphore_mem>>)
      %dma_start3A_321 = arith.constant 3 : i32
      %dma_start3A_322 = arith.constant 3 : i32
      %dma_start3A_323 = arith.constant 0 : i32
      %dma_start3A_324 = arith.constant 0 : i32
      %dma_start3A_325 = tpu.memref_slice %arg15[%dma_start3A_322, %dma_start3A_323, %dma_start3A_324] : memref<5x128x64xf32, #tpu.memory_space<vmem>> -> memref<1x128x64xf32, #tpu.memory_space<vmem>>
      %dma_start3A_326 = tpu.memref_squeeze %dma_start3A_325 : memref<1x128x64xf32, #tpu.memory_space<vmem>> -> memref<128x64xf32, #tpu.memory_space<vmem>>
      %dma_start3A_327 = arith.constant 0 : i32
      %dma_start3A_328 = tpu.memref_slice %arg13[%dma_start3A_321, %dma_start3A_327] : memref<5x128xi32, #tpu.memory_space<vmem>> -> memref<1x128xi32, #tpu.memory_space<vmem>>
      %dma_start3A_329 = tpu.memref_squeeze %dma_start3A_328 : memref<1x128xi32, #tpu.memory_space<vmem>> -> memref<128xi32, #tpu.memory_space<vmem>>
      %dma_start3A_330 = arith.constant 0 : i32
      %dma_start3A_331 = arith.constant 0 : i32
      %dma_start3A_332 = tpu.memref_slice %arg7[%dma_start3A_330, %dma_start3A_331] : memref<100001x64xf32, #tpu.memory_space<hbm>> -> memref<100001x64xf32, #tpu.memory_space<hbm>>
      tpu.enqueue_indirect_dma source(%dma_start3A_332 : memref<100001x64xf32, #tpu.memory_space<hbm>>) target(%dma_start3A_326 : memref<128x64xf32, #tpu.memory_space<vmem>>) offsets(%dma_start3A_329 : memref<128xi32, #tpu.memory_space<vmem>>) semaphore(%arg23 : memref<!tpu.dma_semaphore, #tpu.memory_space<semaphore_mem>>)
      %dma_start3A_333 = arith.constant 4 : i32
      %dma_start3A_334 = arith.constant 4 : i32
      %dma_start3A_335 = arith.constant 0 : i32
      %dma_start3A_336 = arith.constant 0 : i32
      %dma_start3A_337 = tpu.memref_slice %arg15[%dma_start3A_334, %dma_start3A_335, %dma_start3A_336] : memref<5x128x64xf32, #tpu.memory_space<vmem>> -> memref<1x128x64xf32, #tpu.memory_space<vmem>>
      %dma_start3A_338 = tpu.memref_squeeze %dma_start3A_337 : memref<1x128x64xf32, #tpu.memory_space<vmem>> -> memref<128x64xf32, #tpu.memory_space<vmem>>
      %dma_start3A_339 = arith.constant 0 : i32
      %dma_start3A_340 = tpu.memref_slice %arg13[%dma_start3A_333, %dma_start3A_339] : memref<5x128xi32, #tpu.memory_space<vmem>> -> memref<1x128xi32, #tpu.memory_space<vmem>>
      %dma_start3A_341 = tpu.memref_squeeze %dma_start3A_340 : memref<1x128xi32, #tpu.memory_space<vmem>> -> memref<128xi32, #tpu.memory_space<vmem>>
      %dma_start3A_342 = arith.constant 0 : i32
      %dma_start3A_343 = arith.constant 0 : i32
      %dma_start3A_344 = tpu.memref_slice %arg7[%dma_start3A_342, %dma_start3A_343] : memref<100001x64xf32, #tpu.memory_space<hbm>> -> memref<100001x64xf32, #tpu.memory_space<hbm>>
      tpu.enqueue_indirect_dma source(%dma_start3A_344 : memref<100001x64xf32, #tpu.memory_space<hbm>>) target(%dma_start3A_338 : memref<128x64xf32, #tpu.memory_space<vmem>>) offsets(%dma_start3A_341 : memref<128xi32, #tpu.memory_space<vmem>>) semaphore(%arg23 : memref<!tpu.dma_semaphore, #tpu.memory_space<semaphore_mem>>)
      %dma_start3A_345 = arith.constant 0 : i32
      %dma_start3A_346 = arith.constant 0 : i32
      %dma_start3A_347 = arith.constant 0 : i32
      %dma_start3A_348 = tpu.memref_slice %arg17[%dma_start3A_346, %dma_start3A_347] : memref<5x128xf32, #tpu.memory_space<vmem>> -> memref<1x128xf32, #tpu.memory_space<vmem>>
      %dma_start3A_349 = tpu.memref_squeeze %dma_start3A_348 : memref<1x128xf32, #tpu.memory_space<vmem>> -> memref<128xf32, #tpu.memory_space<vmem>>
      %dma_start3A_350 = arith.constant 0 : i32
      %dma_start3A_351 = tpu.memref_slice %arg13[%dma_start3A_345, %dma_start3A_350] : memref<5x128xi32, #tpu.memory_space<vmem>> -> memref<1x128xi32, #tpu.memory_space<vmem>>
      %dma_start3A_352 = tpu.memref_squeeze %dma_start3A_351 : memref<1x128xi32, #tpu.memory_space<vmem>> -> memref<128xi32, #tpu.memory_space<vmem>>
      %dma_start3A_353 = arith.constant 0 : i32
      %dma_start3A_354 = tpu.memref_slice %arg6[%dma_start3A_353] : memref<100001xf32, #tpu.memory_space<hbm>> -> memref<100001xf32, #tpu.memory_space<hbm>>
      tpu.enqueue_indirect_dma source(%dma_start3A_354 : memref<100001xf32, #tpu.memory_space<hbm>>) target(%dma_start3A_349 : memref<128xf32, #tpu.memory_space<vmem>>) offsets(%dma_start3A_352 : memref<128xi32, #tpu.memory_space<vmem>>) semaphore(%arg23 : memref<!tpu.dma_semaphore, #tpu.memory_space<semaphore_mem>>)
      %dma_start3A_355 = arith.constant 1 : i32
      %dma_start3A_356 = arith.constant 1 : i32
      %dma_start3A_357 = arith.constant 0 : i32
      %dma_start3A_358 = tpu.memref_slice %arg17[%dma_start3A_356, %dma_start3A_357] : memref<5x128xf32, #tpu.memory_space<vmem>> -> memref<1x128xf32, #tpu.memory_space<vmem>>
      %dma_start3A_359 = tpu.memref_squeeze %dma_start3A_358 : memref<1x128xf32, #tpu.memory_space<vmem>> -> memref<128xf32, #tpu.memory_space<vmem>>
      %dma_start3A_360 = arith.constant 0 : i32
      %dma_start3A_361 = tpu.memref_slice %arg13[%dma_start3A_355, %dma_start3A_360] : memref<5x128xi32, #tpu.memory_space<vmem>> -> memref<1x128xi32, #tpu.memory_space<vmem>>
      %dma_start3A_362 = tpu.memref_squeeze %dma_start3A_361 : memref<1x128xi32, #tpu.memory_space<vmem>> -> memref<128xi32, #tpu.memory_space<vmem>>
      %dma_start3A_363 = arith.constant 0 : i32
      %dma_start3A_364 = tpu.memref_slice %arg6[%dma_start3A_363] : memref<100001xf32, #tpu.memory_space<hbm>> -> memref<100001xf32, #tpu.memory_space<hbm>>
      tpu.enqueue_indirect_dma source(%dma_start3A_364 : memref<100001xf32, #tpu.memory_space<hbm>>) target(%dma_start3A_359 : memref<128xf32, #tpu.memory_space<vmem>>) offsets(%dma_start3A_362 : memref<128xi32, #tpu.memory_space<vmem>>) semaphore(%arg23 : memref<!tpu.dma_semaphore, #tpu.memory_space<semaphore_mem>>)
      %dma_start3A_365 = arith.constant 2 : i32
      %dma_start3A_366 = arith.constant 2 : i32
      %dma_start3A_367 = arith.constant 0 : i32
      %dma_start3A_368 = tpu.memref_slice %arg17[%dma_start3A_366, %dma_start3A_367] : memref<5x128xf32, #tpu.memory_space<vmem>> -> memref<1x128xf32, #tpu.memory_space<vmem>>
      %dma_start3A_369 = tpu.memref_squeeze %dma_start3A_368 : memref<1x128xf32, #tpu.memory_space<vmem>> -> memref<128xf32, #tpu.memory_space<vmem>>
      %dma_start3A_370 = arith.constant 0 : i32
      %dma_start3A_371 = tpu.memref_slice %arg13[%dma_start3A_365, %dma_start3A_370] : memref<5x128xi32, #tpu.memory_space<vmem>> -> memref<1x128xi32, #tpu.memory_space<vmem>>
      %dma_start3A_372 = tpu.memref_squeeze %dma_start3A_371 : memref<1x128xi32, #tpu.memory_space<vmem>> -> memref<128xi32, #tpu.memory_space<vmem>>
      %dma_start3A_373 = arith.constant 0 : i32
      %dma_start3A_374 = tpu.memref_slice %arg6[%dma_start3A_373] : memref<100001xf32, #tpu.memory_space<hbm>> -> memref<100001xf32, #tpu.memory_space<hbm>>
      tpu.enqueue_indirect_dma source(%dma_start3A_374 : memref<100001xf32, #tpu.memory_space<hbm>>) target(%dma_start3A_369 : memref<128xf32, #tpu.memory_space<vmem>>) offsets(%dma_start3A_372 : memref<128xi32, #tpu.memory_space<vmem>>) semaphore(%arg23 : memref<!tpu.dma_semaphore, #tpu.memory_space<semaphore_mem>>)
      %dma_start3A_375 = arith.constant 3 : i32
      %dma_start3A_376 = arith.constant 3 : i32
      %dma_start3A_377 = arith.constant 0 : i32
      %dma_start3A_378 = tpu.memref_slice %arg17[%dma_start3A_376, %dma_start3A_377] : memref<5x128xf32, #tpu.memory_space<vmem>> -> memref<1x128xf32, #tpu.memory_space<vmem>>
      %dma_start3A_379 = tpu.memref_squeeze %dma_start3A_378 : memref<1x128xf32, #tpu.memory_space<vmem>> -> memref<128xf32, #tpu.memory_space<vmem>>
      %dma_start3A_380 = arith.constant 0 : i32
      %dma_start3A_381 = tpu.memref_slice %arg13[%dma_start3A_375, %dma_start3A_380] : memref<5x128xi32, #tpu.memory_space<vmem>> -> memref<1x128xi32, #tpu.memory_space<vmem>>
      %dma_start3A_382 = tpu.memref_squeeze %dma_start3A_381 : memref<1x128xi32, #tpu.memory_space<vmem>> -> memref<128xi32, #tpu.memory_space<vmem>>
      %dma_start3A_383 = arith.constant 0 : i32
      %dma_start3A_384 = tpu.memref_slice %arg6[%dma_start3A_383] : memref<100001xf32, #tpu.memory_space<hbm>> -> memref<100001xf32, #tpu.memory_space<hbm>>
      tpu.enqueue_indirect_dma source(%dma_start3A_384 : memref<100001xf32, #tpu.memory_space<hbm>>) target(%dma_start3A_379 : memref<128xf32, #tpu.memory_space<vmem>>) offsets(%dma_start3A_382 : memref<128xi32, #tpu.memory_space<vmem>>) semaphore(%arg23 : memref<!tpu.dma_semaphore, #tpu.memory_space<semaphore_mem>>)
      %dma_start3A_385 = arith.constant 4 : i32
      %dma_start3A_386 = arith.constant 4 : i32
      %dma_start3A_387 = arith.constant 0 : i32
      %dma_start3A_388 = tpu.memref_slice %arg17[%dma_start3A_386, %dma_start3A_387] : memref<5x128xf32, #tpu.memory_space<vmem>> -> memref<1x128xf32, #tpu.memory_space<vmem>>
      %dma_start3A_389 = tpu.memref_squeeze %dma_start3A_388 : memref<1x128xf32, #tpu.memory_space<vmem>> -> memref<128xf32, #tpu.memory_space<vmem>>
      %dma_start3A_390 = arith.constant 0 : i32
      %dma_start3A_391 = tpu.memref_slice %arg13[%dma_start3A_385, %dma_start3A_390] : memref<5x128xi32, #tpu.memory_space<vmem>> -> memref<1x128xi32, #tpu.memory_space<vmem>>
      %dma_start3A_392 = tpu.memref_squeeze %dma_start3A_391 : memref<1x128xi32, #tpu.memory_space<vmem>> -> memref<128xi32, #tpu.memory_space<vmem>>
      %dma_start3A_393 = arith.constant 0 : i32
      %dma_start3A_394 = tpu.memref_slice %arg6[%dma_start3A_393] : memref<100001xf32, #tpu.memory_space<hbm>> -> memref<100001xf32, #tpu.memory_space<hbm>>
      tpu.enqueue_indirect_dma source(%dma_start3A_394 : memref<100001xf32, #tpu.memory_space<hbm>>) target(%dma_start3A_389 : memref<128xf32, #tpu.memory_space<vmem>>) offsets(%dma_start3A_392 : memref<128xi32, #tpu.memory_space<vmem>>) semaphore(%arg23 : memref<!tpu.dma_semaphore, #tpu.memory_space<semaphore_mem>>)
      %gt3A_395 = arith.constant 0 : i32
      %gt3A_396 = arith.cmpi sgt, %scan3A_142, %gt3A_395 : i32
      %convert_element_type3A_397 = arith.extui %gt3A_396 : i1 to i32
      %cond3A_398 = arith.constant 0 : i32
      %cond3A_399 = arith.cmpi ne, %convert_element_type3A_397, %cond3A_398 : i32
      scf.if %cond3A_399 {
        %dma_wait3A_577 = arith.constant 0 : i32
        %dma_wait3A_578 = arith.constant 0 : i32
        %dma_wait3A_579 = tpu.memref_slice %arg9[%dma_wait3A_577, %dma_wait3A_578] : memref<204800x64xf32, #tpu.memory_space<hbm>> -> memref<128x64xf32, #tpu.memory_space<hbm>>
        %dma_wait3A_580 = arith.constant 0 : i32
        %dma_wait3A_581 = arith.constant 0 : i32
        %dma_wait3A_582 = tpu.memref_slice %arg9[%dma_wait3A_580, %dma_wait3A_581] : memref<204800x64xf32, #tpu.memory_space<hbm>> -> memref<128x64xf32, #tpu.memory_space<hbm>>
        tpu.wait_dma2 semaphore(%arg26 : memref<!tpu.dma_semaphore, #tpu.memory_space<semaphore_mem>>) src(%arg18 : memref<128x64xf32, #tpu.memory_space<vmem>>) dst(%dma_wait3A_582 : memref<128x64xf32, #tpu.memory_space<hbm>>)
        %dma_wait3A_583 = arith.constant 0 : i32
        %dma_wait3A_584 = tpu.memref_slice %arg8[%dma_wait3A_583] : memref<204800xf32, #tpu.memory_space<hbm>> -> memref<128xf32, #tpu.memory_space<hbm>>
        %dma_wait3A_585 = arith.constant 0 : i32
        %dma_wait3A_586 = tpu.memref_slice %arg8[%dma_wait3A_585] : memref<204800xf32, #tpu.memory_space<hbm>> -> memref<128xf32, #tpu.memory_space<hbm>>
        tpu.wait_dma2 semaphore(%arg26 : memref<!tpu.dma_semaphore, #tpu.memory_space<semaphore_mem>>) src(%arg20 : memref<128xf32, #tpu.memory_space<vmem>>) dst(%dma_wait3A_586 : memref<128xf32, #tpu.memory_space<hbm>>)
      } else {
      }
      %scan3A_400 = arith.constant 0 : i32
      %scan3A_401 = arith.constant 0 : i32
      %scan3A_402 = arith.constant 128 : i32
      %scan3A_403 = arith.addi %scan3A_401, %scan3A_402 : i32
      %scan3A_404 = arith.constant 2 : i32
      scf.for %scan3A_577 = %scan3A_401 to %scan3A_403 step %scan3A_404  : i32 {
        %get3A = arith.constant 0 : i32
        %get3A_578 = arith.index_cast %get3A : i32 to index
        %get3A_579 = arith.index_cast %scan3A_577 : i32 to index
        %get3A_580 = arith.constant 0 : index
        %get3A_581 = tpu.vector_load %arg14[%get3A_578, %get3A_579, %get3A_580] {strides = array<i32>} : memref<5x128x64xf32, #tpu.memory_space<vmem>>, vector<1x1x16xf32>,
        %get3A_582 = vector.shape_cast %get3A_581 : vector<1x1x16xf32> to vector<16xf32>
        %get3A_583 = arith.constant 1 : i32
        %get3A_584 = arith.index_cast %get3A_583 : i32 to index
        %get3A_585 = arith.index_cast %scan3A_577 : i32 to index
        %get3A_586 = arith.constant 0 : index
        %get3A_587 = tpu.vector_load %arg14[%get3A_584, %get3A_585, %get3A_586] {strides = array<i32>} : memref<5x128x64xf32, #tpu.memory_space<vmem>>, vector<1x1x16xf32>,
        %get3A_588 = vector.shape_cast %get3A_587 : vector<1x1x16xf32> to vector<16xf32>
        %add3A_589 = arith.addf %get3A_582, %get3A_588 : vector<16xf32>
        %get3A_590 = arith.constant 2 : i32
        %get3A_591 = arith.index_cast %get3A_590 : i32 to index
        %get3A_592 = arith.index_cast %scan3A_577 : i32 to index
        %get3A_593 = arith.constant 0 : index
        %get3A_594 = tpu.vector_load %arg14[%get3A_591, %get3A_592, %get3A_593] {strides = array<i32>} : memref<5x128x64xf32, #tpu.memory_space<vmem>>, vector<1x1x16xf32>,
        %get3A_595 = vector.shape_cast %get3A_594 : vector<1x1x16xf32> to vector<16xf32>
        %add3A_596 = arith.addf %add3A_589, %get3A_595 : vector<16xf32>
        %get3A_597 = arith.constant 3 : i32
        %get3A_598 = arith.index_cast %get3A_597 : i32 to index
        %get3A_599 = arith.index_cast %scan3A_577 : i32 to index
        %get3A_600 = arith.constant 0 : index
        %get3A_601 = tpu.vector_load %arg14[%get3A_598, %get3A_599, %get3A_600] {strides = array<i32>} : memref<5x128x64xf32, #tpu.memory_space<vmem>>, vector<1x1x16xf32>,
        %get3A_602 = vector.shape_cast %get3A_601 : vector<1x1x16xf32> to vector<16xf32>
        %add3A_603 = arith.addf %add3A_596, %get3A_602 : vector<16xf32>
        %get3A_604 = arith.constant 4 : i32
        %get3A_605 = arith.index_cast %get3A_604 : i32 to index
        %get3A_606 = arith.index_cast %scan3A_577 : i32 to index
        %get3A_607 = arith.constant 0 : index
        %get3A_608 = tpu.vector_load %arg14[%get3A_605, %get3A_606, %get3A_607] {strides = array<i32>} : memref<5x128x64xf32, #tpu.memory_space<vmem>>, vector<1x1x16xf32>,
        %get3A_609 = vector.shape_cast %get3A_608 : vector<1x1x16xf32> to vector<16xf32>
        %add3A_610 = arith.addf %add3A_603, %get3A_609 : vector<16xf32>
        %swap3A = arith.index_cast %scan3A_577 : i32 to index
        %swap3A_611 = arith.constant 0 : index
        %swap3A_612 = tpu.vector_load %arg18[%swap3A, %swap3A_611] {strides = array<i32>} : memref<128x64xf32, #tpu.memory_space<vmem>>, vector<1x16xf32>,
        %swap3A_613 = vector.shape_cast %swap3A_612 : vector<1x16xf32> to vector<16xf32>
        %swap3A_614 = vector.shape_cast %add3A_610 : vector<16xf32> to vector<1x16xf32>
        tpu.vector_store %arg18[%swap3A, %swap3A_611], %swap3A_614 {strides = array<i32>} : memref<128x64xf32, #tpu.memory_space<vmem>>, vector<1x16xf32>,
        %get3A_615 = arith.constant 0 : i32
        %get3A_616 = arith.index_cast %get3A_615 : i32 to index
        %get3A_617 = arith.index_cast %scan3A_577 : i32 to index
        %get3A_618 = arith.constant 16 : index
        %get3A_619 = tpu.vector_load %arg14[%get3A_616, %get3A_617, %get3A_618] {strides = array<i32>} : memref<5x128x64xf32, #tpu.memory_space<vmem>>, vector<1x1x16xf32>,
        %get3A_620 = vector.shape_cast %get3A_619 : vector<1x1x16xf32> to vector<16xf32>
        %get3A_621 = arith.constant 1 : i32
        %get3A_622 = arith.index_cast %get3A_621 : i32 to index
        %get3A_623 = arith.index_cast %scan3A_577 : i32 to index
        %get3A_624 = arith.constant 16 : index
        %get3A_625 = tpu.vector_load %arg14[%get3A_622, %get3A_623, %get3A_624] {strides = array<i32>} : memref<5x128x64xf32, #tpu.memory_space<vmem>>, vector<1x1x16xf32>,
        %get3A_626 = vector.shape_cast %get3A_625 : vector<1x1x16xf32> to vector<16xf32>
        %add3A_627 = arith.addf %get3A_620, %get3A_626 : vector<16xf32>
        %get3A_628 = arith.constant 2 : i32
        %get3A_629 = arith.index_cast %get3A_628 : i32 to index
        %get3A_630 = arith.index_cast %scan3A_577 : i32 to index
        %get3A_631 = arith.constant 16 : index
        %get3A_632 = tpu.vector_load %arg14[%get3A_629, %get3A_630, %get3A_631] {strides = array<i32>} : memref<5x128x64xf32, #tpu.memory_space<vmem>>, vector<1x1x16xf32>,
        %get3A_633 = vector.shape_cast %get3A_632 : vector<1x1x16xf32> to vector<16xf32>
        %add3A_634 = arith.addf %add3A_627, %get3A_633 : vector<16xf32>
        %get3A_635 = arith.constant 3 : i32
        %get3A_636 = arith.index_cast %get3A_635 : i32 to index
        %get3A_637 = arith.index_cast %scan3A_577 : i32 to index
        %get3A_638 = arith.constant 16 : index
        %get3A_639 = tpu.vector_load %arg14[%get3A_636, %get3A_637, %get3A_638] {strides = array<i32>} : memref<5x128x64xf32, #tpu.memory_space<vmem>>, vector<1x1x16xf32>,
        %get3A_640 = vector.shape_cast %get3A_639 : vector<1x1x16xf32> to vector<16xf32>
        %add3A_641 = arith.addf %add3A_634, %get3A_640 : vector<16xf32>
        %get3A_642 = arith.constant 4 : i32
        %get3A_643 = arith.index_cast %get3A_642 : i32 to index
        %get3A_644 = arith.index_cast %scan3A_577 : i32 to index
        %get3A_645 = arith.constant 16 : index
        %get3A_646 = tpu.vector_load %arg14[%get3A_643, %get3A_644, %get3A_645] {strides = array<i32>} : memref<5x128x64xf32, #tpu.memory_space<vmem>>, vector<1x1x16xf32>,
        %get3A_647 = vector.shape_cast %get3A_646 : vector<1x1x16xf32> to vector<16xf32>
        %add3A_648 = arith.addf %add3A_641, %get3A_647 : vector<16xf32>
        %swap3A_649 = arith.index_cast %scan3A_577 : i32 to index
        %swap3A_650 = arith.constant 16 : index
        %swap3A_651 = tpu.vector_load %arg18[%swap3A_649, %swap3A_650] {strides = array<i32>} : memref<128x64xf32, #tpu.memory_space<vmem>>, vector<1x16xf32>,
        %swap3A_652 = vector.shape_cast %swap3A_651 : vector<1x16xf32> to vector<16xf32>
        %swap3A_653 = vector.shape_cast %add3A_648 : vector<16xf32> to vector<1x16xf32>
        tpu.vector_store %arg18[%swap3A_649, %swap3A_650], %swap3A_653 {strides = array<i32>} : memref<128x64xf32, #tpu.memory_space<vmem>>, vector<1x16xf32>,
        %get3A_654 = arith.constant 0 : i32
        %get3A_655 = arith.index_cast %get3A_654 : i32 to index
        %get3A_656 = arith.index_cast %scan3A_577 : i32 to index
        %get3A_657 = arith.constant 32 : index
        %get3A_658 = tpu.vector_load %arg14[%get3A_655, %get3A_656, %get3A_657] {strides = array<i32>} : memref<5x128x64xf32, #tpu.memory_space<vmem>>, vector<1x1x16xf32>,
        %get3A_659 = vector.shape_cast %get3A_658 : vector<1x1x16xf32> to vector<16xf32>
        %get3A_660 = arith.constant 1 : i32
        %get3A_661 = arith.index_cast %get3A_660 : i32 to index
        %get3A_662 = arith.index_cast %scan3A_577 : i32 to index
        %get3A_663 = arith.constant 32 : index
        %get3A_664 = tpu.vector_load %arg14[%get3A_661, %get3A_662, %get3A_663] {strides = array<i32>} : memref<5x128x64xf32, #tpu.memory_space<vmem>>, vector<1x1x16xf32>,
        %get3A_665 = vector.shape_cast %get3A_664 : vector<1x1x16xf32> to vector<16xf32>
        %add3A_666 = arith.addf %get3A_659, %get3A_665 : vector<16xf32>
        %get3A_667 = arith.constant 2 : i32
        %get3A_668 = arith.index_cast %get3A_667 : i32 to index
        %get3A_669 = arith.index_cast %scan3A_577 : i32 to index
        %get3A_670 = arith.constant 32 : index
        %get3A_671 = tpu.vector_load %arg14[%get3A_668, %get3A_669, %get3A_670] {strides = array<i32>} : memref<5x128x64xf32, #tpu.memory_space<vmem>>, vector<1x1x16xf32>,
        %get3A_672 = vector.shape_cast %get3A_671 : vector<1x1x16xf32> to vector<16xf32>
        %add3A_673 = arith.addf %add3A_666, %get3A_672 : vector<16xf32>
        %get3A_674 = arith.constant 3 : i32
        %get3A_675 = arith.index_cast %get3A_674 : i32 to index
        %get3A_676 = arith.index_cast %scan3A_577 : i32 to index
        %get3A_677 = arith.constant 32 : index
        %get3A_678 = tpu.vector_load %arg14[%get3A_675, %get3A_676, %get3A_677] {strides = array<i32>} : memref<5x128x64xf32, #tpu.memory_space<vmem>>, vector<1x1x16xf32>,
        %get3A_679 = vector.shape_cast %get3A_678 : vector<1x1x16xf32> to vector<16xf32>
        %add3A_680 = arith.addf %add3A_673, %get3A_679 : vector<16xf32>
        %get3A_681 = arith.constant 4 : i32
        %get3A_682 = arith.index_cast %get3A_681 : i32 to index
        %get3A_683 = arith.index_cast %scan3A_577 : i32 to index
        %get3A_684 = arith.constant 32 : index
        %get3A_685 = tpu.vector_load %arg14[%get3A_682, %get3A_683, %get3A_684] {strides = array<i32>} : memref<5x128x64xf32, #tpu.memory_space<vmem>>, vector<1x1x16xf32>,
        %get3A_686 = vector.shape_cast %get3A_685 : vector<1x1x16xf32> to vector<16xf32>
        %add3A_687 = arith.addf %add3A_680, %get3A_686 : vector<16xf32>
        %swap3A_688 = arith.index_cast %scan3A_577 : i32 to index
        %swap3A_689 = arith.constant 32 : index
        %swap3A_690 = tpu.vector_load %arg18[%swap3A_688, %swap3A_689] {strides = array<i32>} : memref<128x64xf32, #tpu.memory_space<vmem>>, vector<1x16xf32>,
        %swap3A_691 = vector.shape_cast %swap3A_690 : vector<1x16xf32> to vector<16xf32>
        %swap3A_692 = vector.shape_cast %add3A_687 : vector<16xf32> to vector<1x16xf32>
        tpu.vector_store %arg18[%swap3A_688, %swap3A_689], %swap3A_692 {strides = array<i32>} : memref<128x64xf32, #tpu.memory_space<vmem>>, vector<1x16xf32>,
        %get3A_693 = arith.constant 0 : i32
        %get3A_694 = arith.index_cast %get3A_693 : i32 to index
        %get3A_695 = arith.index_cast %scan3A_577 : i32 to index
        %get3A_696 = arith.constant 48 : index
        %get3A_697 = tpu.vector_load %arg14[%get3A_694, %get3A_695, %get3A_696] {strides = array<i32>} : memref<5x128x64xf32, #tpu.memory_space<vmem>>, vector<1x1x16xf32>,
        %get3A_698 = vector.shape_cast %get3A_697 : vector<1x1x16xf32> to vector<16xf32>
        %get3A_699 = arith.constant 1 : i32
        %get3A_700 = arith.index_cast %get3A_699 : i32 to index
        %get3A_701 = arith.index_cast %scan3A_577 : i32 to index
        %get3A_702 = arith.constant 48 : index
        %get3A_703 = tpu.vector_load %arg14[%get3A_700, %get3A_701, %get3A_702] {strides = array<i32>} : memref<5x128x64xf32, #tpu.memory_space<vmem>>, vector<1x1x16xf32>,
        %get3A_704 = vector.shape_cast %get3A_703 : vector<1x1x16xf32> to vector<16xf32>
        %add3A_705 = arith.addf %get3A_698, %get3A_704 : vector<16xf32>
        %get3A_706 = arith.constant 2 : i32
        %get3A_707 = arith.index_cast %get3A_706 : i32 to index
        %get3A_708 = arith.index_cast %scan3A_577 : i32 to index
        %get3A_709 = arith.constant 48 : index
        %get3A_710 = tpu.vector_load %arg14[%get3A_707, %get3A_708, %get3A_709] {strides = array<i32>} : memref<5x128x64xf32, #tpu.memory_space<vmem>>, vector<1x1x16xf32>,
        %get3A_711 = vector.shape_cast %get3A_710 : vector<1x1x16xf32> to vector<16xf32>
        %add3A_712 = arith.addf %add3A_705, %get3A_711 : vector<16xf32>
        %get3A_713 = arith.constant 3 : i32
        %get3A_714 = arith.index_cast %get3A_713 : i32 to index
        %get3A_715 = arith.index_cast %scan3A_577 : i32 to index
        %get3A_716 = arith.constant 48 : index
        %get3A_717 = tpu.vector_load %arg14[%get3A_714, %get3A_715, %get3A_716] {strides = array<i32>} : memref<5x128x64xf32, #tpu.memory_space<vmem>>, vector<1x1x16xf32>,
        %get3A_718 = vector.shape_cast %get3A_717 : vector<1x1x16xf32> to vector<16xf32>
        %add3A_719 = arith.addf %add3A_712, %get3A_718 : vector<16xf32>
        %get3A_720 = arith.constant 4 : i32
        %get3A_721 = arith.index_cast %get3A_720 : i32 to index
        %get3A_722 = arith.index_cast %scan3A_577 : i32 to index
        %get3A_723 = arith.constant 48 : index
        %get3A_724 = tpu.vector_load %arg14[%get3A_721, %get3A_722, %get3A_723] {strides = array<i32>} : memref<5x128x64xf32, #tpu.memory_space<vmem>>, vector<1x1x16xf32>,
        %get3A_725 = vector.shape_cast %get3A_724 : vector<1x1x16xf32> to vector<16xf32>
        %add3A_726 = arith.addf %add3A_719, %get3A_725 : vector<16xf32>
        %swap3A_727 = arith.index_cast %scan3A_577 : i32 to index
        %swap3A_728 = arith.constant 48 : index
        %swap3A_729 = tpu.vector_load %arg18[%swap3A_727, %swap3A_728] {strides = array<i32>} : memref<128x64xf32, #tpu.memory_space<vmem>>, vector<1x16xf32>,
        %swap3A_730 = vector.shape_cast %swap3A_729 : vector<1x16xf32> to vector<16xf32>
        %swap3A_731 = vector.shape_cast %add3A_726 : vector<16xf32> to vector<1x16xf32>
        tpu.vector_store %arg18[%swap3A_727, %swap3A_728], %swap3A_731 {strides = array<i32>} : memref<128x64xf32, #tpu.memory_space<vmem>>, vector<1x16xf32>,
        %scan3A_732 = arith.constant 1 : i32
        %scan3A_733 = arith.addi %scan3A_577, %scan3A_732 : i32
        %get3A_734 = arith.constant 0 : i32
        %get3A_735 = arith.index_cast %get3A_734 : i32 to index
        %get3A_736 = arith.index_cast %scan3A_733 : i32 to index
        %get3A_737 = arith.constant 0 : index
        %get3A_738 = tpu.vector_load %arg14[%get3A_735, %get3A_736, %get3A_737] {strides = array<i32>} : memref<5x128x64xf32, #tpu.memory_space<vmem>>, vector<1x1x16xf32>,
        %get3A_739 = vector.shape_cast %get3A_738 : vector<1x1x16xf32> to vector<16xf32>
        %get3A_740 = arith.constant 1 : i32
        %get3A_741 = arith.index_cast %get3A_740 : i32 to index
        %get3A_742 = arith.index_cast %scan3A_733 : i32 to index
        %get3A_743 = arith.constant 0 : index
        %get3A_744 = tpu.vector_load %arg14[%get3A_741, %get3A_742, %get3A_743] {strides = array<i32>} : memref<5x128x64xf32, #tpu.memory_space<vmem>>, vector<1x1x16xf32>,
        %get3A_745 = vector.shape_cast %get3A_744 : vector<1x1x16xf32> to vector<16xf32>
        %add3A_746 = arith.addf %get3A_739, %get3A_745 : vector<16xf32>
        %get3A_747 = arith.constant 2 : i32
        %get3A_748 = arith.index_cast %get3A_747 : i32 to index
        %get3A_749 = arith.index_cast %scan3A_733 : i32 to index
        %get3A_750 = arith.constant 0 : index
        %get3A_751 = tpu.vector_load %arg14[%get3A_748, %get3A_749, %get3A_750] {strides = array<i32>} : memref<5x128x64xf32, #tpu.memory_space<vmem>>, vector<1x1x16xf32>,
        %get3A_752 = vector.shape_cast %get3A_751 : vector<1x1x16xf32> to vector<16xf32>
        %add3A_753 = arith.addf %add3A_746, %get3A_752 : vector<16xf32>
        %get3A_754 = arith.constant 3 : i32
        %get3A_755 = arith.index_cast %get3A_754 : i32 to index
        %get3A_756 = arith.index_cast %scan3A_733 : i32 to index
        %get3A_757 = arith.constant 0 : index
        %get3A_758 = tpu.vector_load %arg14[%get3A_755, %get3A_756, %get3A_757] {strides = array<i32>} : memref<5x128x64xf32, #tpu.memory_space<vmem>>, vector<1x1x16xf32>,
        %get3A_759 = vector.shape_cast %get3A_758 : vector<1x1x16xf32> to vector<16xf32>
        %add3A_760 = arith.addf %add3A_753, %get3A_759 : vector<16xf32>
        %get3A_761 = arith.constant 4 : i32
        %get3A_762 = arith.index_cast %get3A_761 : i32 to index
        %get3A_763 = arith.index_cast %scan3A_733 : i32 to index
        %get3A_764 = arith.constant 0 : index
        %get3A_765 = tpu.vector_load %arg14[%get3A_762, %get3A_763, %get3A_764] {strides = array<i32>} : memref<5x128x64xf32, #tpu.memory_space<vmem>>, vector<1x1x16xf32>,
        %get3A_766 = vector.shape_cast %get3A_765 : vector<1x1x16xf32> to vector<16xf32>
        %add3A_767 = arith.addf %add3A_760, %get3A_766 : vector<16xf32>
        %swap3A_768 = arith.index_cast %scan3A_733 : i32 to index
        %swap3A_769 = arith.constant 0 : index
        %swap3A_770 = tpu.vector_load %arg18[%swap3A_768, %swap3A_769] {strides = array<i32>} : memref<128x64xf32, #tpu.memory_space<vmem>>, vector<1x16xf32>,
        %swap3A_771 = vector.shape_cast %swap3A_770 : vector<1x16xf32> to vector<16xf32>
        %swap3A_772 = vector.shape_cast %add3A_767 : vector<16xf32> to vector<1x16xf32>
        tpu.vector_store %arg18[%swap3A_768, %swap3A_769], %swap3A_772 {strides = array<i32>} : memref<128x64xf32, #tpu.memory_space<vmem>>, vector<1x16xf32>,
        %get3A_773 = arith.constant 0 : i32
        %get3A_774 = arith.index_cast %get3A_773 : i32 to index
        %get3A_775 = arith.index_cast %scan3A_733 : i32 to index
        %get3A_776 = arith.constant 16 : index
        %get3A_777 = tpu.vector_load %arg14[%get3A_774, %get3A_775, %get3A_776] {strides = array<i32>} : memref<5x128x64xf32, #tpu.memory_space<vmem>>, vector<1x1x16xf32>,
        %get3A_778 = vector.shape_cast %get3A_777 : vector<1x1x16xf32> to vector<16xf32>
        %get3A_779 = arith.constant 1 : i32
        %get3A_780 = arith.index_cast %get3A_779 : i32 to index
        %get3A_781 = arith.index_cast %scan3A_733 : i32 to index
        %get3A_782 = arith.constant 16 : index
        %get3A_783 = tpu.vector_load %arg14[%get3A_780, %get3A_781, %get3A_782] {strides = array<i32>} : memref<5x128x64xf32, #tpu.memory_space<vmem>>, vector<1x1x16xf32>,
        %get3A_784 = vector.shape_cast %get3A_783 : vector<1x1x16xf32> to vector<16xf32>
        %add3A_785 = arith.addf %get3A_778, %get3A_784 : vector<16xf32>
        %get3A_786 = arith.constant 2 : i32
        %get3A_787 = arith.index_cast %get3A_786 : i32 to index
        %get3A_788 = arith.index_cast %scan3A_733 : i32 to index
        %get3A_789 = arith.constant 16 : index
        %get3A_790 = tpu.vector_load %arg14[%get3A_787, %get3A_788, %get3A_789] {strides = array<i32>} : memref<5x128x64xf32, #tpu.memory_space<vmem>>, vector<1x1x16xf32>,
        %get3A_791 = vector.shape_cast %get3A_790 : vector<1x1x16xf32> to vector<16xf32>
        %add3A_792 = arith.addf %add3A_785, %get3A_791 : vector<16xf32>
        %get3A_793 = arith.constant 3 : i32
        %get3A_794 = arith.index_cast %get3A_793 : i32 to index
        %get3A_795 = arith.index_cast %scan3A_733 : i32 to index
        %get3A_796 = arith.constant 16 : index
        %get3A_797 = tpu.vector_load %arg14[%get3A_794, %get3A_795, %get3A_796] {strides = array<i32>} : memref<5x128x64xf32, #tpu.memory_space<vmem>>, vector<1x1x16xf32>,
        %get3A_798 = vector.shape_cast %get3A_797 : vector<1x1x16xf32> to vector<16xf32>
        %add3A_799 = arith.addf %add3A_792, %get3A_798 : vector<16xf32>
        %get3A_800 = arith.constant 4 : i32
        %get3A_801 = arith.index_cast %get3A_800 : i32 to index
        %get3A_802 = arith.index_cast %scan3A_733 : i32 to index
        %get3A_803 = arith.constant 16 : index
        %get3A_804 = tpu.vector_load %arg14[%get3A_801, %get3A_802, %get3A_803] {strides = array<i32>} : memref<5x128x64xf32, #tpu.memory_space<vmem>>, vector<1x1x16xf32>,
        %get3A_805 = vector.shape_cast %get3A_804 : vector<1x1x16xf32> to vector<16xf32>
        %add3A_806 = arith.addf %add3A_799, %get3A_805 : vector<16xf32>
        %swap3A_807 = arith.index_cast %scan3A_733 : i32 to index
        %swap3A_808 = arith.constant 16 : index
        %swap3A_809 = tpu.vector_load %arg18[%swap3A_807, %swap3A_808] {strides = array<i32>} : memref<128x64xf32, #tpu.memory_space<vmem>>, vector<1x16xf32>,
        %swap3A_810 = vector.shape_cast %swap3A_809 : vector<1x16xf32> to vector<16xf32>
        %swap3A_811 = vector.shape_cast %add3A_806 : vector<16xf32> to vector<1x16xf32>
        tpu.vector_store %arg18[%swap3A_807, %swap3A_808], %swap3A_811 {strides = array<i32>} : memref<128x64xf32, #tpu.memory_space<vmem>>, vector<1x16xf32>,
        %get3A_812 = arith.constant 0 : i32
        %get3A_813 = arith.index_cast %get3A_812 : i32 to index
        %get3A_814 = arith.index_cast %scan3A_733 : i32 to index
        %get3A_815 = arith.constant 32 : index
        %get3A_816 = tpu.vector_load %arg14[%get3A_813, %get3A_814, %get3A_815] {strides = array<i32>} : memref<5x128x64xf32, #tpu.memory_space<vmem>>, vector<1x1x16xf32>,
        %get3A_817 = vector.shape_cast %get3A_816 : vector<1x1x16xf32> to vector<16xf32>
        %get3A_818 = arith.constant 1 : i32
        %get3A_819 = arith.index_cast %get3A_818 : i32 to index
        %get3A_820 = arith.index_cast %scan3A_733 : i32 to index
        %get3A_821 = arith.constant 32 : index
        %get3A_822 = tpu.vector_load %arg14[%get3A_819, %get3A_820, %get3A_821] {strides = array<i32>} : memref<5x128x64xf32, #tpu.memory_space<vmem>>, vector<1x1x16xf32>,
        %get3A_823 = vector.shape_cast %get3A_822 : vector<1x1x16xf32> to vector<16xf32>
        %add3A_824 = arith.addf %get3A_817, %get3A_823 : vector<16xf32>
        %get3A_825 = arith.constant 2 : i32
        %get3A_826 = arith.index_cast %get3A_825 : i32 to index
        %get3A_827 = arith.index_cast %scan3A_733 : i32 to index
        %get3A_828 = arith.constant 32 : index
        %get3A_829 = tpu.vector_load %arg14[%get3A_826, %get3A_827, %get3A_828] {strides = array<i32>} : memref<5x128x64xf32, #tpu.memory_space<vmem>>, vector<1x1x16xf32>,
        %get3A_830 = vector.shape_cast %get3A_829 : vector<1x1x16xf32> to vector<16xf32>
        %add3A_831 = arith.addf %add3A_824, %get3A_830 : vector<16xf32>
        %get3A_832 = arith.constant 3 : i32
        %get3A_833 = arith.index_cast %get3A_832 : i32 to index
        %get3A_834 = arith.index_cast %scan3A_733 : i32 to index
        %get3A_835 = arith.constant 32 : index
        %get3A_836 = tpu.vector_load %arg14[%get3A_833, %get3A_834, %get3A_835] {strides = array<i32>} : memref<5x128x64xf32, #tpu.memory_space<vmem>>, vector<1x1x16xf32>,
        %get3A_837 = vector.shape_cast %get3A_836 : vector<1x1x16xf32> to vector<16xf32>
        %add3A_838 = arith.addf %add3A_831, %get3A_837 : vector<16xf32>
        %get3A_839 = arith.constant 4 : i32
        %get3A_840 = arith.index_cast %get3A_839 : i32 to index
        %get3A_841 = arith.index_cast %scan3A_733 : i32 to index
        %get3A_842 = arith.constant 32 : index
        %get3A_843 = tpu.vector_load %arg14[%get3A_840, %get3A_841, %get3A_842] {strides = array<i32>} : memref<5x128x64xf32, #tpu.memory_space<vmem>>, vector<1x1x16xf32>,
        %get3A_844 = vector.shape_cast %get3A_843 : vector<1x1x16xf32> to vector<16xf32>
        %add3A_845 = arith.addf %add3A_838, %get3A_844 : vector<16xf32>
        %swap3A_846 = arith.index_cast %scan3A_733 : i32 to index
        %swap3A_847 = arith.constant 32 : index
        %swap3A_848 = tpu.vector_load %arg18[%swap3A_846, %swap3A_847] {strides = array<i32>} : memref<128x64xf32, #tpu.memory_space<vmem>>, vector<1x16xf32>,
        %swap3A_849 = vector.shape_cast %swap3A_848 : vector<1x16xf32> to vector<16xf32>
        %swap3A_850 = vector.shape_cast %add3A_845 : vector<16xf32> to vector<1x16xf32>
        tpu.vector_store %arg18[%swap3A_846, %swap3A_847], %swap3A_850 {strides = array<i32>} : memref<128x64xf32, #tpu.memory_space<vmem>>, vector<1x16xf32>,
        %get3A_851 = arith.constant 0 : i32
        %get3A_852 = arith.index_cast %get3A_851 : i32 to index
        %get3A_853 = arith.index_cast %scan3A_733 : i32 to index
        %get3A_854 = arith.constant 48 : index
        %get3A_855 = tpu.vector_load %arg14[%get3A_852, %get3A_853, %get3A_854] {strides = array<i32>} : memref<5x128x64xf32, #tpu.memory_space<vmem>>, vector<1x1x16xf32>,
        %get3A_856 = vector.shape_cast %get3A_855 : vector<1x1x16xf32> to vector<16xf32>
        %get3A_857 = arith.constant 1 : i32
        %get3A_858 = arith.index_cast %get3A_857 : i32 to index
        %get3A_859 = arith.index_cast %scan3A_733 : i32 to index
        %get3A_860 = arith.constant 48 : index
        %get3A_861 = tpu.vector_load %arg14[%get3A_858, %get3A_859, %get3A_860] {strides = array<i32>} : memref<5x128x64xf32, #tpu.memory_space<vmem>>, vector<1x1x16xf32>,
        %get3A_862 = vector.shape_cast %get3A_861 : vector<1x1x16xf32> to vector<16xf32>
        %add3A_863 = arith.addf %get3A_856, %get3A_862 : vector<16xf32>
        %get3A_864 = arith.constant 2 : i32
        %get3A_865 = arith.index_cast %get3A_864 : i32 to index
        %get3A_866 = arith.index_cast %scan3A_733 : i32 to index
        %get3A_867 = arith.constant 48 : index
        %get3A_868 = tpu.vector_load %arg14[%get3A_865, %get3A_866, %get3A_867] {strides = array<i32>} : memref<5x128x64xf32, #tpu.memory_space<vmem>>, vector<1x1x16xf32>,
        %get3A_869 = vector.shape_cast %get3A_868 : vector<1x1x16xf32> to vector<16xf32>
        %add3A_870 = arith.addf %add3A_863, %get3A_869 : vector<16xf32>
        %get3A_871 = arith.constant 3 : i32
        %get3A_872 = arith.index_cast %get3A_871 : i32 to index
        %get3A_873 = arith.index_cast %scan3A_733 : i32 to index
        %get3A_874 = arith.constant 48 : index
        %get3A_875 = tpu.vector_load %arg14[%get3A_872, %get3A_873, %get3A_874] {strides = array<i32>} : memref<5x128x64xf32, #tpu.memory_space<vmem>>, vector<1x1x16xf32>,
        %get3A_876 = vector.shape_cast %get3A_875 : vector<1x1x16xf32> to vector<16xf32>
        %add3A_877 = arith.addf %add3A_870, %get3A_876 : vector<16xf32>
        %get3A_878 = arith.constant 4 : i32
        %get3A_879 = arith.index_cast %get3A_878 : i32 to index
        %get3A_880 = arith.index_cast %scan3A_733 : i32 to index
        %get3A_881 = arith.constant 48 : index
        %get3A_882 = tpu.vector_load %arg14[%get3A_879, %get3A_880, %get3A_881] {strides = array<i32>} : memref<5x128x64xf32, #tpu.memory_space<vmem>>, vector<1x1x16xf32>,
        %get3A_883 = vector.shape_cast %get3A_882 : vector<1x1x16xf32> to vector<16xf32>
        %add3A_884 = arith.addf %add3A_877, %get3A_883 : vector<16xf32>
        %swap3A_885 = arith.index_cast %scan3A_733 : i32 to index
        %swap3A_886 = arith.constant 48 : index
        %swap3A_887 = tpu.vector_load %arg18[%swap3A_885, %swap3A_886] {strides = array<i32>} : memref<128x64xf32, #tpu.memory_space<vmem>>, vector<1x16xf32>,
        %swap3A_888 = vector.shape_cast %swap3A_887 : vector<1x16xf32> to vector<16xf32>
        %swap3A_889 = vector.shape_cast %add3A_884 : vector<16xf32> to vector<1x16xf32>
        tpu.vector_store %arg18[%swap3A_885, %swap3A_886], %swap3A_889 {strides = array<i32>} : memref<128x64xf32, #tpu.memory_space<vmem>>, vector<1x16xf32>,
      }
      %scan3A_405 = arith.constant 128 : i32
      %scan3A_406 = arith.constant 0 : i32
      %scan3A_407 = arith.constant 0 : i32
      %scan3A_408 = arith.constant 8 : i32
      %scan3A_409 = arith.addi %scan3A_407, %scan3A_408 : i32
      %scan3A_410 = arith.constant 1 : i32
      scf.for %scan3A_577 = %scan3A_407 to %scan3A_409 step %scan3A_410  : i32 {
        %mul3A_578 = arith.constant 16 : i32
        %mul3A_579 = arith.muli %scan3A_577, %mul3A_578 : i32
        %get3A = arith.constant 0 : i32
        %get3A_580 = arith.index_cast %get3A : i32 to index
        %get3A_581 = arith.index_cast %mul3A_579 : i32 to index
        %get3A_582 = tpu.vector_load %arg16[%get3A_580, %get3A_581] {strides = array<i32>} : memref<5x128xf32, #tpu.memory_space<vmem>>, vector<1x16xf32>,
        %get3A_583 = vector.shape_cast %get3A_582 : vector<1x16xf32> to vector<16xf32>
        %mul3A_584 = arith.constant 16 : i32
        %mul3A_585 = arith.muli %scan3A_577, %mul3A_584 : i32
        %get3A_586 = arith.constant 1 : i32
        %get3A_587 = arith.index_cast %get3A_586 : i32 to index
        %get3A_588 = arith.index_cast %mul3A_585 : i32 to index
        %get3A_589 = tpu.vector_load %arg16[%get3A_587, %get3A_588] {strides = array<i32>} : memref<5x128xf32, #tpu.memory_space<vmem>>, vector<1x16xf32>,
        %get3A_590 = vector.shape_cast %get3A_589 : vector<1x16xf32> to vector<16xf32>
        %add3A_591 = arith.addf %get3A_583, %get3A_590 : vector<16xf32>
        %mul3A_592 = arith.constant 16 : i32
        %mul3A_593 = arith.muli %scan3A_577, %mul3A_592 : i32
        %get3A_594 = arith.constant 2 : i32
        %get3A_595 = arith.index_cast %get3A_594 : i32 to index
        %get3A_596 = arith.index_cast %mul3A_593 : i32 to index
        %get3A_597 = tpu.vector_load %arg16[%get3A_595, %get3A_596] {strides = array<i32>} : memref<5x128xf32, #tpu.memory_space<vmem>>, vector<1x16xf32>,
        %get3A_598 = vector.shape_cast %get3A_597 : vector<1x16xf32> to vector<16xf32>
        %add3A_599 = arith.addf %add3A_591, %get3A_598 : vector<16xf32>
        %mul3A_600 = arith.constant 16 : i32
        %mul3A_601 = arith.muli %scan3A_577, %mul3A_600 : i32
        %get3A_602 = arith.constant 3 : i32
        %get3A_603 = arith.index_cast %get3A_602 : i32 to index
        %get3A_604 = arith.index_cast %mul3A_601 : i32 to index
        %get3A_605 = tpu.vector_load %arg16[%get3A_603, %get3A_604] {strides = array<i32>} : memref<5x128xf32, #tpu.memory_space<vmem>>, vector<1x16xf32>,
        %get3A_606 = vector.shape_cast %get3A_605 : vector<1x16xf32> to vector<16xf32>
        %add3A_607 = arith.addf %add3A_599, %get3A_606 : vector<16xf32>
        %mul3A_608 = arith.constant 16 : i32
        %mul3A_609 = arith.muli %scan3A_577, %mul3A_608 : i32
        %get3A_610 = arith.constant 4 : i32
        %get3A_611 = arith.index_cast %get3A_610 : i32 to index
        %get3A_612 = arith.index_cast %mul3A_609 : i32 to index
        %get3A_613 = tpu.vector_load %arg16[%get3A_611, %get3A_612] {strides = array<i32>} : memref<5x128xf32, #tpu.memory_space<vmem>>, vector<1x16xf32>,
        %get3A_614 = vector.shape_cast %get3A_613 : vector<1x16xf32> to vector<16xf32>
        %add3A_615 = arith.addf %add3A_607, %get3A_614 : vector<16xf32>
        %mul3A_616 = arith.constant 16 : i32
        %mul3A_617 = arith.muli %scan3A_577, %mul3A_616 : i32
        %swap3A = arith.index_cast %mul3A_617 : i32 to index
        %swap3A_618 = tpu.vector_load %arg20[%swap3A] {strides = array<i32>} : memref<128xf32, #tpu.memory_space<vmem>>, vector<16xf32>,
        %swap3A_619 = vector.shape_cast %swap3A_618 : vector<16xf32> to vector<16xf32>
        %swap3A_620 = vector.shape_cast %add3A_615 : vector<16xf32> to vector<16xf32>
        tpu.vector_store %arg20[%swap3A], %swap3A_620 {strides = array<i32>} : memref<128xf32, #tpu.memory_space<vmem>>, vector<16xf32>,
      }
      %scan3A_411 = arith.constant 8 : i32
      %mul3A_412 = arith.constant 128 : i32
      %mul3A_413 = arith.muli %scan3A_142, %mul3A_412 : i32
      %add3A_414 = arith.addi %mul3A_2, %mul3A_413 : i32
      %dma_start3A_415 = arith.constant 0 : i32
      %dma_start3A_416 = tpu.memref_slice %arg9[%add3A_414, %dma_start3A_415] : memref<204800x64xf32, #tpu.memory_space<hbm>> -> memref<128x64xf32, #tpu.memory_space<hbm>>
      %dma_start3A_417 = arith.constant 0 : i32
      %dma_start3A_418 = tpu.memref_slice %arg9[%add3A_414, %dma_start3A_417] : memref<204800x64xf32, #tpu.memory_space<hbm>> -> memref<128x64xf32, #tpu.memory_space<hbm>>
      tpu.enqueue_dma source(%arg18 : memref<128x64xf32, #tpu.memory_space<vmem>>) target(%dma_start3A_418 : memref<128x64xf32, #tpu.memory_space<hbm>>) target_semaphore(%arg26 : memref<!tpu.dma_semaphore, #tpu.memory_space<semaphore_mem>>)
      %dma_start3A_419 = tpu.memref_slice %arg8[%add3A_414] : memref<204800xf32, #tpu.memory_space<hbm>> -> memref<128xf32, #tpu.memory_space<hbm>>
      %dma_start3A_420 = tpu.memref_slice %arg8[%add3A_414] : memref<204800xf32, #tpu.memory_space<hbm>> -> memref<128xf32, #tpu.memory_space<hbm>>
      tpu.enqueue_dma source(%arg20 : memref<128xf32, #tpu.memory_space<vmem>>) target(%dma_start3A_420 : memref<128xf32, #tpu.memory_space<hbm>>) target_semaphore(%arg26 : memref<!tpu.dma_semaphore, #tpu.memory_space<semaphore_mem>>)
      %dma_wait3A_421 = arith.constant 0 : i32
      %dma_wait3A_422 = arith.constant 0 : i32
      %dma_wait3A_423 = arith.constant 0 : i32
      %dma_wait3A_424 = tpu.memref_slice %arg15[%dma_wait3A_421, %dma_wait3A_422, %dma_wait3A_423] : memref<5x128x64xf32, #tpu.memory_space<vmem>> -> memref<1x128x64xf32, #tpu.memory_space<vmem>>
      %dma_wait3A_425 = tpu.memref_squeeze %dma_wait3A_424 : memref<1x128x64xf32, #tpu.memory_space<vmem>> -> memref<128x64xf32, #tpu.memory_space<vmem>>
      %dma_wait3A_426 = arith.constant 0 : i32
      %dma_wait3A_427 = arith.constant 0 : i32
      %dma_wait3A_428 = tpu.memref_slice %arg7[%dma_wait3A_426, %dma_wait3A_427] : memref<100001x64xf32, #tpu.memory_space<hbm>> -> memref<128x64xf32, #tpu.memory_space<hbm>>
      %dma_wait3A_429 = arith.constant 0 : i32
      %dma_wait3A_430 = arith.constant 0 : i32
      %dma_wait3A_431 = tpu.memref_slice %arg15[%dma_wait3A_421, %dma_wait3A_429, %dma_wait3A_430] : memref<5x128x64xf32, #tpu.memory_space<vmem>> -> memref<1x128x64xf32, #tpu.memory_space<vmem>>
      %dma_wait3A_432 = tpu.memref_squeeze %dma_wait3A_431 : memref<1x128x64xf32, #tpu.memory_space<vmem>> -> memref<128x64xf32, #tpu.memory_space<vmem>>
      %dma_wait3A_433 = arith.constant 0 : i32
      %dma_wait3A_434 = arith.constant 0 : i32
      %dma_wait3A_435 = tpu.memref_slice %arg7[%dma_wait3A_433, %dma_wait3A_434] : memref<100001x64xf32, #tpu.memory_space<hbm>> -> memref<128x64xf32, #tpu.memory_space<hbm>>
      tpu.wait_dma2 semaphore(%arg23 : memref<!tpu.dma_semaphore, #tpu.memory_space<semaphore_mem>>) src(%dma_wait3A_435 : memref<128x64xf32, #tpu.memory_space<hbm>>) dst(%dma_wait3A_432 : memref<128x64xf32, #tpu.memory_space<vmem>>)
      %dma_wait3A_436 = arith.constant 1 : i32
      %dma_wait3A_437 = arith.constant 0 : i32
      %dma_wait3A_438 = arith.constant 0 : i32
      %dma_wait3A_439 = tpu.memref_slice %arg15[%dma_wait3A_436, %dma_wait3A_437, %dma_wait3A_438] : memref<5x128x64xf32, #tpu.memory_space<vmem>> -> memref<1x128x64xf32, #tpu.memory_space<vmem>>
      %dma_wait3A_440 = tpu.memref_squeeze %dma_wait3A_439 : memref<1x128x64xf32, #tpu.memory_space<vmem>> -> memref<128x64xf32, #tpu.memory_space<vmem>>
      %dma_wait3A_441 = arith.constant 0 : i32
      %dma_wait3A_442 = arith.constant 0 : i32
      %dma_wait3A_443 = tpu.memref_slice %arg7[%dma_wait3A_441, %dma_wait3A_442] : memref<100001x64xf32, #tpu.memory_space<hbm>> -> memref<128x64xf32, #tpu.memory_space<hbm>>
      %dma_wait3A_444 = arith.constant 0 : i32
      %dma_wait3A_445 = arith.constant 0 : i32
      %dma_wait3A_446 = tpu.memref_slice %arg15[%dma_wait3A_436, %dma_wait3A_444, %dma_wait3A_445] : memref<5x128x64xf32, #tpu.memory_space<vmem>> -> memref<1x128x64xf32, #tpu.memory_space<vmem>>
      %dma_wait3A_447 = tpu.memref_squeeze %dma_wait3A_446 : memref<1x128x64xf32, #tpu.memory_space<vmem>> -> memref<128x64xf32, #tpu.memory_space<vmem>>
      %dma_wait3A_448 = arith.constant 0 : i32
      %dma_wait3A_449 = arith.constant 0 : i32
      %dma_wait3A_450 = tpu.memref_slice %arg7[%dma_wait3A_448, %dma_wait3A_449] : memref<100001x64xf32, #tpu.memory_space<hbm>> -> memref<128x64xf32, #tpu.memory_space<hbm>>
      tpu.wait_dma2 semaphore(%arg23 : memref<!tpu.dma_semaphore, #tpu.memory_space<semaphore_mem>>) src(%dma_wait3A_450 : memref<128x64xf32, #tpu.memory_space<hbm>>) dst(%dma_wait3A_447 : memref<128x64xf32, #tpu.memory_space<vmem>>)
      %dma_wait3A_451 = arith.constant 2 : i32
      %dma_wait3A_452 = arith.constant 0 : i32
      %dma_wait3A_453 = arith.constant 0 : i32
      %dma_wait3A_454 = tpu.memref_slice %arg15[%dma_wait3A_451, %dma_wait3A_452, %dma_wait3A_453] : memref<5x128x64xf32, #tpu.memory_space<vmem>> -> memref<1x128x64xf32, #tpu.memory_space<vmem>>
      %dma_wait3A_455 = tpu.memref_squeeze %dma_wait3A_454 : memref<1x128x64xf32, #tpu.memory_space<vmem>> -> memref<128x64xf32, #tpu.memory_space<vmem>>
      %dma_wait3A_456 = arith.constant 0 : i32
      %dma_wait3A_457 = arith.constant 0 : i32
      %dma_wait3A_458 = tpu.memref_slice %arg7[%dma_wait3A_456, %dma_wait3A_457] : memref<100001x64xf32, #tpu.memory_space<hbm>> -> memref<128x64xf32, #tpu.memory_space<hbm>>
      %dma_wait3A_459 = arith.constant 0 : i32
      %dma_wait3A_460 = arith.constant 0 : i32
      %dma_wait3A_461 = tpu.memref_slice %arg15[%dma_wait3A_451, %dma_wait3A_459, %dma_wait3A_460] : memref<5x128x64xf32, #tpu.memory_space<vmem>> -> memref<1x128x64xf32, #tpu.memory_space<vmem>>
      %dma_wait3A_462 = tpu.memref_squeeze %dma_wait3A_461 : memref<1x128x64xf32, #tpu.memory_space<vmem>> -> memref<128x64xf32, #tpu.memory_space<vmem>>
      %dma_wait3A_463 = arith.constant 0 : i32
      %dma_wait3A_464 = arith.constant 0 : i32
      %dma_wait3A_465 = tpu.memref_slice %arg7[%dma_wait3A_463, %dma_wait3A_464] : memref<100001x64xf32, #tpu.memory_space<hbm>> -> memref<128x64xf32, #tpu.memory_space<hbm>>
      tpu.wait_dma2 semaphore(%arg23 : memref<!tpu.dma_semaphore, #tpu.memory_space<semaphore_mem>>) src(%dma_wait3A_465 : memref<128x64xf32, #tpu.memory_space<hbm>>) dst(%dma_wait3A_462 : memref<128x64xf32, #tpu.memory_space<vmem>>)
      %dma_wait3A_466 = arith.constant 3 : i32
      %dma_wait3A_467 = arith.constant 0 : i32
      %dma_wait3A_468 = arith.constant 0 : i32
      %dma_wait3A_469 = tpu.memref_slice %arg15[%dma_wait3A_466, %dma_wait3A_467, %dma_wait3A_468] : memref<5x128x64xf32, #tpu.memory_space<vmem>> -> memref<1x128x64xf32, #tpu.memory_space<vmem>>
      %dma_wait3A_470 = tpu.memref_squeeze %dma_wait3A_469 : memref<1x128x64xf32, #tpu.memory_space<vmem>> -> memref<128x64xf32, #tpu.memory_space<vmem>>
      %dma_wait3A_471 = arith.constant 0 : i32
      %dma_wait3A_472 = arith.constant 0 : i32
      %dma_wait3A_473 = tpu.memref_slice %arg7[%dma_wait3A_471, %dma_wait3A_472] : memref<100001x64xf32, #tpu.memory_space<hbm>> -> memref<128x64xf32, #tpu.memory_space<hbm>>
      %dma_wait3A_474 = arith.constant 0 : i32
      %dma_wait3A_475 = arith.constant 0 : i32
      %dma_wait3A_476 = tpu.memref_slice %arg15[%dma_wait3A_466, %dma_wait3A_474, %dma_wait3A_475] : memref<5x128x64xf32, #tpu.memory_space<vmem>> -> memref<1x128x64xf32, #tpu.memory_space<vmem>>
      %dma_wait3A_477 = tpu.memref_squeeze %dma_wait3A_476 : memref<1x128x64xf32, #tpu.memory_space<vmem>> -> memref<128x64xf32, #tpu.memory_space<vmem>>
      %dma_wait3A_478 = arith.constant 0 : i32
      %dma_wait3A_479 = arith.constant 0 : i32
      %dma_wait3A_480 = tpu.memref_slice %arg7[%dma_wait3A_478, %dma_wait3A_479] : memref<100001x64xf32, #tpu.memory_space<hbm>> -> memref<128x64xf32, #tpu.memory_space<hbm>>
      tpu.wait_dma2 semaphore(%arg23 : memref<!tpu.dma_semaphore, #tpu.memory_space<semaphore_mem>>) src(%dma_wait3A_480 : memref<128x64xf32, #tpu.memory_space<hbm>>) dst(%dma_wait3A_477 : memref<128x64xf32, #tpu.memory_space<vmem>>)
      %dma_wait3A_481 = arith.constant 4 : i32
      %dma_wait3A_482 = arith.constant 0 : i32
      %dma_wait3A_483 = arith.constant 0 : i32
      %dma_wait3A_484 = tpu.memref_slice %arg15[%dma_wait3A_481, %dma_wait3A_482, %dma_wait3A_483] : memref<5x128x64xf32, #tpu.memory_space<vmem>> -> memref<1x128x64xf32, #tpu.memory_space<vmem>>
      %dma_wait3A_485 = tpu.memref_squeeze %dma_wait3A_484 : memref<1x128x64xf32, #tpu.memory_space<vmem>> -> memref<128x64xf32, #tpu.memory_space<vmem>>
      %dma_wait3A_486 = arith.constant 0 : i32
      %dma_wait3A_487 = arith.constant 0 : i32
      %dma_wait3A_488 = tpu.memref_slice %arg7[%dma_wait3A_486, %dma_wait3A_487] : memref<100001x64xf32, #tpu.memory_space<hbm>> -> memref<128x64xf32, #tpu.memory_space<hbm>>
      %dma_wait3A_489 = arith.constant 0 : i32
      %dma_wait3A_490 = arith.constant 0 : i32
      %dma_wait3A_491 = tpu.memref_slice %arg15[%dma_wait3A_481, %dma_wait3A_489, %dma_wait3A_490] : memref<5x128x64xf32, #tpu.memory_space<vmem>> -> memref<1x128x64xf32, #tpu.memory_space<vmem>>
      %dma_wait3A_492 = tpu.memref_squeeze %dma_wait3A_491 : memref<1x128x64xf32, #tpu.memory_space<vmem>> -> memref<128x64xf32, #tpu.memory_space<vmem>>
      %dma_wait3A_493 = arith.constant 0 : i32
      %dma_wait3A_494 = arith.constant 0 : i32
      %dma_wait3A_495 = tpu.memref_slice %arg7[%dma_wait3A_493, %dma_wait3A_494] : memref<100001x64xf32, #tpu.memory_space<hbm>> -> memref<128x64xf32, #tpu.memory_space<hbm>>
      tpu.wait_dma2 semaphore(%arg23 : memref<!tpu.dma_semaphore, #tpu.memory_space<semaphore_mem>>) src(%dma_wait3A_495 : memref<128x64xf32, #tpu.memory_space<hbm>>) dst(%dma_wait3A_492 : memref<128x64xf32, #tpu.memory_space<vmem>>)
      %dma_wait3A_496 = arith.constant 0 : i32
      %dma_wait3A_497 = arith.constant 0 : i32
      %dma_wait3A_498 = tpu.memref_slice %arg17[%dma_wait3A_496, %dma_wait3A_497] : memref<5x128xf32, #tpu.memory_space<vmem>> -> memref<1x128xf32, #tpu.memory_space<vmem>>
      %dma_wait3A_499 = tpu.memref_squeeze %dma_wait3A_498 : memref<1x128xf32, #tpu.memory_space<vmem>> -> memref<128xf32, #tpu.memory_space<vmem>>
      %dma_wait3A_500 = arith.constant 0 : i32
      %dma_wait3A_501 = tpu.memref_slice %arg6[%dma_wait3A_500] : memref<100001xf32, #tpu.memory_space<hbm>> -> memref<128xf32, #tpu.memory_space<hbm>>
      %dma_wait3A_502 = arith.constant 0 : i32
      %dma_wait3A_503 = tpu.memref_slice %arg17[%dma_wait3A_496, %dma_wait3A_502] : memref<5x128xf32, #tpu.memory_space<vmem>> -> memref<1x128xf32, #tpu.memory_space<vmem>>
      %dma_wait3A_504 = tpu.memref_squeeze %dma_wait3A_503 : memref<1x128xf32, #tpu.memory_space<vmem>> -> memref<128xf32, #tpu.memory_space<vmem>>
      %dma_wait3A_505 = arith.constant 0 : i32
      %dma_wait3A_506 = tpu.memref_slice %arg6[%dma_wait3A_505] : memref<100001xf32, #tpu.memory_space<hbm>> -> memref<128xf32, #tpu.memory_space<hbm>>
      tpu.wait_dma2 semaphore(%arg23 : memref<!tpu.dma_semaphore, #tpu.memory_space<semaphore_mem>>) src(%dma_wait3A_506 : memref<128xf32, #tpu.memory_space<hbm>>) dst(%dma_wait3A_504 : memref<128xf32, #tpu.memory_space<vmem>>)
      %dma_wait3A_507 = arith.constant 1 : i32
      %dma_wait3A_508 = arith.constant 0 : i32
      %dma_wait3A_509 = tpu.memref_slice %arg17[%dma_wait3A_507, %dma_wait3A_508] : memref<5x128xf32, #tpu.memory_space<vmem>> -> memref<1x128xf32, #tpu.memory_space<vmem>>
      %dma_wait3A_510 = tpu.memref_squeeze %dma_wait3A_509 : memref<1x128xf32, #tpu.memory_space<vmem>> -> memref<128xf32, #tpu.memory_space<vmem>>
      %dma_wait3A_511 = arith.constant 0 : i32
      %dma_wait3A_512 = tpu.memref_slice %arg6[%dma_wait3A_511] : memref<100001xf32, #tpu.memory_space<hbm>> -> memref<128xf32, #tpu.memory_space<hbm>>
      %dma_wait3A_513 = arith.constant 0 : i32
      %dma_wait3A_514 = tpu.memref_slice %arg17[%dma_wait3A_507, %dma_wait3A_513] : memref<5x128xf32, #tpu.memory_space<vmem>> -> memref<1x128xf32, #tpu.memory_space<vmem>>
      %dma_wait3A_515 = tpu.memref_squeeze %dma_wait3A_514 : memref<1x128xf32, #tpu.memory_space<vmem>> -> memref<128xf32, #tpu.memory_space<vmem>>
      %dma_wait3A_516 = arith.constant 0 : i32
      %dma_wait3A_517 = tpu.memref_slice %arg6[%dma_wait3A_516] : memref<100001xf32, #tpu.memory_space<hbm>> -> memref<128xf32, #tpu.memory_space<hbm>>
      tpu.wait_dma2 semaphore(%arg23 : memref<!tpu.dma_semaphore, #tpu.memory_space<semaphore_mem>>) src(%dma_wait3A_517 : memref<128xf32, #tpu.memory_space<hbm>>) dst(%dma_wait3A_515 : memref<128xf32, #tpu.memory_space<vmem>>)
      %dma_wait3A_518 = arith.constant 2 : i32
      %dma_wait3A_519 = arith.constant 0 : i32
      %dma_wait3A_520 = tpu.memref_slice %arg17[%dma_wait3A_518, %dma_wait3A_519] : memref<5x128xf32, #tpu.memory_space<vmem>> -> memref<1x128xf32, #tpu.memory_space<vmem>>
      %dma_wait3A_521 = tpu.memref_squeeze %dma_wait3A_520 : memref<1x128xf32, #tpu.memory_space<vmem>> -> memref<128xf32, #tpu.memory_space<vmem>>
      %dma_wait3A_522 = arith.constant 0 : i32
      %dma_wait3A_523 = tpu.memref_slice %arg6[%dma_wait3A_522] : memref<100001xf32, #tpu.memory_space<hbm>> -> memref<128xf32, #tpu.memory_space<hbm>>
      %dma_wait3A_524 = arith.constant 0 : i32
      %dma_wait3A_525 = tpu.memref_slice %arg17[%dma_wait3A_518, %dma_wait3A_524] : memref<5x128xf32, #tpu.memory_space<vmem>> -> memref<1x128xf32, #tpu.memory_space<vmem>>
      %dma_wait3A_526 = tpu.memref_squeeze %dma_wait3A_525 : memref<1x128xf32, #tpu.memory_space<vmem>> -> memref<128xf32, #tpu.memory_space<vmem>>
      %dma_wait3A_527 = arith.constant 0 : i32
      %dma_wait3A_528 = tpu.memref_slice %arg6[%dma_wait3A_527] : memref<100001xf32, #tpu.memory_space<hbm>> -> memref<128xf32, #tpu.memory_space<hbm>>
      tpu.wait_dma2 semaphore(%arg23 : memref<!tpu.dma_semaphore, #tpu.memory_space<semaphore_mem>>) src(%dma_wait3A_528 : memref<128xf32, #tpu.memory_space<hbm>>) dst(%dma_wait3A_526 : memref<128xf32, #tpu.memory_space<vmem>>)
      %dma_wait3A_529 = arith.constant 3 : i32
      %dma_wait3A_530 = arith.constant 0 : i32
      %dma_wait3A_531 = tpu.memref_slice %arg17[%dma_wait3A_529, %dma_wait3A_530] : memref<5x128xf32, #tpu.memory_space<vmem>> -> memref<1x128xf32, #tpu.memory_space<vmem>>
      %dma_wait3A_532 = tpu.memref_squeeze %dma_wait3A_531 : memref<1x128xf32, #tpu.memory_space<vmem>> -> memref<128xf32, #tpu.memory_space<vmem>>
      %dma_wait3A_533 = arith.constant 0 : i32
      %dma_wait3A_534 = tpu.memref_slice %arg6[%dma_wait3A_533] : memref<100001xf32, #tpu.memory_space<hbm>> -> memref<128xf32, #tpu.memory_space<hbm>>
      %dma_wait3A_535 = arith.constant 0 : i32
      %dma_wait3A_536 = tpu.memref_slice %arg17[%dma_wait3A_529, %dma_wait3A_535] : memref<5x128xf32, #tpu.memory_space<vmem>> -> memref<1x128xf32, #tpu.memory_space<vmem>>
      %dma_wait3A_537 = tpu.memref_squeeze %dma_wait3A_536 : memref<1x128xf32, #tpu.memory_space<vmem>> -> memref<128xf32, #tpu.memory_space<vmem>>
      %dma_wait3A_538 = arith.constant 0 : i32
      %dma_wait3A_539 = tpu.memref_slice %arg6[%dma_wait3A_538] : memref<100001xf32, #tpu.memory_space<hbm>> -> memref<128xf32, #tpu.memory_space<hbm>>
      tpu.wait_dma2 semaphore(%arg23 : memref<!tpu.dma_semaphore, #tpu.memory_space<semaphore_mem>>) src(%dma_wait3A_539 : memref<128xf32, #tpu.memory_space<hbm>>) dst(%dma_wait3A_537 : memref<128xf32, #tpu.memory_space<vmem>>)
      %dma_wait3A_540 = arith.constant 4 : i32
      %dma_wait3A_541 = arith.constant 0 : i32
      %dma_wait3A_542 = tpu.memref_slice %arg17[%dma_wait3A_540, %dma_wait3A_541] : memref<5x128xf32, #tpu.memory_space<vmem>> -> memref<1x128xf32, #tpu.memory_space<vmem>>
      %dma_wait3A_543 = tpu.memref_squeeze %dma_wait3A_542 : memref<1x128xf32, #tpu.memory_space<vmem>> -> memref<128xf32, #tpu.memory_space<vmem>>
      %dma_wait3A_544 = arith.constant 0 : i32
      %dma_wait3A_545 = tpu.memref_slice %arg6[%dma_wait3A_544] : memref<100001xf32, #tpu.memory_space<hbm>> -> memref<128xf32, #tpu.memory_space<hbm>>
      %dma_wait3A_546 = arith.constant 0 : i32
      %dma_wait3A_547 = tpu.memref_slice %arg17[%dma_wait3A_540, %dma_wait3A_546] : memref<5x128xf32, #tpu.memory_space<vmem>> -> memref<1x128xf32, #tpu.memory_space<vmem>>
      %dma_wait3A_548 = tpu.memref_squeeze %dma_wait3A_547 : memref<1x128xf32, #tpu.memory_space<vmem>> -> memref<128xf32, #tpu.memory_space<vmem>>
      %dma_wait3A_549 = arith.constant 0 : i32
      %dma_wait3A_550 = tpu.memref_slice %arg6[%dma_wait3A_549] : memref<100001xf32, #tpu.memory_space<hbm>> -> memref<128xf32, #tpu.memory_space<hbm>>
      tpu.wait_dma2 semaphore(%arg23 : memref<!tpu.dma_semaphore, #tpu.memory_space<semaphore_mem>>) src(%dma_wait3A_550 : memref<128xf32, #tpu.memory_space<hbm>>) dst(%dma_wait3A_548 : memref<128xf32, #tpu.memory_space<vmem>>)
      %lt3A_551 = arith.constant 49 : i32
      %lt3A_552 = arith.cmpi slt, %scan3A_142, %lt3A_551 : i32
      %convert_element_type3A_553 = arith.extui %lt3A_552 : i1 to i32
      %cond3A_554 = arith.constant 0 : i32
      %cond3A_555 = arith.cmpi ne, %convert_element_type3A_553, %cond3A_554 : i32
      scf.if %cond3A_555 {
        %add3A_577 = arith.constant 1 : i32
        %add3A_578 = arith.addi %scan3A_142, %add3A_577 : i32
        %mul3A_579 = arith.constant 128 : i32
        %mul3A_580 = arith.muli %add3A_578, %mul3A_579 : i32
        %add3A_581 = arith.addi %mul3A_2, %mul3A_580 : i32
        %dma_start3A_582 = arith.constant 0 : i32
        %dma_start3A_583 = tpu.memref_slice %arg3[%dma_start3A_582, %add3A_581] : memref<5x204800xi32, #tpu.memory_space<hbm>> -> memref<5x128xi32, #tpu.memory_space<hbm>>
        %dma_start3A_584 = arith.constant 0 : i32
        %dma_start3A_585 = tpu.memref_slice %arg3[%dma_start3A_584, %add3A_581] : memref<5x204800xi32, #tpu.memory_space<hbm>> -> memref<5x128xi32, #tpu.memory_space<hbm>>
        tpu.enqueue_dma source(%dma_start3A_585 : memref<5x128xi32, #tpu.memory_space<hbm>>) target(%arg13 : memref<5x128xi32, #tpu.memory_space<vmem>>) target_semaphore(%arg25 : memref<!tpu.dma_semaphore, #tpu.memory_space<semaphore_mem>>)
        %dma_wait3A_586 = arith.constant 0 : i32
        %dma_wait3A_587 = arith.constant 0 : i32
        %dma_wait3A_588 = tpu.memref_slice %arg2[%dma_wait3A_586, %dma_wait3A_587] : memref<5x204800xi32, #tpu.memory_space<hbm>> -> memref<5x128xi32, #tpu.memory_space<hbm>>
        %dma_wait3A_589 = arith.constant 0 : i32
        %dma_wait3A_590 = arith.constant 0 : i32
        %dma_wait3A_591 = tpu.memref_slice %arg2[%dma_wait3A_589, %dma_wait3A_590] : memref<5x204800xi32, #tpu.memory_space<hbm>> -> memref<5x128xi32, #tpu.memory_space<hbm>>
        tpu.wait_dma2 semaphore(%arg24 : memref<!tpu.dma_semaphore, #tpu.memory_space<semaphore_mem>>) src(%dma_wait3A_591 : memref<5x128xi32, #tpu.memory_space<hbm>>) dst(%arg12 : memref<5x128xi32, #tpu.memory_space<vmem>>)
        %dma_start3A_592 = arith.constant 0 : i32
        %dma_start3A_593 = arith.constant 0 : i32
        %dma_start3A_594 = arith.constant 0 : i32
        %dma_start3A_595 = arith.constant 0 : i32
        %dma_start3A_596 = tpu.memref_slice %arg14[%dma_start3A_593, %dma_start3A_594, %dma_start3A_595] : memref<5x128x64xf32, #tpu.memory_space<vmem>> -> memref<1x128x64xf32, #tpu.memory_space<vmem>>
        %dma_start3A_597 = tpu.memref_squeeze %dma_start3A_596 : memref<1x128x64xf32, #tpu.memory_space<vmem>> -> memref<128x64xf32, #tpu.memory_space<vmem>>
        %dma_start3A_598 = arith.constant 0 : i32
        %dma_start3A_599 = tpu.memref_slice %arg12[%dma_start3A_592, %dma_start3A_598] : memref<5x128xi32, #tpu.memory_space<vmem>> -> memref<1x128xi32, #tpu.memory_space<vmem>>
        %dma_start3A_600 = tpu.memref_squeeze %dma_start3A_599 : memref<1x128xi32, #tpu.memory_space<vmem>> -> memref<128xi32, #tpu.memory_space<vmem>>
        %dma_start3A_601 = arith.constant 0 : i32
        %dma_start3A_602 = arith.constant 0 : i32
        %dma_start3A_603 = tpu.memref_slice %arg5[%dma_start3A_601, %dma_start3A_602] : memref<100001x64xf32, #tpu.memory_space<hbm>> -> memref<100001x64xf32, #tpu.memory_space<hbm>>
        tpu.enqueue_indirect_dma source(%dma_start3A_603 : memref<100001x64xf32, #tpu.memory_space<hbm>>) target(%dma_start3A_597 : memref<128x64xf32, #tpu.memory_space<vmem>>) offsets(%dma_start3A_600 : memref<128xi32, #tpu.memory_space<vmem>>) semaphore(%arg22 : memref<!tpu.dma_semaphore, #tpu.memory_space<semaphore_mem>>)
        %dma_start3A_604 = arith.constant 1 : i32
        %dma_start3A_605 = arith.constant 1 : i32
        %dma_start3A_606 = arith.constant 0 : i32
        %dma_start3A_607 = arith.constant 0 : i32
        %dma_start3A_608 = tpu.memref_slice %arg14[%dma_start3A_605, %dma_start3A_606, %dma_start3A_607] : memref<5x128x64xf32, #tpu.memory_space<vmem>> -> memref<1x128x64xf32, #tpu.memory_space<vmem>>
        %dma_start3A_609 = tpu.memref_squeeze %dma_start3A_608 : memref<1x128x64xf32, #tpu.memory_space<vmem>> -> memref<128x64xf32, #tpu.memory_space<vmem>>
        %dma_start3A_610 = arith.constant 0 : i32
        %dma_start3A_611 = tpu.memref_slice %arg12[%dma_start3A_604, %dma_start3A_610] : memref<5x128xi32, #tpu.memory_space<vmem>> -> memref<1x128xi32, #tpu.memory_space<vmem>>
        %dma_start3A_612 = tpu.memref_squeeze %dma_start3A_611 : memref<1x128xi32, #tpu.memory_space<vmem>> -> memref<128xi32, #tpu.memory_space<vmem>>
        %dma_start3A_613 = arith.constant 0 : i32
        %dma_start3A_614 = arith.constant 0 : i32
        %dma_start3A_615 = tpu.memref_slice %arg5[%dma_start3A_613, %dma_start3A_614] : memref<100001x64xf32, #tpu.memory_space<hbm>> -> memref<100001x64xf32, #tpu.memory_space<hbm>>
        tpu.enqueue_indirect_dma source(%dma_start3A_615 : memref<100001x64xf32, #tpu.memory_space<hbm>>) target(%dma_start3A_609 : memref<128x64xf32, #tpu.memory_space<vmem>>) offsets(%dma_start3A_612 : memref<128xi32, #tpu.memory_space<vmem>>) semaphore(%arg22 : memref<!tpu.dma_semaphore, #tpu.memory_space<semaphore_mem>>)
        %dma_start3A_616 = arith.constant 2 : i32
        %dma_start3A_617 = arith.constant 2 : i32
        %dma_start3A_618 = arith.constant 0 : i32
        %dma_start3A_619 = arith.constant 0 : i32
        %dma_start3A_620 = tpu.memref_slice %arg14[%dma_start3A_617, %dma_start3A_618, %dma_start3A_619] : memref<5x128x64xf32, #tpu.memory_space<vmem>> -> memref<1x128x64xf32, #tpu.memory_space<vmem>>
        %dma_start3A_621 = tpu.memref_squeeze %dma_start3A_620 : memref<1x128x64xf32, #tpu.memory_space<vmem>> -> memref<128x64xf32, #tpu.memory_space<vmem>>
        %dma_start3A_622 = arith.constant 0 : i32
        %dma_start3A_623 = tpu.memref_slice %arg12[%dma_start3A_616, %dma_start3A_622] : memref<5x128xi32, #tpu.memory_space<vmem>> -> memref<1x128xi32, #tpu.memory_space<vmem>>
        %dma_start3A_624 = tpu.memref_squeeze %dma_start3A_623 : memref<1x128xi32, #tpu.memory_space<vmem>> -> memref<128xi32, #tpu.memory_space<vmem>>
        %dma_start3A_625 = arith.constant 0 : i32
        %dma_start3A_626 = arith.constant 0 : i32
        %dma_start3A_627 = tpu.memref_slice %arg5[%dma_start3A_625, %dma_start3A_626] : memref<100001x64xf32, #tpu.memory_space<hbm>> -> memref<100001x64xf32, #tpu.memory_space<hbm>>
        tpu.enqueue_indirect_dma source(%dma_start3A_627 : memref<100001x64xf32, #tpu.memory_space<hbm>>) target(%dma_start3A_621 : memref<128x64xf32, #tpu.memory_space<vmem>>) offsets(%dma_start3A_624 : memref<128xi32, #tpu.memory_space<vmem>>) semaphore(%arg22 : memref<!tpu.dma_semaphore, #tpu.memory_space<semaphore_mem>>)
        %dma_start3A_628 = arith.constant 3 : i32
        %dma_start3A_629 = arith.constant 3 : i32
        %dma_start3A_630 = arith.constant 0 : i32
        %dma_start3A_631 = arith.constant 0 : i32
        %dma_start3A_632 = tpu.memref_slice %arg14[%dma_start3A_629, %dma_start3A_630, %dma_start3A_631] : memref<5x128x64xf32, #tpu.memory_space<vmem>> -> memref<1x128x64xf32, #tpu.memory_space<vmem>>
        %dma_start3A_633 = tpu.memref_squeeze %dma_start3A_632 : memref<1x128x64xf32, #tpu.memory_space<vmem>> -> memref<128x64xf32, #tpu.memory_space<vmem>>
        %dma_start3A_634 = arith.constant 0 : i32
        %dma_start3A_635 = tpu.memref_slice %arg12[%dma_start3A_628, %dma_start3A_634] : memref<5x128xi32, #tpu.memory_space<vmem>> -> memref<1x128xi32, #tpu.memory_space<vmem>>
        %dma_start3A_636 = tpu.memref_squeeze %dma_start3A_635 : memref<1x128xi32, #tpu.memory_space<vmem>> -> memref<128xi32, #tpu.memory_space<vmem>>
        %dma_start3A_637 = arith.constant 0 : i32
        %dma_start3A_638 = arith.constant 0 : i32
        %dma_start3A_639 = tpu.memref_slice %arg5[%dma_start3A_637, %dma_start3A_638] : memref<100001x64xf32, #tpu.memory_space<hbm>> -> memref<100001x64xf32, #tpu.memory_space<hbm>>
        tpu.enqueue_indirect_dma source(%dma_start3A_639 : memref<100001x64xf32, #tpu.memory_space<hbm>>) target(%dma_start3A_633 : memref<128x64xf32, #tpu.memory_space<vmem>>) offsets(%dma_start3A_636 : memref<128xi32, #tpu.memory_space<vmem>>) semaphore(%arg22 : memref<!tpu.dma_semaphore, #tpu.memory_space<semaphore_mem>>)
        %dma_start3A_640 = arith.constant 4 : i32
        %dma_start3A_641 = arith.constant 4 : i32
        %dma_start3A_642 = arith.constant 0 : i32
        %dma_start3A_643 = arith.constant 0 : i32
        %dma_start3A_644 = tpu.memref_slice %arg14[%dma_start3A_641, %dma_start3A_642, %dma_start3A_643] : memref<5x128x64xf32, #tpu.memory_space<vmem>> -> memref<1x128x64xf32, #tpu.memory_space<vmem>>
        %dma_start3A_645 = tpu.memref_squeeze %dma_start3A_644 : memref<1x128x64xf32, #tpu.memory_space<vmem>> -> memref<128x64xf32, #tpu.memory_space<vmem>>
        %dma_start3A_646 = arith.constant 0 : i32
        %dma_start3A_647 = tpu.memref_slice %arg12[%dma_start3A_640, %dma_start3A_646] : memref<5x128xi32, #tpu.memory_space<vmem>> -> memref<1x128xi32, #tpu.memory_space<vmem>>
        %dma_start3A_648 = tpu.memref_squeeze %dma_start3A_647 : memref<1x128xi32, #tpu.memory_space<vmem>> -> memref<128xi32, #tpu.memory_space<vmem>>
        %dma_start3A_649 = arith.constant 0 : i32
        %dma_start3A_650 = arith.constant 0 : i32
        %dma_start3A_651 = tpu.memref_slice %arg5[%dma_start3A_649, %dma_start3A_650] : memref<100001x64xf32, #tpu.memory_space<hbm>> -> memref<100001x64xf32, #tpu.memory_space<hbm>>
        tpu.enqueue_indirect_dma source(%dma_start3A_651 : memref<100001x64xf32, #tpu.memory_space<hbm>>) target(%dma_start3A_645 : memref<128x64xf32, #tpu.memory_space<vmem>>) offsets(%dma_start3A_648 : memref<128xi32, #tpu.memory_space<vmem>>) semaphore(%arg22 : memref<!tpu.dma_semaphore, #tpu.memory_space<semaphore_mem>>)
        %dma_start3A_652 = arith.constant 0 : i32
        %dma_start3A_653 = arith.constant 0 : i32
        %dma_start3A_654 = arith.constant 0 : i32
        %dma_start3A_655 = tpu.memref_slice %arg16[%dma_start3A_653, %dma_start3A_654] : memref<5x128xf32, #tpu.memory_space<vmem>> -> memref<1x128xf32, #tpu.memory_space<vmem>>
        %dma_start3A_656 = tpu.memref_squeeze %dma_start3A_655 : memref<1x128xf32, #tpu.memory_space<vmem>> -> memref<128xf32, #tpu.memory_space<vmem>>
        %dma_start3A_657 = arith.constant 0 : i32
        %dma_start3A_658 = tpu.memref_slice %arg12[%dma_start3A_652, %dma_start3A_657] : memref<5x128xi32, #tpu.memory_space<vmem>> -> memref<1x128xi32, #tpu.memory_space<vmem>>
        %dma_start3A_659 = tpu.memref_squeeze %dma_start3A_658 : memref<1x128xi32, #tpu.memory_space<vmem>> -> memref<128xi32, #tpu.memory_space<vmem>>
        %dma_start3A_660 = arith.constant 0 : i32
        %dma_start3A_661 = tpu.memref_slice %arg4[%dma_start3A_660] : memref<100001xf32, #tpu.memory_space<hbm>> -> memref<100001xf32, #tpu.memory_space<hbm>>
        tpu.enqueue_indirect_dma source(%dma_start3A_661 : memref<100001xf32, #tpu.memory_space<hbm>>) target(%dma_start3A_656 : memref<128xf32, #tpu.memory_space<vmem>>) offsets(%dma_start3A_659 : memref<128xi32, #tpu.memory_space<vmem>>) semaphore(%arg22 : memref<!tpu.dma_semaphore, #tpu.memory_space<semaphore_mem>>)
        %dma_start3A_662 = arith.constant 1 : i32
        %dma_start3A_663 = arith.constant 1 : i32
        %dma_start3A_664 = arith.constant 0 : i32
        %dma_start3A_665 = tpu.memref_slice %arg16[%dma_start3A_663, %dma_start3A_664] : memref<5x128xf32, #tpu.memory_space<vmem>> -> memref<1x128xf32, #tpu.memory_space<vmem>>
        %dma_start3A_666 = tpu.memref_squeeze %dma_start3A_665 : memref<1x128xf32, #tpu.memory_space<vmem>> -> memref<128xf32, #tpu.memory_space<vmem>>
        %dma_start3A_667 = arith.constant 0 : i32
        %dma_start3A_668 = tpu.memref_slice %arg12[%dma_start3A_662, %dma_start3A_667] : memref<5x128xi32, #tpu.memory_space<vmem>> -> memref<1x128xi32, #tpu.memory_space<vmem>>
        %dma_start3A_669 = tpu.memref_squeeze %dma_start3A_668 : memref<1x128xi32, #tpu.memory_space<vmem>> -> memref<128xi32, #tpu.memory_space<vmem>>
        %dma_start3A_670 = arith.constant 0 : i32
        %dma_start3A_671 = tpu.memref_slice %arg4[%dma_start3A_670] : memref<100001xf32, #tpu.memory_space<hbm>> -> memref<100001xf32, #tpu.memory_space<hbm>>
        tpu.enqueue_indirect_dma source(%dma_start3A_671 : memref<100001xf32, #tpu.memory_space<hbm>>) target(%dma_start3A_666 : memref<128xf32, #tpu.memory_space<vmem>>) offsets(%dma_start3A_669 : memref<128xi32, #tpu.memory_space<vmem>>) semaphore(%arg22 : memref<!tpu.dma_semaphore, #tpu.memory_space<semaphore_mem>>)
        %dma_start3A_672 = arith.constant 2 : i32
        %dma_start3A_673 = arith.constant 2 : i32
        %dma_start3A_674 = arith.constant 0 : i32
        %dma_start3A_675 = tpu.memref_slice %arg16[%dma_start3A_673, %dma_start3A_674] : memref<5x128xf32, #tpu.memory_space<vmem>> -> memref<1x128xf32, #tpu.memory_space<vmem>>
        %dma_start3A_676 = tpu.memref_squeeze %dma_start3A_675 : memref<1x128xf32, #tpu.memory_space<vmem>> -> memref<128xf32, #tpu.memory_space<vmem>>
        %dma_start3A_677 = arith.constant 0 : i32
        %dma_start3A_678 = tpu.memref_slice %arg12[%dma_start3A_672, %dma_start3A_677] : memref<5x128xi32, #tpu.memory_space<vmem>> -> memref<1x128xi32, #tpu.memory_space<vmem>>
        %dma_start3A_679 = tpu.memref_squeeze %dma_start3A_678 : memref<1x128xi32, #tpu.memory_space<vmem>> -> memref<128xi32, #tpu.memory_space<vmem>>
        %dma_start3A_680 = arith.constant 0 : i32
        %dma_start3A_681 = tpu.memref_slice %arg4[%dma_start3A_680] : memref<100001xf32, #tpu.memory_space<hbm>> -> memref<100001xf32, #tpu.memory_space<hbm>>
        tpu.enqueue_indirect_dma source(%dma_start3A_681 : memref<100001xf32, #tpu.memory_space<hbm>>) target(%dma_start3A_676 : memref<128xf32, #tpu.memory_space<vmem>>) offsets(%dma_start3A_679 : memref<128xi32, #tpu.memory_space<vmem>>) semaphore(%arg22 : memref<!tpu.dma_semaphore, #tpu.memory_space<semaphore_mem>>)
        %dma_start3A_682 = arith.constant 3 : i32
        %dma_start3A_683 = arith.constant 3 : i32
        %dma_start3A_684 = arith.constant 0 : i32
        %dma_start3A_685 = tpu.memref_slice %arg16[%dma_start3A_683, %dma_start3A_684] : memref<5x128xf32, #tpu.memory_space<vmem>> -> memref<1x128xf32, #tpu.memory_space<vmem>>
        %dma_start3A_686 = tpu.memref_squeeze %dma_start3A_685 : memref<1x128xf32, #tpu.memory_space<vmem>> -> memref<128xf32, #tpu.memory_space<vmem>>
        %dma_start3A_687 = arith.constant 0 : i32
        %dma_start3A_688 = tpu.memref_slice %arg12[%dma_start3A_682, %dma_start3A_687] : memref<5x128xi32, #tpu.memory_space<vmem>> -> memref<1x128xi32, #tpu.memory_space<vmem>>
        %dma_start3A_689 = tpu.memref_squeeze %dma_start3A_688 : memref<1x128xi32, #tpu.memory_space<vmem>> -> memref<128xi32, #tpu.memory_space<vmem>>
        %dma_start3A_690 = arith.constant 0 : i32
        %dma_start3A_691 = tpu.memref_slice %arg4[%dma_start3A_690] : memref<100001xf32, #tpu.memory_space<hbm>> -> memref<100001xf32, #tpu.memory_space<hbm>>
        tpu.enqueue_indirect_dma source(%dma_start3A_691 : memref<100001xf32, #tpu.memory_space<hbm>>) target(%dma_start3A_686 : memref<128xf32, #tpu.memory_space<vmem>>) offsets(%dma_start3A_689 : memref<128xi32, #tpu.memory_space<vmem>>) semaphore(%arg22 : memref<!tpu.dma_semaphore, #tpu.memory_space<semaphore_mem>>)
        %dma_start3A_692 = arith.constant 4 : i32
        %dma_start3A_693 = arith.constant 4 : i32
        %dma_start3A_694 = arith.constant 0 : i32
        %dma_start3A_695 = tpu.memref_slice %arg16[%dma_start3A_693, %dma_start3A_694] : memref<5x128xf32, #tpu.memory_space<vmem>> -> memref<1x128xf32, #tpu.memory_space<vmem>>
        %dma_start3A_696 = tpu.memref_squeeze %dma_start3A_695 : memref<1x128xf32, #tpu.memory_space<vmem>> -> memref<128xf32, #tpu.memory_space<vmem>>
        %dma_start3A_697 = arith.constant 0 : i32
        %dma_start3A_698 = tpu.memref_slice %arg12[%dma_start3A_692, %dma_start3A_697] : memref<5x128xi32, #tpu.memory_space<vmem>> -> memref<1x128xi32, #tpu.memory_space<vmem>>
        %dma_start3A_699 = tpu.memref_squeeze %dma_start3A_698 : memref<1x128xi32, #tpu.memory_space<vmem>> -> memref<128xi32, #tpu.memory_space<vmem>>
        %dma_start3A_700 = arith.constant 0 : i32
        %dma_start3A_701 = tpu.memref_slice %arg4[%dma_start3A_700] : memref<100001xf32, #tpu.memory_space<hbm>> -> memref<100001xf32, #tpu.memory_space<hbm>>
        tpu.enqueue_indirect_dma source(%dma_start3A_701 : memref<100001xf32, #tpu.memory_space<hbm>>) target(%dma_start3A_696 : memref<128xf32, #tpu.memory_space<vmem>>) offsets(%dma_start3A_699 : memref<128xi32, #tpu.memory_space<vmem>>) semaphore(%arg22 : memref<!tpu.dma_semaphore, #tpu.memory_space<semaphore_mem>>)
      } else {
      }
      %scan3A_556 = arith.constant 0 : i32
      %scan3A_557 = arith.constant 0 : i32
      %scan3A_558 = arith.constant 128 : i32
      %scan3A_559 = arith.addi %scan3A_557, %scan3A_558 : i32
      %scan3A_560 = arith.constant 2 : i32
      scf.for %scan3A_577 = %scan3A_557 to %scan3A_559 step %scan3A_560  : i32 {
        %get3A = arith.constant 0 : i32
        %get3A_578 = arith.index_cast %get3A : i32 to index
        %get3A_579 = arith.index_cast %scan3A_577 : i32 to index
        %get3A_580 = arith.constant 0 : index
        %get3A_581 = tpu.vector_load %arg15[%get3A_578, %get3A_579, %get3A_580] {strides = array<i32>} : memref<5x128x64xf32, #tpu.memory_space<vmem>>, vector<1x1x16xf32>,
        %get3A_582 = vector.shape_cast %get3A_581 : vector<1x1x16xf32> to vector<16xf32>
        %get3A_583 = arith.constant 1 : i32
        %get3A_584 = arith.index_cast %get3A_583 : i32 to index
        %get3A_585 = arith.index_cast %scan3A_577 : i32 to index
        %get3A_586 = arith.constant 0 : index
        %get3A_587 = tpu.vector_load %arg15[%get3A_584, %get3A_585, %get3A_586] {strides = array<i32>} : memref<5x128x64xf32, #tpu.memory_space<vmem>>, vector<1x1x16xf32>,
        %get3A_588 = vector.shape_cast %get3A_587 : vector<1x1x16xf32> to vector<16xf32>
        %add3A_589 = arith.addf %get3A_582, %get3A_588 : vector<16xf32>
        %get3A_590 = arith.constant 2 : i32
        %get3A_591 = arith.index_cast %get3A_590 : i32 to index
        %get3A_592 = arith.index_cast %scan3A_577 : i32 to index
        %get3A_593 = arith.constant 0 : index
        %get3A_594 = tpu.vector_load %arg15[%get3A_591, %get3A_592, %get3A_593] {strides = array<i32>} : memref<5x128x64xf32, #tpu.memory_space<vmem>>, vector<1x1x16xf32>,
        %get3A_595 = vector.shape_cast %get3A_594 : vector<1x1x16xf32> to vector<16xf32>
        %add3A_596 = arith.addf %add3A_589, %get3A_595 : vector<16xf32>
        %get3A_597 = arith.constant 3 : i32
        %get3A_598 = arith.index_cast %get3A_597 : i32 to index
        %get3A_599 = arith.index_cast %scan3A_577 : i32 to index
        %get3A_600 = arith.constant 0 : index
        %get3A_601 = tpu.vector_load %arg15[%get3A_598, %get3A_599, %get3A_600] {strides = array<i32>} : memref<5x128x64xf32, #tpu.memory_space<vmem>>, vector<1x1x16xf32>,
        %get3A_602 = vector.shape_cast %get3A_601 : vector<1x1x16xf32> to vector<16xf32>
        %add3A_603 = arith.addf %add3A_596, %get3A_602 : vector<16xf32>
        %get3A_604 = arith.constant 4 : i32
        %get3A_605 = arith.index_cast %get3A_604 : i32 to index
        %get3A_606 = arith.index_cast %scan3A_577 : i32 to index
        %get3A_607 = arith.constant 0 : index
        %get3A_608 = tpu.vector_load %arg15[%get3A_605, %get3A_606, %get3A_607] {strides = array<i32>} : memref<5x128x64xf32, #tpu.memory_space<vmem>>, vector<1x1x16xf32>,
        %get3A_609 = vector.shape_cast %get3A_608 : vector<1x1x16xf32> to vector<16xf32>
        %add3A_610 = arith.addf %add3A_603, %get3A_609 : vector<16xf32>
        %swap3A = arith.index_cast %scan3A_577 : i32 to index
        %swap3A_611 = arith.constant 0 : index
        %swap3A_612 = tpu.vector_load %arg19[%swap3A, %swap3A_611] {strides = array<i32>} : memref<128x64xf32, #tpu.memory_space<vmem>>, vector<1x16xf32>,
        %swap3A_613 = vector.shape_cast %swap3A_612 : vector<1x16xf32> to vector<16xf32>
        %swap3A_614 = vector.shape_cast %add3A_610 : vector<16xf32> to vector<1x16xf32>
        tpu.vector_store %arg19[%swap3A, %swap3A_611], %swap3A_614 {strides = array<i32>} : memref<128x64xf32, #tpu.memory_space<vmem>>, vector<1x16xf32>,
        %get3A_615 = arith.constant 0 : i32
        %get3A_616 = arith.index_cast %get3A_615 : i32 to index
        %get3A_617 = arith.index_cast %scan3A_577 : i32 to index
        %get3A_618 = arith.constant 16 : index
        %get3A_619 = tpu.vector_load %arg15[%get3A_616, %get3A_617, %get3A_618] {strides = array<i32>} : memref<5x128x64xf32, #tpu.memory_space<vmem>>, vector<1x1x16xf32>,
        %get3A_620 = vector.shape_cast %get3A_619 : vector<1x1x16xf32> to vector<16xf32>
        %get3A_621 = arith.constant 1 : i32
        %get3A_622 = arith.index_cast %get3A_621 : i32 to index
        %get3A_623 = arith.index_cast %scan3A_577 : i32 to index
        %get3A_624 = arith.constant 16 : index
        %get3A_625 = tpu.vector_load %arg15[%get3A_622, %get3A_623, %get3A_624] {strides = array<i32>} : memref<5x128x64xf32, #tpu.memory_space<vmem>>, vector<1x1x16xf32>,
        %get3A_626 = vector.shape_cast %get3A_625 : vector<1x1x16xf32> to vector<16xf32>
        %add3A_627 = arith.addf %get3A_620, %get3A_626 : vector<16xf32>
        %get3A_628 = arith.constant 2 : i32
        %get3A_629 = arith.index_cast %get3A_628 : i32 to index
        %get3A_630 = arith.index_cast %scan3A_577 : i32 to index
        %get3A_631 = arith.constant 16 : index
        %get3A_632 = tpu.vector_load %arg15[%get3A_629, %get3A_630, %get3A_631] {strides = array<i32>} : memref<5x128x64xf32, #tpu.memory_space<vmem>>, vector<1x1x16xf32>,
        %get3A_633 = vector.shape_cast %get3A_632 : vector<1x1x16xf32> to vector<16xf32>
        %add3A_634 = arith.addf %add3A_627, %get3A_633 : vector<16xf32>
        %get3A_635 = arith.constant 3 : i32
        %get3A_636 = arith.index_cast %get3A_635 : i32 to index
        %get3A_637 = arith.index_cast %scan3A_577 : i32 to index
        %get3A_638 = arith.constant 16 : index
        %get3A_639 = tpu.vector_load %arg15[%get3A_636, %get3A_637, %get3A_638] {strides = array<i32>} : memref<5x128x64xf32, #tpu.memory_space<vmem>>, vector<1x1x16xf32>,
        %get3A_640 = vector.shape_cast %get3A_639 : vector<1x1x16xf32> to vector<16xf32>
        %add3A_641 = arith.addf %add3A_634, %get3A_640 : vector<16xf32>
        %get3A_642 = arith.constant 4 : i32
        %get3A_643 = arith.index_cast %get3A_642 : i32 to index
        %get3A_644 = arith.index_cast %scan3A_577 : i32 to index
        %get3A_645 = arith.constant 16 : index
        %get3A_646 = tpu.vector_load %arg15[%get3A_643, %get3A_644, %get3A_645] {strides = array<i32>} : memref<5x128x64xf32, #tpu.memory_space<vmem>>, vector<1x1x16xf32>,
        %get3A_647 = vector.shape_cast %get3A_646 : vector<1x1x16xf32> to vector<16xf32>
        %add3A_648 = arith.addf %add3A_641, %get3A_647 : vector<16xf32>
        %swap3A_649 = arith.index_cast %scan3A_577 : i32 to index
        %swap3A_650 = arith.constant 16 : index
        %swap3A_651 = tpu.vector_load %arg19[%swap3A_649, %swap3A_650] {strides = array<i32>} : memref<128x64xf32, #tpu.memory_space<vmem>>, vector<1x16xf32>,
        %swap3A_652 = vector.shape_cast %swap3A_651 : vector<1x16xf32> to vector<16xf32>
        %swap3A_653 = vector.shape_cast %add3A_648 : vector<16xf32> to vector<1x16xf32>
        tpu.vector_store %arg19[%swap3A_649, %swap3A_650], %swap3A_653 {strides = array<i32>} : memref<128x64xf32, #tpu.memory_space<vmem>>, vector<1x16xf32>,
        %get3A_654 = arith.constant 0 : i32
        %get3A_655 = arith.index_cast %get3A_654 : i32 to index
        %get3A_656 = arith.index_cast %scan3A_577 : i32 to index
        %get3A_657 = arith.constant 32 : index
        %get3A_658 = tpu.vector_load %arg15[%get3A_655, %get3A_656, %get3A_657] {strides = array<i32>} : memref<5x128x64xf32, #tpu.memory_space<vmem>>, vector<1x1x16xf32>,
        %get3A_659 = vector.shape_cast %get3A_658 : vector<1x1x16xf32> to vector<16xf32>
        %get3A_660 = arith.constant 1 : i32
        %get3A_661 = arith.index_cast %get3A_660 : i32 to index
        %get3A_662 = arith.index_cast %scan3A_577 : i32 to index
        %get3A_663 = arith.constant 32 : index
        %get3A_664 = tpu.vector_load %arg15[%get3A_661, %get3A_662, %get3A_663] {strides = array<i32>} : memref<5x128x64xf32, #tpu.memory_space<vmem>>, vector<1x1x16xf32>,
        %get3A_665 = vector.shape_cast %get3A_664 : vector<1x1x16xf32> to vector<16xf32>
        %add3A_666 = arith.addf %get3A_659, %get3A_665 : vector<16xf32>
        %get3A_667 = arith.constant 2 : i32
        %get3A_668 = arith.index_cast %get3A_667 : i32 to index
        %get3A_669 = arith.index_cast %scan3A_577 : i32 to index
        %get3A_670 = arith.constant 32 : index
        %get3A_671 = tpu.vector_load %arg15[%get3A_668, %get3A_669, %get3A_670] {strides = array<i32>} : memref<5x128x64xf32, #tpu.memory_space<vmem>>, vector<1x1x16xf32>,
        %get3A_672 = vector.shape_cast %get3A_671 : vector<1x1x16xf32> to vector<16xf32>
        %add3A_673 = arith.addf %add3A_666, %get3A_672 : vector<16xf32>
        %get3A_674 = arith.constant 3 : i32
        %get3A_675 = arith.index_cast %get3A_674 : i32 to index
        %get3A_676 = arith.index_cast %scan3A_577 : i32 to index
        %get3A_677 = arith.constant 32 : index
        %get3A_678 = tpu.vector_load %arg15[%get3A_675, %get3A_676, %get3A_677] {strides = array<i32>} : memref<5x128x64xf32, #tpu.memory_space<vmem>>, vector<1x1x16xf32>,
        %get3A_679 = vector.shape_cast %get3A_678 : vector<1x1x16xf32> to vector<16xf32>
        %add3A_680 = arith.addf %add3A_673, %get3A_679 : vector<16xf32>
        %get3A_681 = arith.constant 4 : i32
        %get3A_682 = arith.index_cast %get3A_681 : i32 to index
        %get3A_683 = arith.index_cast %scan3A_577 : i32 to index
        %get3A_684 = arith.constant 32 : index
        %get3A_685 = tpu.vector_load %arg15[%get3A_682, %get3A_683, %get3A_684] {strides = array<i32>} : memref<5x128x64xf32, #tpu.memory_space<vmem>>, vector<1x1x16xf32>,
        %get3A_686 = vector.shape_cast %get3A_685 : vector<1x1x16xf32> to vector<16xf32>
        %add3A_687 = arith.addf %add3A_680, %get3A_686 : vector<16xf32>
        %swap3A_688 = arith.index_cast %scan3A_577 : i32 to index
        %swap3A_689 = arith.constant 32 : index
        %swap3A_690 = tpu.vector_load %arg19[%swap3A_688, %swap3A_689] {strides = array<i32>} : memref<128x64xf32, #tpu.memory_space<vmem>>, vector<1x16xf32>,
        %swap3A_691 = vector.shape_cast %swap3A_690 : vector<1x16xf32> to vector<16xf32>
        %swap3A_692 = vector.shape_cast %add3A_687 : vector<16xf32> to vector<1x16xf32>
        tpu.vector_store %arg19[%swap3A_688, %swap3A_689], %swap3A_692 {strides = array<i32>} : memref<128x64xf32, #tpu.memory_space<vmem>>, vector<1x16xf32>,
        %get3A_693 = arith.constant 0 : i32
        %get3A_694 = arith.index_cast %get3A_693 : i32 to index
        %get3A_695 = arith.index_cast %scan3A_577 : i32 to index
        %get3A_696 = arith.constant 48 : index
        %get3A_697 = tpu.vector_load %arg15[%get3A_694, %get3A_695, %get3A_696] {strides = array<i32>} : memref<5x128x64xf32, #tpu.memory_space<vmem>>, vector<1x1x16xf32>,
        %get3A_698 = vector.shape_cast %get3A_697 : vector<1x1x16xf32> to vector<16xf32>
        %get3A_699 = arith.constant 1 : i32
        %get3A_700 = arith.index_cast %get3A_699 : i32 to index
        %get3A_701 = arith.index_cast %scan3A_577 : i32 to index
        %get3A_702 = arith.constant 48 : index
        %get3A_703 = tpu.vector_load %arg15[%get3A_700, %get3A_701, %get3A_702] {strides = array<i32>} : memref<5x128x64xf32, #tpu.memory_space<vmem>>, vector<1x1x16xf32>,
        %get3A_704 = vector.shape_cast %get3A_703 : vector<1x1x16xf32> to vector<16xf32>
        %add3A_705 = arith.addf %get3A_698, %get3A_704 : vector<16xf32>
        %get3A_706 = arith.constant 2 : i32
        %get3A_707 = arith.index_cast %get3A_706 : i32 to index
        %get3A_708 = arith.index_cast %scan3A_577 : i32 to index
        %get3A_709 = arith.constant 48 : index
        %get3A_710 = tpu.vector_load %arg15[%get3A_707, %get3A_708, %get3A_709] {strides = array<i32>} : memref<5x128x64xf32, #tpu.memory_space<vmem>>, vector<1x1x16xf32>,
        %get3A_711 = vector.shape_cast %get3A_710 : vector<1x1x16xf32> to vector<16xf32>
        %add3A_712 = arith.addf %add3A_705, %get3A_711 : vector<16xf32>
        %get3A_713 = arith.constant 3 : i32
        %get3A_714 = arith.index_cast %get3A_713 : i32 to index
        %get3A_715 = arith.index_cast %scan3A_577 : i32 to index
        %get3A_716 = arith.constant 48 : index
        %get3A_717 = tpu.vector_load %arg15[%get3A_714, %get3A_715, %get3A_716] {strides = array<i32>} : memref<5x128x64xf32, #tpu.memory_space<vmem>>, vector<1x1x16xf32>,
        %get3A_718 = vector.shape_cast %get3A_717 : vector<1x1x16xf32> to vector<16xf32>
        %add3A_719 = arith.addf %add3A_712, %get3A_718 : vector<16xf32>
        %get3A_720 = arith.constant 4 : i32
        %get3A_721 = arith.index_cast %get3A_720 : i32 to index
        %get3A_722 = arith.index_cast %scan3A_577 : i32 to index
        %get3A_723 = arith.constant 48 : index
        %get3A_724 = tpu.vector_load %arg15[%get3A_721, %get3A_722, %get3A_723] {strides = array<i32>} : memref<5x128x64xf32, #tpu.memory_space<vmem>>, vector<1x1x16xf32>,
        %get3A_725 = vector.shape_cast %get3A_724 : vector<1x1x16xf32> to vector<16xf32>
        %add3A_726 = arith.addf %add3A_719, %get3A_725 : vector<16xf32>
        %swap3A_727 = arith.index_cast %scan3A_577 : i32 to index
        %swap3A_728 = arith.constant 48 : index
        %swap3A_729 = tpu.vector_load %arg19[%swap3A_727, %swap3A_728] {strides = array<i32>} : memref<128x64xf32, #tpu.memory_space<vmem>>, vector<1x16xf32>,
        %swap3A_730 = vector.shape_cast %swap3A_729 : vector<1x16xf32> to vector<16xf32>
        %swap3A_731 = vector.shape_cast %add3A_726 : vector<16xf32> to vector<1x16xf32>
        tpu.vector_store %arg19[%swap3A_727, %swap3A_728], %swap3A_731 {strides = array<i32>} : memref<128x64xf32, #tpu.memory_space<vmem>>, vector<1x16xf32>,
        %scan3A_732 = arith.constant 1 : i32
        %scan3A_733 = arith.addi %scan3A_577, %scan3A_732 : i32
        %get3A_734 = arith.constant 0 : i32
        %get3A_735 = arith.index_cast %get3A_734 : i32 to index
        %get3A_736 = arith.index_cast %scan3A_733 : i32 to index
        %get3A_737 = arith.constant 0 : index
        %get3A_738 = tpu.vector_load %arg15[%get3A_735, %get3A_736, %get3A_737] {strides = array<i32>} : memref<5x128x64xf32, #tpu.memory_space<vmem>>, vector<1x1x16xf32>,
        %get3A_739 = vector.shape_cast %get3A_738 : vector<1x1x16xf32> to vector<16xf32>
        %get3A_740 = arith.constant 1 : i32
        %get3A_741 = arith.index_cast %get3A_740 : i32 to index
        %get3A_742 = arith.index_cast %scan3A_733 : i32 to index
        %get3A_743 = arith.constant 0 : index
        %get3A_744 = tpu.vector_load %arg15[%get3A_741, %get3A_742, %get3A_743] {strides = array<i32>} : memref<5x128x64xf32, #tpu.memory_space<vmem>>, vector<1x1x16xf32>,
        %get3A_745 = vector.shape_cast %get3A_744 : vector<1x1x16xf32> to vector<16xf32>
        %add3A_746 = arith.addf %get3A_739, %get3A_745 : vector<16xf32>
        %get3A_747 = arith.constant 2 : i32
        %get3A_748 = arith.index_cast %get3A_747 : i32 to index
        %get3A_749 = arith.index_cast %scan3A_733 : i32 to index
        %get3A_750 = arith.constant 0 : index
        %get3A_751 = tpu.vector_load %arg15[%get3A_748, %get3A_749, %get3A_750] {strides = array<i32>} : memref<5x128x64xf32, #tpu.memory_space<vmem>>, vector<1x1x16xf32>,
        %get3A_752 = vector.shape_cast %get3A_751 : vector<1x1x16xf32> to vector<16xf32>
        %add3A_753 = arith.addf %add3A_746, %get3A_752 : vector<16xf32>
        %get3A_754 = arith.constant 3 : i32
        %get3A_755 = arith.index_cast %get3A_754 : i32 to index
        %get3A_756 = arith.index_cast %scan3A_733 : i32 to index
        %get3A_757 = arith.constant 0 : index
        %get3A_758 = tpu.vector_load %arg15[%get3A_755, %get3A_756, %get3A_757] {strides = array<i32>} : memref<5x128x64xf32, #tpu.memory_space<vmem>>, vector<1x1x16xf32>,
        %get3A_759 = vector.shape_cast %get3A_758 : vector<1x1x16xf32> to vector<16xf32>
        %add3A_760 = arith.addf %add3A_753, %get3A_759 : vector<16xf32>
        %get3A_761 = arith.constant 4 : i32
        %get3A_762 = arith.index_cast %get3A_761 : i32 to index
        %get3A_763 = arith.index_cast %scan3A_733 : i32 to index
        %get3A_764 = arith.constant 0 : index
        %get3A_765 = tpu.vector_load %arg15[%get3A_762, %get3A_763, %get3A_764] {strides = array<i32>} : memref<5x128x64xf32, #tpu.memory_space<vmem>>, vector<1x1x16xf32>,
        %get3A_766 = vector.shape_cast %get3A_765 : vector<1x1x16xf32> to vector<16xf32>
        %add3A_767 = arith.addf %add3A_760, %get3A_766 : vector<16xf32>
        %swap3A_768 = arith.index_cast %scan3A_733 : i32 to index
        %swap3A_769 = arith.constant 0 : index
        %swap3A_770 = tpu.vector_load %arg19[%swap3A_768, %swap3A_769] {strides = array<i32>} : memref<128x64xf32, #tpu.memory_space<vmem>>, vector<1x16xf32>,
        %swap3A_771 = vector.shape_cast %swap3A_770 : vector<1x16xf32> to vector<16xf32>
        %swap3A_772 = vector.shape_cast %add3A_767 : vector<16xf32> to vector<1x16xf32>
        tpu.vector_store %arg19[%swap3A_768, %swap3A_769], %swap3A_772 {strides = array<i32>} : memref<128x64xf32, #tpu.memory_space<vmem>>, vector<1x16xf32>,
        %get3A_773 = arith.constant 0 : i32
        %get3A_774 = arith.index_cast %get3A_773 : i32 to index
        %get3A_775 = arith.index_cast %scan3A_733 : i32 to index
        %get3A_776 = arith.constant 16 : index
        %get3A_777 = tpu.vector_load %arg15[%get3A_774, %get3A_775, %get3A_776] {strides = array<i32>} : memref<5x128x64xf32, #tpu.memory_space<vmem>>, vector<1x1x16xf32>,
        %get3A_778 = vector.shape_cast %get3A_777 : vector<1x1x16xf32> to vector<16xf32>
        %get3A_779 = arith.constant 1 : i32
        %get3A_780 = arith.index_cast %get3A_779 : i32 to index
        %get3A_781 = arith.index_cast %scan3A_733 : i32 to index
        %get3A_782 = arith.constant 16 : index
        %get3A_783 = tpu.vector_load %arg15[%get3A_780, %get3A_781, %get3A_782] {strides = array<i32>} : memref<5x128x64xf32, #tpu.memory_space<vmem>>, vector<1x1x16xf32>,
        %get3A_784 = vector.shape_cast %get3A_783 : vector<1x1x16xf32> to vector<16xf32>
        %add3A_785 = arith.addf %get3A_778, %get3A_784 : vector<16xf32>
        %get3A_786 = arith.constant 2 : i32
        %get3A_787 = arith.index_cast %get3A_786 : i32 to index
        %get3A_788 = arith.index_cast %scan3A_733 : i32 to index
        %get3A_789 = arith.constant 16 : index
        %get3A_790 = tpu.vector_load %arg15[%get3A_787, %get3A_788, %get3A_789] {strides = array<i32>} : memref<5x128x64xf32, #tpu.memory_space<vmem>>, vector<1x1x16xf32>,
        %get3A_791 = vector.shape_cast %get3A_790 : vector<1x1x16xf32> to vector<16xf32>
        %add3A_792 = arith.addf %add3A_785, %get3A_791 : vector<16xf32>
        %get3A_793 = arith.constant 3 : i32
        %get3A_794 = arith.index_cast %get3A_793 : i32 to index
        %get3A_795 = arith.index_cast %scan3A_733 : i32 to index
        %get3A_796 = arith.constant 16 : index
        %get3A_797 = tpu.vector_load %arg15[%get3A_794, %get3A_795, %get3A_796] {strides = array<i32>} : memref<5x128x64xf32, #tpu.memory_space<vmem>>, vector<1x1x16xf32>,
        %get3A_798 = vector.shape_cast %get3A_797 : vector<1x1x16xf32> to vector<16xf32>
        %add3A_799 = arith.addf %add3A_792, %get3A_798 : vector<16xf32>
        %get3A_800 = arith.constant 4 : i32
        %get3A_801 = arith.index_cast %get3A_800 : i32 to index
        %get3A_802 = arith.index_cast %scan3A_733 : i32 to index
        %get3A_803 = arith.constant 16 : index
        %get3A_804 = tpu.vector_load %arg15[%get3A_801, %get3A_802, %get3A_803] {strides = array<i32>} : memref<5x128x64xf32, #tpu.memory_space<vmem>>, vector<1x1x16xf32>,
        %get3A_805 = vector.shape_cast %get3A_804 : vector<1x1x16xf32> to vector<16xf32>
        %add3A_806 = arith.addf %add3A_799, %get3A_805 : vector<16xf32>
        %swap3A_807 = arith.index_cast %scan3A_733 : i32 to index
        %swap3A_808 = arith.constant 16 : index
        %swap3A_809 = tpu.vector_load %arg19[%swap3A_807, %swap3A_808] {strides = array<i32>} : memref<128x64xf32, #tpu.memory_space<vmem>>, vector<1x16xf32>,
        %swap3A_810 = vector.shape_cast %swap3A_809 : vector<1x16xf32> to vector<16xf32>
        %swap3A_811 = vector.shape_cast %add3A_806 : vector<16xf32> to vector<1x16xf32>
        tpu.vector_store %arg19[%swap3A_807, %swap3A_808], %swap3A_811 {strides = array<i32>} : memref<128x64xf32, #tpu.memory_space<vmem>>, vector<1x16xf32>,
        %get3A_812 = arith.constant 0 : i32
        %get3A_813 = arith.index_cast %get3A_812 : i32 to index
        %get3A_814 = arith.index_cast %scan3A_733 : i32 to index
        %get3A_815 = arith.constant 32 : index
        %get3A_816 = tpu.vector_load %arg15[%get3A_813, %get3A_814, %get3A_815] {strides = array<i32>} : memref<5x128x64xf32, #tpu.memory_space<vmem>>, vector<1x1x16xf32>,
        %get3A_817 = vector.shape_cast %get3A_816 : vector<1x1x16xf32> to vector<16xf32>
        %get3A_818 = arith.constant 1 : i32
        %get3A_819 = arith.index_cast %get3A_818 : i32 to index
        %get3A_820 = arith.index_cast %scan3A_733 : i32 to index
        %get3A_821 = arith.constant 32 : index
        %get3A_822 = tpu.vector_load %arg15[%get3A_819, %get3A_820, %get3A_821] {strides = array<i32>} : memref<5x128x64xf32, #tpu.memory_space<vmem>>, vector<1x1x16xf32>,
        %get3A_823 = vector.shape_cast %get3A_822 : vector<1x1x16xf32> to vector<16xf32>
        %add3A_824 = arith.addf %get3A_817, %get3A_823 : vector<16xf32>
        %get3A_825 = arith.constant 2 : i32
        %get3A_826 = arith.index_cast %get3A_825 : i32 to index
        %get3A_827 = arith.index_cast %scan3A_733 : i32 to index
        %get3A_828 = arith.constant 32 : index
        %get3A_829 = tpu.vector_load %arg15[%get3A_826, %get3A_827, %get3A_828] {strides = array<i32>} : memref<5x128x64xf32, #tpu.memory_space<vmem>>, vector<1x1x16xf32>,
        %get3A_830 = vector.shape_cast %get3A_829 : vector<1x1x16xf32> to vector<16xf32>
        %add3A_831 = arith.addf %add3A_824, %get3A_830 : vector<16xf32>
        %get3A_832 = arith.constant 3 : i32
        %get3A_833 = arith.index_cast %get3A_832 : i32 to index
        %get3A_834 = arith.index_cast %scan3A_733 : i32 to index
        %get3A_835 = arith.constant 32 : index
        %get3A_836 = tpu.vector_load %arg15[%get3A_833, %get3A_834, %get3A_835] {strides = array<i32>} : memref<5x128x64xf32, #tpu.memory_space<vmem>>, vector<1x1x16xf32>,
        %get3A_837 = vector.shape_cast %get3A_836 : vector<1x1x16xf32> to vector<16xf32>
        %add3A_838 = arith.addf %add3A_831, %get3A_837 : vector<16xf32>
        %get3A_839 = arith.constant 4 : i32
        %get3A_840 = arith.index_cast %get3A_839 : i32 to index
        %get3A_841 = arith.index_cast %scan3A_733 : i32 to index
        %get3A_842 = arith.constant 32 : index
        %get3A_843 = tpu.vector_load %arg15[%get3A_840, %get3A_841, %get3A_842] {strides = array<i32>} : memref<5x128x64xf32, #tpu.memory_space<vmem>>, vector<1x1x16xf32>,
        %get3A_844 = vector.shape_cast %get3A_843 : vector<1x1x16xf32> to vector<16xf32>
        %add3A_845 = arith.addf %add3A_838, %get3A_844 : vector<16xf32>
        %swap3A_846 = arith.index_cast %scan3A_733 : i32 to index
        %swap3A_847 = arith.constant 32 : index
        %swap3A_848 = tpu.vector_load %arg19[%swap3A_846, %swap3A_847] {strides = array<i32>} : memref<128x64xf32, #tpu.memory_space<vmem>>, vector<1x16xf32>,
        %swap3A_849 = vector.shape_cast %swap3A_848 : vector<1x16xf32> to vector<16xf32>
        %swap3A_850 = vector.shape_cast %add3A_845 : vector<16xf32> to vector<1x16xf32>
        tpu.vector_store %arg19[%swap3A_846, %swap3A_847], %swap3A_850 {strides = array<i32>} : memref<128x64xf32, #tpu.memory_space<vmem>>, vector<1x16xf32>,
        %get3A_851 = arith.constant 0 : i32
        %get3A_852 = arith.index_cast %get3A_851 : i32 to index
        %get3A_853 = arith.index_cast %scan3A_733 : i32 to index
        %get3A_854 = arith.constant 48 : index
        %get3A_855 = tpu.vector_load %arg15[%get3A_852, %get3A_853, %get3A_854] {strides = array<i32>} : memref<5x128x64xf32, #tpu.memory_space<vmem>>, vector<1x1x16xf32>,
        %get3A_856 = vector.shape_cast %get3A_855 : vector<1x1x16xf32> to vector<16xf32>
        %get3A_857 = arith.constant 1 : i32
        %get3A_858 = arith.index_cast %get3A_857 : i32 to index
        %get3A_859 = arith.index_cast %scan3A_733 : i32 to index
        %get3A_860 = arith.constant 48 : index
        %get3A_861 = tpu.vector_load %arg15[%get3A_858, %get3A_859, %get3A_860] {strides = array<i32>} : memref<5x128x64xf32, #tpu.memory_space<vmem>>, vector<1x1x16xf32>,
        %get3A_862 = vector.shape_cast %get3A_861 : vector<1x1x16xf32> to vector<16xf32>
        %add3A_863 = arith.addf %get3A_856, %get3A_862 : vector<16xf32>
        %get3A_864 = arith.constant 2 : i32
        %get3A_865 = arith.index_cast %get3A_864 : i32 to index
        %get3A_866 = arith.index_cast %scan3A_733 : i32 to index
        %get3A_867 = arith.constant 48 : index
        %get3A_868 = tpu.vector_load %arg15[%get3A_865, %get3A_866, %get3A_867] {strides = array<i32>} : memref<5x128x64xf32, #tpu.memory_space<vmem>>, vector<1x1x16xf32>,
        %get3A_869 = vector.shape_cast %get3A_868 : vector<1x1x16xf32> to vector<16xf32>
        %add3A_870 = arith.addf %add3A_863, %get3A_869 : vector<16xf32>
        %get3A_871 = arith.constant 3 : i32
        %get3A_872 = arith.index_cast %get3A_871 : i32 to index
        %get3A_873 = arith.index_cast %scan3A_733 : i32 to index
        %get3A_874 = arith.constant 48 : index
        %get3A_875 = tpu.vector_load %arg15[%get3A_872, %get3A_873, %get3A_874] {strides = array<i32>} : memref<5x128x64xf32, #tpu.memory_space<vmem>>, vector<1x1x16xf32>,
        %get3A_876 = vector.shape_cast %get3A_875 : vector<1x1x16xf32> to vector<16xf32>
        %add3A_877 = arith.addf %add3A_870, %get3A_876 : vector<16xf32>
        %get3A_878 = arith.constant 4 : i32
        %get3A_879 = arith.index_cast %get3A_878 : i32 to index
        %get3A_880 = arith.index_cast %scan3A_733 : i32 to index
        %get3A_881 = arith.constant 48 : index
        %get3A_882 = tpu.vector_load %arg15[%get3A_879, %get3A_880, %get3A_881] {strides = array<i32>} : memref<5x128x64xf32, #tpu.memory_space<vmem>>, vector<1x1x16xf32>,
        %get3A_883 = vector.shape_cast %get3A_882 : vector<1x1x16xf32> to vector<16xf32>
        %add3A_884 = arith.addf %add3A_877, %get3A_883 : vector<16xf32>
        %swap3A_885 = arith.index_cast %scan3A_733 : i32 to index
        %swap3A_886 = arith.constant 48 : index
        %swap3A_887 = tpu.vector_load %arg19[%swap3A_885, %swap3A_886] {strides = array<i32>} : memref<128x64xf32, #tpu.memory_space<vmem>>, vector<1x16xf32>,
        %swap3A_888 = vector.shape_cast %swap3A_887 : vector<1x16xf32> to vector<16xf32>
        %swap3A_889 = vector.shape_cast %add3A_884 : vector<16xf32> to vector<1x16xf32>
        tpu.vector_store %arg19[%swap3A_885, %swap3A_886], %swap3A_889 {strides = array<i32>} : memref<128x64xf32, #tpu.memory_space<vmem>>, vector<1x16xf32>,
      }
      %scan3A_561 = arith.constant 128 : i32
      %scan3A_562 = arith.constant 0 : i32
      %scan3A_563 = arith.constant 0 : i32
      %scan3A_564 = arith.constant 8 : i32
      %scan3A_565 = arith.addi %scan3A_563, %scan3A_564 : i32
      %scan3A_566 = arith.constant 1 : i32
      scf.for %scan3A_577 = %scan3A_563 to %scan3A_565 step %scan3A_566  : i32 {
        %mul3A_578 = arith.constant 16 : i32
        %mul3A_579 = arith.muli %scan3A_577, %mul3A_578 : i32
        %get3A = arith.constant 0 : i32
        %get3A_580 = arith.index_cast %get3A : i32 to index
        %get3A_581 = arith.index_cast %mul3A_579 : i32 to index
        %get3A_582 = tpu.vector_load %arg17[%get3A_580, %get3A_581] {strides = array<i32>} : memref<5x128xf32, #tpu.memory_space<vmem>>, vector<1x16xf32>,
        %get3A_583 = vector.shape_cast %get3A_582 : vector<1x16xf32> to vector<16xf32>
        %mul3A_584 = arith.constant 16 : i32
        %mul3A_585 = arith.muli %scan3A_577, %mul3A_584 : i32
        %get3A_586 = arith.constant 1 : i32
        %get3A_587 = arith.index_cast %get3A_586 : i32 to index
        %get3A_588 = arith.index_cast %mul3A_585 : i32 to index
        %get3A_589 = tpu.vector_load %arg17[%get3A_587, %get3A_588] {strides = array<i32>} : memref<5x128xf32, #tpu.memory_space<vmem>>, vector<1x16xf32>,
        %get3A_590 = vector.shape_cast %get3A_589 : vector<1x16xf32> to vector<16xf32>
        %add3A_591 = arith.addf %get3A_583, %get3A_590 : vector<16xf32>
        %mul3A_592 = arith.constant 16 : i32
        %mul3A_593 = arith.muli %scan3A_577, %mul3A_592 : i32
        %get3A_594 = arith.constant 2 : i32
        %get3A_595 = arith.index_cast %get3A_594 : i32 to index
        %get3A_596 = arith.index_cast %mul3A_593 : i32 to index
        %get3A_597 = tpu.vector_load %arg17[%get3A_595, %get3A_596] {strides = array<i32>} : memref<5x128xf32, #tpu.memory_space<vmem>>, vector<1x16xf32>,
        %get3A_598 = vector.shape_cast %get3A_597 : vector<1x16xf32> to vector<16xf32>
        %add3A_599 = arith.addf %add3A_591, %get3A_598 : vector<16xf32>
        %mul3A_600 = arith.constant 16 : i32
        %mul3A_601 = arith.muli %scan3A_577, %mul3A_600 : i32
        %get3A_602 = arith.constant 3 : i32
        %get3A_603 = arith.index_cast %get3A_602 : i32 to index
        %get3A_604 = arith.index_cast %mul3A_601 : i32 to index
        %get3A_605 = tpu.vector_load %arg17[%get3A_603, %get3A_604] {strides = array<i32>} : memref<5x128xf32, #tpu.memory_space<vmem>>, vector<1x16xf32>,
        %get3A_606 = vector.shape_cast %get3A_605 : vector<1x16xf32> to vector<16xf32>
        %add3A_607 = arith.addf %add3A_599, %get3A_606 : vector<16xf32>
        %mul3A_608 = arith.constant 16 : i32
        %mul3A_609 = arith.muli %scan3A_577, %mul3A_608 : i32
        %get3A_610 = arith.constant 4 : i32
        %get3A_611 = arith.index_cast %get3A_610 : i32 to index
        %get3A_612 = arith.index_cast %mul3A_609 : i32 to index
        %get3A_613 = tpu.vector_load %arg17[%get3A_611, %get3A_612] {strides = array<i32>} : memref<5x128xf32, #tpu.memory_space<vmem>>, vector<1x16xf32>,
        %get3A_614 = vector.shape_cast %get3A_613 : vector<1x16xf32> to vector<16xf32>
        %add3A_615 = arith.addf %add3A_607, %get3A_614 : vector<16xf32>
        %mul3A_616 = arith.constant 16 : i32
        %mul3A_617 = arith.muli %scan3A_577, %mul3A_616 : i32
        %swap3A = arith.index_cast %mul3A_617 : i32 to index
        %swap3A_618 = tpu.vector_load %arg21[%swap3A] {strides = array<i32>} : memref<128xf32, #tpu.memory_space<vmem>>, vector<16xf32>,
        %swap3A_619 = vector.shape_cast %swap3A_618 : vector<16xf32> to vector<16xf32>
        %swap3A_620 = vector.shape_cast %add3A_615 : vector<16xf32> to vector<16xf32>
        tpu.vector_store %arg21[%swap3A], %swap3A_620 {strides = array<i32>} : memref<128xf32, #tpu.memory_space<vmem>>, vector<16xf32>,
      }
      %scan3A_567 = arith.constant 8 : i32
      %mul3A_568 = arith.constant 128 : i32
      %mul3A_569 = arith.muli %scan3A_142, %mul3A_568 : i32
      %add3A_570 = arith.addi %mul3A_2, %mul3A_569 : i32
      %dma_start3A_571 = arith.constant 0 : i32
      %dma_start3A_572 = tpu.memref_slice %arg11[%add3A_570, %dma_start3A_571] : memref<204800x64xf32, #tpu.memory_space<hbm>> -> memref<128x64xf32, #tpu.memory_space<hbm>>
      %dma_start3A_573 = arith.constant 0 : i32
      %dma_start3A_574 = tpu.memref_slice %arg11[%add3A_570, %dma_start3A_573] : memref<204800x64xf32, #tpu.memory_space<hbm>> -> memref<128x64xf32, #tpu.memory_space<hbm>>
      tpu.enqueue_dma source(%arg19 : memref<128x64xf32, #tpu.memory_space<vmem>>) target(%dma_start3A_574 : memref<128x64xf32, #tpu.memory_space<hbm>>) target_semaphore(%arg27 : memref<!tpu.dma_semaphore, #tpu.memory_space<semaphore_mem>>)
      %dma_start3A_575 = tpu.memref_slice %arg10[%add3A_570] : memref<204800xf32, #tpu.memory_space<hbm>> -> memref<128xf32, #tpu.memory_space<hbm>>
      %dma_start3A_576 = tpu.memref_slice %arg10[%add3A_570] : memref<204800xf32, #tpu.memory_space<hbm>> -> memref<128xf32, #tpu.memory_space<hbm>>
      tpu.enqueue_dma source(%arg21 : memref<128xf32, #tpu.memory_space<vmem>>) target(%dma_start3A_576 : memref<128xf32, #tpu.memory_space<hbm>>) target_semaphore(%arg27 : memref<!tpu.dma_semaphore, #tpu.memory_space<semaphore_mem>>)
    }
    %scan3A_122 = arith.constant 50 : i32
    %dma_wait3A = arith.constant 0 : i32
    %dma_wait3A_123 = arith.constant 0 : i32
    %dma_wait3A_124 = tpu.memref_slice %arg9[%dma_wait3A, %dma_wait3A_123] : memref<204800x64xf32, #tpu.memory_space<hbm>> -> memref<128x64xf32, #tpu.memory_space<hbm>>
    %dma_wait3A_125 = arith.constant 0 : i32
    %dma_wait3A_126 = arith.constant 0 : i32
    %dma_wait3A_127 = tpu.memref_slice %arg9[%dma_wait3A_125, %dma_wait3A_126] : memref<204800x64xf32, #tpu.memory_space<hbm>> -> memref<128x64xf32, #tpu.memory_space<hbm>>
    tpu.wait_dma2 semaphore(%arg26 : memref<!tpu.dma_semaphore, #tpu.memory_space<semaphore_mem>>) src(%arg18 : memref<128x64xf32, #tpu.memory_space<vmem>>) dst(%dma_wait3A_127 : memref<128x64xf32, #tpu.memory_space<hbm>>)
    %dma_wait3A_128 = arith.constant 0 : i32
    %dma_wait3A_129 = tpu.memref_slice %arg8[%dma_wait3A_128] : memref<204800xf32, #tpu.memory_space<hbm>> -> memref<128xf32, #tpu.memory_space<hbm>>
    %dma_wait3A_130 = arith.constant 0 : i32
    %dma_wait3A_131 = tpu.memref_slice %arg8[%dma_wait3A_130] : memref<204800xf32, #tpu.memory_space<hbm>> -> memref<128xf32, #tpu.memory_space<hbm>>
    tpu.wait_dma2 semaphore(%arg26 : memref<!tpu.dma_semaphore, #tpu.memory_space<semaphore_mem>>) src(%arg20 : memref<128xf32, #tpu.memory_space<vmem>>) dst(%dma_wait3A_131 : memref<128xf32, #tpu.memory_space<hbm>>)
    %dma_wait3A_132 = arith.constant 0 : i32
    %dma_wait3A_133 = arith.constant 0 : i32
    %dma_wait3A_134 = tpu.memref_slice %arg11[%dma_wait3A_132, %dma_wait3A_133] : memref<204800x64xf32, #tpu.memory_space<hbm>> -> memref<128x64xf32, #tpu.memory_space<hbm>>
    %dma_wait3A_135 = arith.constant 0 : i32
    %dma_wait3A_136 = arith.constant 0 : i32
    %dma_wait3A_137 = tpu.memref_slice %arg11[%dma_wait3A_135, %dma_wait3A_136] : memref<204800x64xf32, #tpu.memory_space<hbm>> -> memref<128x64xf32, #tpu.memory_space<hbm>>
    tpu.wait_dma2 semaphore(%arg27 : memref<!tpu.dma_semaphore, #tpu.memory_space<semaphore_mem>>) src(%arg19 : memref<128x64xf32, #tpu.memory_space<vmem>>) dst(%dma_wait3A_137 : memref<128x64xf32, #tpu.memory_space<hbm>>)
    %dma_wait3A_138 = arith.constant 0 : i32
    %dma_wait3A_139 = tpu.memref_slice %arg10[%dma_wait3A_138] : memref<204800xf32, #tpu.memory_space<hbm>> -> memref<128xf32, #tpu.memory_space<hbm>>
    %dma_wait3A_140 = arith.constant 0 : i32
    %dma_wait3A_141 = tpu.memref_slice %arg10[%dma_wait3A_140] : memref<204800xf32, #tpu.memory_space<hbm>> -> memref<128xf32, #tpu.memory_space<hbm>>
    tpu.wait_dma2 semaphore(%arg27 : memref<!tpu.dma_semaphore, #tpu.memory_space<semaphore_mem>>) src(%arg21 : memref<128xf32, #tpu.memory_space<vmem>>) dst(%dma_wait3A_141 : memref<128xf32, #tpu.memory_space<hbm>>)
    return
  }
}

</mosaic_0001>

<sc_bundles>
// kernel: kernel.3.cloned.1.call-start
scs
__scs_entry_jumppad:
0x0: {  	(pc) =	sbr.rel $0x88, $3  }
0x1: {  	(tag) =	ssettag $0x0;
	lr =	simm.s32 $0x1  }
0x2: {  	[smem:$0x3F9B] =	sst lr;
	_ =	strace $0xD0000000  }
0x3: {  	_ = 	snop  }
0x4: {  	_ = 	snop  }
0x5: {  	_ = 	snop  }
0x6: {  	_ = 	snop  }
0x7: {  	_ = 	snop  }
__scs_overlays_trampoline_lowered:
0x8: {  	[smem:$0x3FAA] =	sst s0  }
0x9: {  	[smem:$0x3FAB] =	sst s1  }
0xa: {  	[smem:$0x3FAC] =	sst s2  }
0xb: {  	[smem:$0x3FAD] =	sst s3  }
0xc: {  	[smem:$0x3FAE] =	sst s4  }
0xd: {  	[smem:$0x3FAF] =	sst s5  }
0xe: {  	[smem:$0x3FB0] =	sst s6  }
0xf: {  	[smem:$0x3FB1] =	sst s7  }
0x10: {  	[smem:$0x3FB2] =	sst s8  }
0x11: {  	[smem:$0x3FB3] =	sst s9;
	s0 =	simm.s32 @!p0 $0x0  }
0x12: {  	s1 =	sld [smem:$0x3F99];
	s0 =	simm.s32 @p0 $0x1  }
0x13: {  	[smem:$0x3FB4] =	sst s0;
	s0 =	simm.s32 @!p1 $0x0  }
0x14: {  	s2 =	sld [smem:$0x3F98];
	s0 =	simm.s32 @p1 $0x1  }
0x15: {  	[smem:$0x3FB5] =	sst s0;
	s0 =	simm.s32 @!p2 $0x0  }
0x16: {  	s3 =	sld [smem:$0x3FDB];
	s0 =	simm.s32 @p2 $0x1  }
0x17: {  	s4 =	simm.s32 $0x1BF5;
	[smem:$0x3FB7] =	sst s0  }
0x18: {  	s0 =	sld [smem:$0x3F9A];
	_ =	swait.ge [sflag:s4], $0x0  }
0x19: {  	s7 =	sld [smem:$0x3F9B]  }
0x1a: {  	s8 =	sadd.s32 $0xFFFFE003, lr  }
0x1b: {  	s9 =	sadd.s32 $0xFFFFFEF7, lr;
	s5 =	simm.s32 $0xFFFFFFFF;
	p2 =	slt.u32 s8, $0xFFFFF086  }
0x1c: {  	p1 =	slt.u32 s9, $0xF7A;
	s5 =	simm.s32 @!p2 $0x0  }
0x1d: {  	s5 =	simm.s32 @p1 $0x1;
	p0 =	seq.s32 s7, s2  }
0x1e: {  	s7 =	smul.u32 @!p0 $0xF7A, s2;
	p2 =	seq.s32 @!p0 s5, $0x0  }
0x1f: {  	s9 =	smul.u32 $0xF7A, s1;
	s8 =	simm.s32 @!p0 $0x1BF5;
	p2 =	por !p2, p0  }
0x20: {  	[sflag:s8] =	ssyncset.s32 @!p0 $0xFFFFF086;
	s6 =	sadd.s32 @!p0 s3, s7;
	s7 =	simm.s32 @!p0 $0x108  }
0x21: {  	s3 =	sadd.s32 s3, s9;
	s6 =	sadd.s32 @!p0 $0x88, s6;
	s7 =	simm.s32 @p2 $0x1082  }
0x22: {  	[simem:s7], [sflag:s8] =	dma.local @!p0 [hbm:s6], $0xF7A  }
0x23: {  	s9 =	sor.u32 $0xD0000000, s2;
	s6 =	simm.s32 $0x108;
	_ =	swait.ge @!p0 [sflag:s8], $0x0  }
0x24: {  	s3 =	sadd.s32 $0x88, s3;
	s6 =	simm.s32 @!p1 $0x1082;
	[sflag:s4] =	ssyncset.s32 $0xFFFFF086  }
0x25: {  	[simem:s6], [sflag:s4] =	dma.local [hbm:s3], $0xF7A  }
0x26: {  	[smem:$0x3F9B] =	sst s1;
	(tag) =	ssettag s2;
	_ =	strace s9  }
0x27: {  	s1 =	sld [smem:$0x3FAB]  }
0x28: {  	s2 =	sld [smem:$0x3FAC]  }
0x29: {  	s4 =	sld [smem:$0x3FAE]  }
0x2a: {  	p0 =	seq.s32 s5, $0x0;
	s5 =	sld [smem:$0x3FAF]  }
0x2b: {  	s6 =	sld [smem:$0x3FB0]  }
0x2c: {  	s7 =	sld [smem:$0x3FB1]  }
0x2d: {  	s3 =	simm.s32 $0x108;
	s8 =	sld [smem:$0x3FB2]  }
0x2e: {  	s3 =	simm.s32 @!p0 $0x1082;
	s9 =	sld [smem:$0x3FB3]  }
0x2f: {  	lr =	sadd.s32 s0, s3;
	s0 =	sld [smem:$0x3FAA]  }
0x30: {  	s3 =	sld [smem:$0x3FAD]  }
0x31: {  	[smem:$0x3FB6] =	sst s10  }
0x32: {  	s10 =	sld [smem:$0x3FB4];
	_ =	sdelay $0x3  }
0x33: {  	p0 =	seq.s32 s10, $0x1;
	s10 =	sld [smem:$0x3FB6];
	_ =	sdelay $0x3  }
0x34: {  	[smem:$0x3FB6] =	sst s10  }
0x35: {  	s10 =	sld [smem:$0x3FB5];
	_ =	sdelay $0x3  }
0x36: {  	p1 =	seq.s32 s10, $0x1;
	s10 =	sld [smem:$0x3FB6];
	_ =	sdelay $0x3  }
0x37: {  	[smem:$0x3FB6] =	sst s10  }
0x38: {  	s10 =	sld [smem:$0x3FB7]  }
0x39: {  	_ = 	snop;
	(pc) =	sbr.ind lr, $3  }
0x3a: {  	_ = 	snop  }
0x3b: {  	_ = 	snop  }
0x3c: {  	p2 =	seq.s32 s10, $0x1;
	s10 =	sld [smem:$0x3FB6]  }
0x3d: {  	_ =	shalt  }
0x3e: {  	_ =	shalt  }
0x3f: {  	_ =	shalt  }
0x40: {  	_ =	shalt  }
0x41: {  	_ =	shalt  }
0x42: {  	_ =	shalt  }
0x43: {  	_ =	shalt  }
0x44: {  	_ =	shalt  }
0x45: {  	_ =	shalt  }
0x46: {  	_ =	shalt  }
0x47: {  	_ =	shalt  }
0x48: {  	_ =	shalt  }
0x49: {  	_ =	shalt  }
0x4a: {  	_ =	shalt  }
0x4b: {  	_ =	shalt  }
0x4c: {  	_ =	shalt  }
0x4d: {  	_ =	shalt  }
0x4e: {  	_ =	shalt  }
0x4f: {  	_ =	shalt  }
0x50: {  	_ =	shalt  }
0x51: {  	_ =	shalt  }
0x52: {  	_ =	shalt  }
0x53: {  	_ =	shalt  }
0x54: {  	_ =	shalt  }
0x55: {  	_ =	shalt  }
0x56: {  	_ =	shalt  }
0x57: {  	_ =	shalt  }
0x58: {  	_ =	shalt  }
0x59: {  	_ =	shalt  }
0x5a: {  	_ =	shalt  }
0x5b: {  	_ =	shalt  }
0x5c: {  	_ =	shalt  }
0x5d: {  	_ =	shalt  }
0x5e: {  	_ =	shalt  }
0x5f: {  	_ =	shalt  }
0x60: {  	_ =	shalt  }
0x61: {  	_ =	shalt  }
0x62: {  	_ =	shalt  }
0x63: {  	_ =	shalt  }
0x64: {  	_ =	shalt  }
0x65: {  	_ =	shalt  }
0x66: {  	_ =	shalt  }
0x67: {  	_ =	shalt  }
0x68: {  	_ =	shalt  }
0x69: {  	_ =	shalt  }
0x6a: {  	_ =	shalt  }
0x6b: {  	_ =	shalt  }
0x6c: {  	_ =	shalt  }
0x6d: {  	_ =	shalt  }
0x6e: {  	_ =	shalt  }
0x6f: {  	_ =	shalt  }
0x70: {  	_ =	shalt  }
0x71: {  	_ =	shalt  }
0x72: {  	_ =	shalt  }
0x73: {  	_ =	shalt  }
0x74: {  	_ =	shalt  }
0x75: {  	_ =	shalt  }
0x76: {  	_ =	shalt  }
0x77: {  	_ =	shalt  }
0x78: {  	_ =	shalt  }
0x79: {  	_ =	shalt  }
0x7a: {  	_ =	shalt  }
0x7b: {  	_ =	shalt  }
0x7c: {  	_ =	shalt  }
0x7d: {  	_ =	shalt  }
0x7e: {  	_ =	shalt  }
0x7f: {  	_ =	shalt  }
0x80: {  	_ =	shalt  }
0x81: {  	_ =	shalt  }
0x82: {  	_ =	shalt  }
0x83: {  	_ =	shalt  }
0x84: {  	_ =	shalt  }
0x85: {  	_ =	shalt  }
0x86: {  	_ =	shalt  }
0x87: {  	_ =	shalt  }
.Lfunc_end0:
.L_simem_size_0:
called_computation.2_lowered:
.L_overlay_start_0:
0x88: {  	s2 =	sld [smem:$0x3FD9]  }
0x89: {  	s3 =	sld [smem:$0x3FFE];
	_ =	sdelay $0x1  }
0x8a: {  	s1 =	srdreg.scid  }
0x8b: {  	s0 =	sand.u32 $0x1, s1  }
0x8c: {  	s14 =	sshll.u32 s0, $0xA;
	s2 =	sadd.s32 s3, s2  }
0x8d: {  	s2 =	sadd.s32 s2, s14  }
0x8e: {  	[smem:$0x3FC2] =	sst s2  }
0x8f: {  	_ = 	snop  }
0x90: {  	s2 =	sld [smem:$0x3FD0];
	_ =	sdelay $0x2  }
0x91: {  	s15 =	simm.s32 $0xB;
	s4 =	simm.s32 $0x10  }
0x92: {  	[smem:s4], [sflag:s15] =	dma.local [hbm:s2], $0x1  }
0x93: {  	_ =	swait.eq [sflag:s15], $0x1  }
0x94: {  	s16 =	sld [smem:$0x10]  }
0x95: {  	s17 =	sld [smem:$0x11];
	[sflag:s15] =	ssyncset.done $0x0  }
0x96: {  	s5 =	sld [smem:$0x12];
	[sflag:s15] =	ssyncadd.s32 $0xFFFFFFFF  }
0x97: {  	s18 =	sld [smem:$0x13];
	(tm) =	ssettm $0x1  }
0x98: {  	s6 =	sld [smem:$0x3FFB];
	_ =	sdelay $0x3  }
0x99: {  	_ =	strace s6  }
0x9a: {  	s6 =	sld [smem:$0x3FFC];
	_ =	sdelay $0x3  }
0x9b: {  	_ =	strace s6  }
0x9c: {  	s6 =	sld [smem:$0x3FFD];
	_ =	sdelay $0x3  }
0x9d: {  	_ =	strace s6  }
0x9e: {  	_ =	strace $0x8FFFFFFF  }
0x9f: {  	s19 =	sld [smem:$0x3FDB];
	_ =	sdelay $0x1  }
0xa0: {  	s7 =	simm.s32 $_scs_section_size  }
0xa1: {  	s8 =	simm.s32 $_size__tile_overlayer_lowered;
	s9 =	simm.s32 $_tile_overlayer_lowered  }
0xa2: {  	s22 =	simm.s32 $0x1BFF;
	s21 =	sshll.u32 s9, $0x1;
	s6 =	sadd.s32 s7, s19  }
0xa3: {  	s10 =	simm.s32 $0x0;
	s20 =	sshll.u32 s8, $0x1;
	s8 =	sadd.s32 s21, s6  }
0xa4: {  	[timem:s10], [sflag:s22] =	dma.local [hbm:s8], s20  }
0xa5: {  	_ =	swait.ge [sflag:s22], s20  }
0xa6: {  	s7 =	ssub.s32 $0x0, s20;
	[sflag:s22] =	ssyncset.done $0x0  }
0xa7: {  	[sflag:s22] =	ssyncadd.s32 s7;
	_ =	sdelay $0x1  }
0xa8: {  	s23 =	simm.s32 $0x1B8B  }
0xa9: {  	_ =	swait.ge [sflag:s23], $0x1  }
0xaa: {  	[sflag:s23] =	ssyncset.done $0x0  }
0xab: {  	s25 =	simm.s32 $0x1B8E;
	s24 =	sld [smem:$0x3FFE];
	[sflag:s23] =	ssyncadd.s32 $0xFFFFFFFF  }
0xac: {  	s26 =	simm.s32 $execute0_lowered;
	[smem:$0x3FD2] =	sst s25  }
0xad: {  	s8 =	sshll.u32 s26, $0x1;
	_ =	strace $0x80000046;
	[dreg:$0x1] =	wrdreg $0xFFFFFFFF  }
0xae: {  	s28 =	simm.s32 $_size_execute0_lowered;
	s6 =	sadd.s32 s6, s8;
	[dreg:$0x0] =	wrdreg $0x0  }
0xaf: {  	s8 =	sshll.u32 s28, $0x1;
	[dreg:$0x2] =	wrdreg s6  }
0xb0: {  	[dreg:$0x3] =	wrdreg s8  }
0xb1: {  	[dreg:$0x4] =	wrdreg $0xC0  }
0xb2: {  	_ =	task [dreg:s10], $0x5FFFF  }
0xb3: {  	[dreg:$0x1] =	wrdreg $0xFFFFFFFF  }
0xb4: {  	[dreg:$0x0] =	wrdreg $0x60  }
0xb5: {  	[dreg:$0x2] =	wrdreg s24  }
0xb6: {  	[dreg:$0x3] =	wrdreg s16  }
0xb7: {  	[dreg:$0x4] =	wrdreg s5  }
0xb8: {  	[dreg:$0x5] =	wrdreg s17  }
0xb9: {  	[dreg:$0x6] =	wrdreg s18  }
0xba: {  	[dreg:$0x7] =	wrdreg $0x9  }
0xbb: {  	_ =	task.clear_ibuf [dreg:s10], $0x8FFFF;
	_ =	strace $0x90000046  }
0xbc: {  	s29 =	simm.s32 $0x9;
	_ =	strace $0x80000048  }
0xbd: {  	_ =	swait.ge [sflag:s29], $0x1  }
0xbe: {  	[sflag:s29] =	ssyncadd.s32 $0xFFFFFFFF  }
0xbf: {  	_ =	strace $0x90000048  }
0xc0: {  	_ =	sfence  }
0xc1: {  	s30 =	sld [smem:$0x0];
	_ =	sdelay $0x2  }
0xc2: {  	s31 =	sshll.u32 s1, $0xD;
	s1 =	sshrl.u32 s1, $0x2  }
0xc3: {  	s3 =	sand.u32 $0x4000, s31;
	s1 =	sadd.s32 s1, s30  }
0xc4: {  	s0 =	sor.u32 s3, s0;
	s1 =	sshll.u32 s1, $0x11  }
0xc5: {  	s0 =	sor.u32 s1, s0  }
0xc6: {  	s0 =	sadd.s32 $0x8F2B, s0  }
0xc7: {  	[sflag:s0] =	ssyncadd.remote.s32 $0x1  }
0xc8: {  	_ =	sfence.sel $0xFFFF  }
0xc9: {  	[dreg:$0x0] =	wrdreg $0xFFFFFFFF;
	(pc) =	sbr.abs _section_cstart, $3  }
0xca: {  	[dreg:$0x1] =	wrdreg $0xFFFFFFFF  }
0xcb: {  	_ =	task.clear_ibuf [dreg:s10], $0x2FFFF;
	_ =	strace $0x9FFFFFFF  }
0xcc: {  	(tm) =	ssettm $0x7FFFFFFF  }
0xcd: {  	_ =	shalt  }
tec
execute0_lowered:
.L_overlay_start_1:
0x0: {  	(tag) =	ssettag $0x1  }
0x1: {  	s0 =	rddreg [dreg:$0x0]  }
0x2: {  	s1 =	rddreg [dreg:$0x1]  }
0x3: {  	s2 =	rddreg [dreg:$0x2]  }
0x4: {  	s3 =	rddreg [dreg:$0x3]  }
0x5: {  	s5 =	rddreg [dreg:$0x4];
	s6 =	simm.s32 $0x0;
	s4 =	srdreg.scid  }
0x6: {  	s7 =	stileid.u32;
	s18 =	simm.s32 $0x80;
	s23 =	simm.s32 $0x1  }
0x7: {  	s28 =	simm.s32 $0x14A00;
	s30 =	simm.s32 $0x18A00;
	s31 =	simm.s32 $0x2  }
0x8: {  	s19 =	simm.s32 $0x0;
	[smem:$0x7FF] =	sst s6;
	s4 =	sand.u32 $0x1, s4  }
0x9: {  	s7 =	sshll.u32 s7, $0x1;
	s8 =	sadd.s32 $0x25400, s0;
	s10 =	sadd.s32 $0x44800, s0  }
0xa: {  	s11 =	sadd.s32 $0x2E00, s0;
	s9 =	sor.u32 s4, s7;
	s4 =	ssub.s32 $0x2, s4  }
0xb: {  	s12 =	sadd.s32 $0x107E00, s0;
	s9 =	smul.u32 $0x1900, s9;
	s14 =	sshrl.u32 s4, $0x1  }
0xc: {  	s13 =	sadd.s32 $0x1CB400, s0;
	_ =	strace $0x80000047;
	s25 =	ssub.s32 s4, s14  }
0xd: {  	s7 =	sadd.s32 $0x6000, s0;
	s15 =	sshrl.u32 s9, $0x3;
	s0 =	smax.u32 s25, $0x1  }
0xe: {  	s4 =	simm.s32 $0x18A80;
	s26 =	sadd.s32 s8, s15;
	[dreg:$0x8] =	wrdreg s0  }
0xf: {  	s16 =	sor.u32 $0x80, s9;
	s29 =	sadd.s32 s7, s15;
	[dreg:$0x6] =	wrdreg s26  }
0x10: {  	s25 =	simm.s32 $0x4;
	s0 =	simm.s32 $0x16A00;
	[dreg:$0x7] =	wrdreg s29  }
.LBB2_1:
0x11: {  	s14 =	rddreg [dreg:$0x6];
	s15 =	simm.s32 $0x32000;
	s17 =	simm.s32 $0x280  }
0x12: {  	[tilespmem:s17], [sflag:$0x4] =	stream.strided.gather [hbm4b:s14+s18], $0x280, s15, s18, $0x38;
	[tilespmem:$0x18B00] =	vst v63  }
0x13: {  	s20 =	rddreg [dreg:$0x7];
	s21 =	simm.s32 $0x7  }
0x14: {  	[tilespmem:s6], [sflag:$0x7] =	stream.strided.gather [hbm4b:s20+s18], $0x280, s15, s18, $0x38;
	[tilespmem:$0x18B00] =	vst v63  }
0x15: {  	_ =	swait.ge [sflag:s21], $0x280  }
0x16: {  	[sflag:s21] =	ssyncset.done $0x0  }
0x17: {  	s22 =	simm.s32 $0x500;
	[sflag:s21] =	ssyncadd.s32 $0xFFFFFD80  }
0x18: {  	[tilespmem:s22], [sflag:$0x1] =	stream.indirect.gather [hbm4b:s10+s18], $0x40, s6, s18, $0xb8;
	[tilespmem:$0x18B00] =	vst v63  }
0x19: {  	s24 =	simm.s32 $0x2500  }
0x1a: {  	[tilespmem:s24], [sflag:$0x1] =	stream.indirect.gather [hbm4b:s10+s18], $0x40, s18, s18, $0xb8;
	[tilespmem:$0x18B00] =	vst v63  }
0x1b: {  	s26 =	simm.s32 $0x4500;
	s14 =	simm.s32 $0x100  }
0x1c: {  	[tilespmem:s26], [sflag:$0x1] =	stream.indirect.gather [hbm4b:s10+s18], $0x40, s14, s18, $0xb8;
	[tilespmem:$0x18B00] =	vst v63  }
0x1d: {  	s29 =	simm.s32 $0x180;
	s20 =	simm.s32 $0x6500  }
0x1e: {  	[tilespmem:s20], [sflag:$0x1] =	stream.indirect.gather [hbm4b:s10+s18], $0x40, s29, s18, $0xb8;
	[tilespmem:$0x18B00] =	vst v63  }
0x1f: {  	s17 =	simm.s32 $0x200;
	s20 =	simm.s32 $0x8500  }
0x20: {  	[tilespmem:s20], [sflag:$0x1] =	stream.indirect.gather [hbm4b:s10+s18], $0x40, s17, s18, $0xb8;
	[tilespmem:$0x18B00] =	vst v63  }
0x21: {  	s21 =	simm.s32 $0x14500  }
0x22: {  	[tilespmem:s21], [sflag:$0x1] =	stream.indirect.gather [hbm4b:s1+s18], $0x1, s6, s18, $0xb8;
	[tilespmem:$0x18B00] =	vst v63  }
0x23: {  	s22 =	simm.s32 $0x14580  }
0x24: {  	[tilespmem:s22], [sflag:$0x1] =	stream.indirect.gather [hbm4b:s1+s18], $0x1, s18, s18, $0xb8;
	[tilespmem:$0x18B00] =	vst v63  }
0x25: {  	s24 =	simm.s32 $0x14600  }
0x26: {  	[tilespmem:s24], [sflag:$0x1] =	stream.indirect.gather [hbm4b:s1+s18], $0x1, s14, s18, $0xb8;
	[tilespmem:$0x18B00] =	vst v63  }
0x27: {  	s26 =	simm.s32 $0x14680  }
0x28: {  	[tilespmem:s26], [sflag:$0x1] =	stream.indirect.gather [hbm4b:s1+s18], $0x1, s29, s18, $0xb8;
	[tilespmem:$0x18B00] =	vst v63  }
0x29: {  	s24 =	simm.s32 $0x0;
	s29 =	simm.s32 $0x14700  }
0x2a: {  	[tilespmem:s29], [sflag:$0x1] =	stream.indirect.gather [hbm4b:s1+s18], $0x1, s17, s18, $0xb8;
	[tilespmem:$0x18B00] =	vst v63  }
.LBB2_2:
0x2b: {  	_ =	swait.ge [sflag:s23], $0x2000  }
0x2c: {  	[sflag:s23] =	ssyncset.done $0x0  }
0x2d: {  	[sflag:s23] =	ssyncadd.s32 $0xFFFFE000  }
0x2e: {  	_ =	swait.ge [sflag:s23], $0x2000  }
0x2f: {  	[sflag:s23] =	ssyncset.done $0x0  }
0x30: {  	[sflag:s23] =	ssyncadd.s32 $0xFFFFE000  }
0x31: {  	_ =	swait.ge [sflag:s23], $0x2000  }
0x32: {  	[sflag:s23] =	ssyncset.done $0x0  }
0x33: {  	[sflag:s23] =	ssyncadd.s32 $0xFFFFE000  }
0x34: {  	_ =	swait.ge [sflag:s23], $0x2000  }
0x35: {  	[sflag:s23] =	ssyncset.done $0x0  }
0x36: {  	[sflag:s23] =	ssyncadd.s32 $0xFFFFE000  }
0x37: {  	_ =	swait.ge [sflag:s23], $0x2000  }
0x38: {  	[sflag:s23] =	ssyncset.done $0x0  }
0x39: {  	[sflag:s23] =	ssyncadd.s32 $0xFFFFE000  }
0x3a: {  	_ =	swait.ge [sflag:s23], $0x80  }
0x3b: {  	[sflag:s23] =	ssyncset.done $0x0  }
0x3c: {  	[sflag:s23] =	ssyncadd.s32 $0xFFFFFF80  }
0x3d: {  	_ =	swait.ge [sflag:s23], $0x80  }
0x3e: {  	[sflag:s23] =	ssyncset.done $0x0  }
0x3f: {  	[sflag:s23] =	ssyncadd.s32 $0xFFFFFF80  }
0x40: {  	_ =	swait.ge [sflag:s23], $0x80  }
0x41: {  	[sflag:s23] =	ssyncset.done $0x0  }
0x42: {  	[sflag:s23] =	ssyncadd.s32 $0xFFFFFF80  }
0x43: {  	_ =	swait.ge [sflag:s23], $0x80  }
0x44: {  	p0 =	seq.s32 s24, $0x31;
	[sflag:s23] =	ssyncset.done $0x0  }
0x45: {  	s14 =	sshll.u32 @!p0 s24, $0x7;
	[sflag:s23] =	ssyncadd.s32 $0xFFFFFF80  }
0x46: {  	s15 =	simm.s32 @!p0 $0x80;
	s14 =	sadd.s32 @!p0 s14, s16;
	_ =	swait.ge [sflag:s23], $0x80  }
0x47: {  	s17 =	simm.s32 @!p0 $0x32000;
	s14 =	sshrl.u32 @!p0 s14, $0x3;
	[sflag:s23] =	ssyncset.done $0x0  }
0x48: {  	s26 =	simm.s32 @!p0 $0x0;
	s14 =	sadd.s32 @!p0 s7, s14;
	[sflag:s23] =	ssyncadd.s32 $0xFFFFFF80  }
0x49: {  	[tilespmem:s26], [sflag:$0x3] =	stream.strided.gather @!p0 [hbm4b:s14+s15], $0x280, s17, s15, $0x38;
	[tilespmem:$0x18B00] =	vst v63  }
0x4a: {  	p1 =	seq.s32 s24, $0x0;
	_ =	swait.ge [sflag:s25], $0x280  }
0x4b: {  	s14 =	simm.s32 @p1 $0x80;
	[sflag:s25] =	ssyncset.done $0x0  }
0x4c: {  	s15 =	simm.s32 @p1 $0x280;
	s17 =	simm.s32 @p1 $0xA500;
	[sflag:s25] =	ssyncadd.s32 $0xFFFFFD80  }
0x4d: {  	[tilespmem:s17], [sflag:$0x2] =	stream.indirect.gather @p1 [hbm4b:s12+s14], $0x40, s15, s14, $0xb8;
	[tilespmem:$0x18B00] =	vst v63  }
0x4e: {  	s26 =	simm.s32 @p1 $0xC500;
	s17 =	simm.s32 @p1 $0x300  }
0x4f: {  	[tilespmem:s26], [sflag:$0x2] =	stream.indirect.gather @p1 [hbm4b:s12+s14], $0x40, s17, s14, $0xb8;
	[tilespmem:$0x18B00] =	vst v63  }
0x50: {  	s29 =	simm.s32 @p1 $0xE500;
	s26 =	simm.s32 @p1 $0x380  }
0x51: {  	[tilespmem:s29], [sflag:$0x2] =	stream.indirect.gather @p1 [hbm4b:s12+s14], $0x40, s26, s14, $0xb8;
	[tilespmem:$0x18B00] =	vst v63  }
0x52: {  	s21 =	simm.s32 @p1 $0x10500;
	s29 =	simm.s32 @p1 $0x400  }
0x53: {  	[tilespmem:s21], [sflag:$0x2] =	stream.indirect.gather @p1 [hbm4b:s12+s14], $0x40, s29, s14, $0xb8;
	[tilespmem:$0x18B00] =	vst v63  }
0x54: {  	s20 =	simm.s32 @p1 $0x12500;
	s21 =	simm.s32 @p1 $0x480  }
0x55: {  	[tilespmem:s20], [sflag:$0x2] =	stream.indirect.gather @p1 [hbm4b:s12+s14], $0x40, s21, s14, $0xb8;
	[tilespmem:$0x18B00] =	vst v63  }
0x56: {  	s20 =	simm.s32 @p1 $0x14780  }
0x57: {  	[tilespmem:s20], [sflag:$0x2] =	stream.indirect.gather @p1 [hbm4b:s11+s14], $0x1, s15, s14, $0xb8;
	[tilespmem:$0x18B00] =	vst v63  }
0x58: {  	s15 =	simm.s32 @p1 $0x14800  }
0x59: {  	[tilespmem:s15], [sflag:$0x2] =	stream.indirect.gather @p1 [hbm4b:s11+s14], $0x1, s17, s14, $0xb8;
	[tilespmem:$0x18B00] =	vst v63  }
0x5a: {  	s15 =	simm.s32 @p1 $0x14880  }
0x5b: {  	[tilespmem:s15], [sflag:$0x2] =	stream.indirect.gather @p1 [hbm4b:s11+s14], $0x1, s26, s14, $0xb8;
	[tilespmem:$0x18B00] =	vst v63  }
0x5c: {  	s15 =	simm.s32 @p1 $0x14900  }
0x5d: {  	[tilespmem:s15], [sflag:$0x2] =	stream.indirect.gather @p1 [hbm4b:s11+s14], $0x1, s29, s14, $0xb8;
	[tilespmem:$0x18B00] =	vst v63  }
0x5e: {  	s15 =	simm.s32 @p1 $0x14980  }
0x5f: {  	[tilespmem:s15], [sflag:$0x2] =	stream.indirect.gather @p1 [hbm4b:s11+s14], $0x1, s21, s14, $0xb8;
	[tilespmem:$0x18B00] =	vst v63  }
0x60: {  	s14 =	simm.s32 @!p1 $0x6  }
0x61: {  	_ =	swait.ge @!p1 [sflag:s14], $0x2000  }
0x62: {  	[sflag:s14] =	ssyncset.done @!p1 $0x0  }
0x63: {  	[sflag:s14] =	ssyncadd.s32 @!p1 $0xFFFFE000  }
0x64: {  	_ =	swait.ge @!p1 [sflag:s14], $0x80  }
0x65: {  	s17 =	simm.s32 @!p1 $0xA500;
	[sflag:s14] =	ssyncset.done @!p1 $0x0  }
0x66: {  	s15 =	simm.s32 @!p1 $0x280;
	[sflag:s14] =	ssyncadd.s32 @!p1 $0xFFFFFF80;
	s14 =	simm.s32 @!p1 $0x80  }
0x67: {  	[tilespmem:s17], [sflag:$0x2] =	stream.indirect.gather @!p1 [hbm4b:s12+s14], $0x40, s15, s14, $0xb8;
	[tilespmem:$0x18B00] =	vst v63  }
0x68: {  	s20 =	simm.s32 @!p1 $0xC500;
	s17 =	simm.s32 @!p1 $0x300  }
0x69: {  	[tilespmem:s20], [sflag:$0x2] =	stream.indirect.gather @!p1 [hbm4b:s12+s14], $0x40, s17, s14, $0xb8;
	[tilespmem:$0x18B00] =	vst v63  }
0x6a: {  	s21 =	simm.s32 @!p1 $0xE500;
	s20 =	simm.s32 @!p1 $0x380  }
0x6b: {  	[tilespmem:s21], [sflag:$0x2] =	stream.indirect.gather @!p1 [hbm4b:s12+s14], $0x40, s20, s14, $0xb8;
	[tilespmem:$0x18B00] =	vst v63  }
0x6c: {  	s26 =	simm.s32 @!p1 $0x10500;
	s21 =	simm.s32 @!p1 $0x400  }
0x6d: {  	[tilespmem:s26], [sflag:$0x2] =	stream.indirect.gather @!p1 [hbm4b:s12+s14], $0x40, s21, s14, $0xb8;
	[tilespmem:$0x18B00] =	vst v63  }
0x6e: {  	s29 =	simm.s32 @!p1 $0x12500;
	s26 =	simm.s32 @!p1 $0x480  }
0x6f: {  	[tilespmem:s29], [sflag:$0x2] =	stream.indirect.gather @!p1 [hbm4b:s12+s14], $0x40, s26, s14, $0xb8;
	[tilespmem:$0x18B00] =	vst v63  }
0x70: {  	s29 =	simm.s32 @!p1 $0x14780  }
0x71: {  	[tilespmem:s29], [sflag:$0x2] =	stream.indirect.gather @!p1 [hbm4b:s11+s14], $0x1, s15, s14, $0xb8;
	[tilespmem:$0x18B00] =	vst v63  }
0x72: {  	s15 =	simm.s32 @!p1 $0x14800  }
0x73: {  	[tilespmem:s15], [sflag:$0x2] =	stream.indirect.gather @!p1 [hbm4b:s11+s14], $0x1, s17, s14, $0xb8;
	[tilespmem:$0x18B00] =	vst v63  }
0x74: {  	s15 =	simm.s32 @!p1 $0x14880  }
0x75: {  	[tilespmem:s15], [sflag:$0x2] =	stream.indirect.gather @!p1 [hbm4b:s11+s14], $0x1, s20, s14, $0xb8;
	[tilespmem:$0x18B00] =	vst v63  }
0x76: {  	s15 =	simm.s32 @!p1 $0x14900  }
0x77: {  	[tilespmem:s15], [sflag:$0x2] =	stream.indirect.gather @!p1 [hbm4b:s11+s14], $0x1, s21, s14, $0xb8;
	[tilespmem:$0x18B00] =	vst v63  }
0x78: {  	s15 =	simm.s32 @!p1 $0x14980  }
0x79: {  	[tilespmem:s15], [sflag:$0x2] =	stream.indirect.gather @!p1 [hbm4b:s11+s14], $0x1, s26, s14, $0xb8;
	[tilespmem:$0x18B00] =	vst v63  }
0x7a: {  	s14 =	simm.s32 @!p1 $0x5  }
0x7b: {  	_ =	swait.ge @!p1 [sflag:s14], $0x2000  }
0x7c: {  	[sflag:s14] =	ssyncset.done @!p1 $0x0  }
0x7d: {  	[sflag:s14] =	ssyncadd.s32 @!p1 $0xFFFFE000  }
0x7e: {  	_ =	swait.ge @!p1 [sflag:s14], $0x80  }
0x7f: {  	[sflag:s14] =	ssyncset.done @!p1 $0x0  }
0x80: {  	[sflag:s14] =	ssyncadd.s32 @!p1 $0xFFFFFF80;
	s14 =	simm.s32 $0x0  }
0x81: {  	v0 =	vld [tilespmem:s14+$0x570]  }
0x82: {  	v1 =	vld [tilespmem:s14+$0x2570]  }
0x83: {  	v2 =	vld [tilespmem:s14+$0x500]  }
0x84: {  	v3 =	vld [tilespmem:s14+$0x4570]  }
0x85: {  	v4 =	vld [tilespmem:s14+$0x2500]  }
0x86: {  	v5 =	vld [tilespmem:s14+$0x6570]  }
0x87: {  	v6 =	vld [tilespmem:s14+$0x510]  }
0x88: {  	v7 =	vld [tilespmem:s14+$0x2510]  }
0x89: {  	v8 =	vld [tilespmem:s14+$0x2520]  }
0x8a: {  	v9 =	vld [tilespmem:s14+$0x2530]  }
0x8b: {  	v10 =	vld [tilespmem:s14+$0x2540]  }
0x8c: {  	v11 =	vld [tilespmem:s14+$0x2550]  }
0x8d: {  	v12 =	vld [tilespmem:s14+$0x560]  }
0x8e: {  	v13 =	vld [tilespmem:s14+$0x2560]  }
0x8f: {  	v14 =	vld [tilespmem:s14+$0x4500]  }
0x90: {  	v15 =	vld [tilespmem:s14+$0x4510]  }
0x91: {  	v16 =	vld [tilespmem:s14+$0x4520]  }
0x92: {  	v17 =	vld [tilespmem:s14+$0x4530]  }
0x93: {  	v18 =	vld [tilespmem:s14+$0x4540]  }
0x94: {  	v19 =	vld [tilespmem:s14+$0x4550]  }
0x95: {  	v20 =	vld [tilespmem:s14+$0x4560];
	v0 =	vadd.f32 v1, v0  }
0x96: {  	v1 =	vld [tilespmem:s14+$0x8570]  }
0x97: {  	v21 =	vld [tilespmem:s14+$0x6500];
	v0 =	vadd.f32 v3, v0  }
0x98: {  	v22 =	vld [tilespmem:s14+$0x6510]  }
0x99: {  	v59 =	vld [tilespmem:s14+$0x6560];
	v0 =	vadd.f32 v5, v0  }
0x9a: {  	v3 =	vld [tilespmem:s14+$0x520]  }
0x9b: {  	v5 =	vld [tilespmem:s14+$0x530];
	v0 =	vadd.f32 v1, v0  }
0x9c: {  	v2 =	vadd.f32 v4, v2;
	v4 =	vadd.f32 v7, v6;
	v1 =	vld [tilespmem:s14+$0x540]  }
0x9d: {  	[tilespmem:s14+$0x14A70] =	vst v0;
	v0 =	vld [tilespmem:s14+$0x550]  }
0x9e: {  	v61 =	vld [tilespmem:s14+$0x8500];
	v2 =	vadd.f32 v14, v2;
	v4 =	vadd.f32 v15, v4  }
0x9f: {  	v6 =	vld [tilespmem:s14+$0x6520];
	v3 =	vadd.f32 v8, v3;
	v8 =	vadd.f32 v13, v12  }
0xa0: {  	v7 =	vld [tilespmem:s14+$0x6530];
	v63 =	vadd.f32 v21, v2;
	v5 =	vadd.f32 v9, v5  }
0xa1: {  	v9 =	vld [tilespmem:s14+$0x6540];
	v3 =	vadd.f32 v16, v3;
	v62 =	vadd.f32 v20, v8  }
0xa2: {  	v1 =	vadd.f32 v10, v1;
	v0 =	vadd.f32 v11, v0;
	v11 =	vld [tilespmem:s14+$0x6550]  }
0xa3: {  	v60 =	vadd.f32 v17, v5;
	v10 =	vld [tilespmem:s14+$0x8510];
	v5 =	vadd.f32 v22, v4  }
0xa4: {  	v8 =	vld [tilespmem:s14+$0x8520];
	v4 =	vadd.f32 v6, v3;
	v1 =	vadd.f32 v18, v1  }
0xa5: {  	v6 =	vld [tilespmem:s14+$0x8530];
	v3 =	vadd.f32 v7, v60;
	v0 =	vadd.f32 v19, v0  }
0xa6: {  	v7 =	vld [tilespmem:s14+$0x8540];
	v2 =	vadd.f32 v9, v1;
	v1 =	vadd.f32 v59, v62  }
0xa7: {  	s26 =	simm.s32 $0x0;
	s15 =	simm.s32 $0x200;
	v9 =	vld [tilespmem:s14+$0x8550];
	v0 =	vadd.f32 v11, v0;
	v11 =	vadd.f32 v61, v63  }
.LBB2_3:
0xa8: {  	s17 =	sshra.s32 s15, $0x2;
	v5 =	vadd.f32 v10, v5;
	v10 =	vld [tilespmem:s14+$0x8560]  }
0xa9: {  	s26 =	sadd.s32 $0x2, s26;
	v12 =	vld [tilespmem:s17+$0x570];
	[tilespmem:s14+$0x14A00] =	vst v11;
	v4 =	vadd.f32 v8, v4  }
0xaa: {  	p1 =	slt.u32 s26, $0x7E;
	v8 =	vld [tilespmem:s17+$0x2570];
	[tilespmem:s14+$0x14A10] =	vst v5;
	v3 =	vadd.f32 v6, v3  }
0xab: {  	v5 =	vld [tilespmem:s17+$0x500];
	[tilespmem:s14+$0x14A20] =	vst v4;
	v2 =	vadd.f32 v7, v2  }
0xac: {  	v4 =	vld [tilespmem:s17+$0x4570];
	[tilespmem:s14+$0x14A30] =	vst v3;
	v0 =	vadd.f32 v9, v0  }
0xad: {  	v3 =	vld [tilespmem:s17+$0x2500];
	[tilespmem:s14+$0x14A40] =	vst v2;
	v1 =	vadd.f32 v10, v1  }
0xae: {  	v2 =	vld [tilespmem:s17+$0x6570];
	[tilespmem:s14+$0x14A50] =	vst v0  }
0xaf: {  	v0 =	vld [tilespmem:s17+$0x510];
	v6 =	vadd.f32 v8, v12;
	[tilespmem:s14+$0x14A60] =	vst v1;
	s14 =	smov.u32 s17  }
0xb0: {  	v1 =	vld [tilespmem:s14+$0x8570]  }
0xb1: {  	v7 =	vld [tilespmem:s14+$0x2510];
	v4 =	vadd.f32 v4, v6  }
0xb2: {  	v3 =	vadd.f32 v3, v5;
	v5 =	vld [tilespmem:s14+$0x520]  }
0xb3: {  	v6 =	vld [tilespmem:s14+$0x2520];
	v2 =	vadd.f32 v2, v4  }
0xb4: {  	v4 =	vld [tilespmem:s14+$0x530]  }
0xb5: {  	v8 =	vld [tilespmem:s14+$0x2530];
	v1 =	vadd.f32 v1, v2  }
0xb6: {  	v0 =	vadd.f32 v7, v0;
	v2 =	vld [tilespmem:s14+$0x540]  }
0xb7: {  	v7 =	vld [tilespmem:s14+$0x2540];
	[tilespmem:s14+$0x14A70] =	vst v1  }
0xb8: {  	v1 =	vadd.f32 v6, v5;
	v5 =	vld [tilespmem:s14+$0x550]  }
0xb9: {  	v6 =	vld [tilespmem:s14+$0x2550]  }
0xba: {  	v4 =	vadd.f32 v8, v4;
	v8 =	vld [tilespmem:s14+$0x560]  }
0xbb: {  	v9 =	vld [tilespmem:s14+$0x2560]  }
0xbc: {  	v10 =	vld [tilespmem:s14+$0x4500];
	v2 =	vadd.f32 v7, v2  }
0xbd: {  	v7 =	vld [tilespmem:s14+$0x4510]  }
0xbe: {  	v11 =	vld [tilespmem:s14+$0x4520];
	v5 =	vadd.f32 v6, v5  }
0xbf: {  	v6 =	vld [tilespmem:s14+$0x4530]  }
0xc0: {  	v12 =	vld [tilespmem:s14+$0x4540];
	v8 =	vadd.f32 v9, v8  }
0xc1: {  	v3 =	vadd.f32 v10, v3;
	v9 =	vld [tilespmem:s14+$0x4550]  }
0xc2: {  	v0 =	vadd.f32 v7, v0;
	v7 =	vld [tilespmem:s14+$0x4560]  }
0xc3: {  	v10 =	vld [tilespmem:s14+$0x6500];
	v1 =	vadd.f32 v11, v1  }
0xc4: {  	v11 =	vld [tilespmem:s14+$0x6510];
	v6 =	vadd.f32 v6, v4  }
0xc5: {  	v4 =	vld [tilespmem:s14+$0x6520];
	v2 =	vadd.f32 v12, v2  }
0xc6: {  	v12 =	vld [tilespmem:s14+$0x6530];
	v9 =	vadd.f32 v9, v5  }
0xc7: {  	v13 =	vld [tilespmem:s14+$0x6540];
	v14 =	vadd.f32 v7, v8  }
0xc8: {  	v15 =	vadd.f32 v10, v3;
	v7 =	vld [tilespmem:s14+$0x6550]  }
0xc9: {  	v5 =	vadd.f32 v11, v0;
	v11 =	vld [tilespmem:s14+$0x6560]  }
0xca: {  	v16 =	vld [tilespmem:s14+$0x8500];
	v4 =	vadd.f32 v4, v1  }
.Ltmp0:
0xcb: {  	v10 =	vld [tilespmem:s14+$0x8510];
	v3 =	vadd.f32 v12, v6;
	(pc) =	sbr.rel @p1 .LBB2_3-.Ltmp0, $4  }
0xcc: {  	v8 =	vld [tilespmem:s14+$0x8520];
	v2 =	vadd.f32 v13, v2  }
0xcd: {  	v6 =	vld [tilespmem:s14+$0x8530];
	v0 =	vadd.f32 v7, v9  }
0xce: {  	v7 =	vld [tilespmem:s14+$0x8540];
	v1 =	vadd.f32 v11, v14  }
0xcf: {  	s15 =	sadd.s32 $0x200, s15;
	v11 =	vadd.f32 v16, v15;
	v9 =	vld [tilespmem:s14+$0x8550]  }
0xd0: {  	v5 =	vadd.f32 v10, v5;
	v10 =	vld [tilespmem:s14+$0x8560]  }
0xd1: {  	[tilespmem:s14+$0x14A00] =	vst v11;
	v4 =	vadd.f32 v8, v4  }
0xd2: {  	[tilespmem:s14+$0x14A10] =	vst v5;
	v3 =	vadd.f32 v6, v3  }
0xd3: {  	[tilespmem:s14+$0x14A20] =	vst v4;
	v2 =	vadd.f32 v7, v2  }
0xd4: {  	[tilespmem:s14+$0x14A30] =	vst v3;
	v0 =	vadd.f32 v9, v0  }
0xd5: {  	[tilespmem:s14+$0x14A40] =	vst v2;
	v1 =	vadd.f32 v10, v1  }
0xd6: {  	[tilespmem:s14+$0x14A50] =	vst v0  }
0xd7: {  	[tilespmem:s14+$0x14A60] =	vst v1  }
0xd8: {  	v0 =	vld [tilespmem:$0x14500]  }
0xd9: {  	v1 =	vld [tilespmem:$0x14580]  }
0xda: {  	v2 =	vld [tilespmem:$0x14600]  }
0xdb: {  	v3 =	vld [tilespmem:$0x14680]  }
0xdc: {  	v4 =	vld [tilespmem:$0x14700]  }
0xdd: {  	v5 =	vld [tilespmem:$0x14510]  }
0xde: {  	v6 =	vld [tilespmem:$0x14590]  }
0xdf: {  	v7 =	vld [tilespmem:$0x14610]  }
0xe0: {  	v8 =	vld [tilespmem:$0x14690]  }
0xe1: {  	v9 =	vld [tilespmem:$0x14710]  }
0xe2: {  	v10 =	vld [tilespmem:$0x14520]  }
0xe3: {  	v11 =	vld [tilespmem:$0x145A0]  }
0xe4: {  	v12 =	vld [tilespmem:$0x14620]  }
0xe5: {  	v13 =	vld [tilespmem:$0x146A0]  }
0xe6: {  	v14 =	vld [tilespmem:$0x14720]  }
0xe7: {  	v15 =	vld [tilespmem:$0x14530]  }
0xe8: {  	v16 =	vld [tilespmem:$0x145B0]  }
0xe9: {  	v17 =	vld [tilespmem:$0x14630]  }
0xea: {  	v18 =	vld [tilespmem:$0x146B0]  }
0xeb: {  	v19 =	vld [tilespmem:$0x14730]  }
0xec: {  	v20 =	vld [tilespmem:$0x14540]  }
0xed: {  	v21 =	vld [tilespmem:$0x145C0]  }
0xee: {  	v22 =	vld [tilespmem:$0x14640]  }
0xef: {  	v23 =	vld [tilespmem:$0x146C0]  }
0xf0: {  	v24 =	vld [tilespmem:$0x14740]  }
0xf1: {  	v25 =	vld [tilespmem:$0x14550]  }
0xf2: {  	v26 =	vld [tilespmem:$0x145D0]  }
0xf3: {  	v44 =	vld [tilespmem:$0x14670];
	v0 =	vadd.f32 v1, v0  }
0xf4: {  	v1 =	vld [tilespmem:$0x14650];
	v5 =	vadd.f32 v6, v5  }
0xf5: {  	v6 =	vld [tilespmem:$0x146D0];
	v43 =	vadd.f32 v21, v20;
	v0 =	vadd.f32 v2, v0  }
0xf6: {  	v2 =	vadd.f32 v11, v10;
	v5 =	vadd.f32 v7, v5;
	v11 =	vld [tilespmem:$0x14560]  }
0xf7: {  	v45 =	vadd.f32 v26, v25;
	v0 =	vadd.f32 v3, v0;
	v3 =	vld [tilespmem:$0x145E0]  }
0xf8: {  	v7 =	vadd.f32 v16, v15;
	v5 =	vadd.f32 v8, v5;
	v8 =	vld [tilespmem:$0x14570]  }
0xf9: {  	v2 =	vadd.f32 v12, v2;
	v0 =	vadd.f32 v4, v0;
	v4 =	vld [tilespmem:$0x145F0]  }
0xfa: {  	v7 =	vadd.f32 v17, v7;
	v5 =	vadd.f32 v9, v5;
	v9 =	vld [tilespmem:$0x14660]  }
0xfb: {  	v46 =	vld [tilespmem:$0x146E0];
	v12 =	vadd.f32 v22, v43;
	v1 =	vadd.f32 v1, v45  }
0xfc: {  	v10 =	vld [tilespmem:$0x14750];
	v2 =	vadd.f32 v13, v2;
	v7 =	vadd.f32 v18, v7  }
0xfd: {  	v1 =	vadd.f32 v6, v1;
	v3 =	vadd.f32 v3, v11;
	v11 =	vld [tilespmem:$0x146F0]  }
0xfe: {  	v47 =	vld [tilespmem:$0x14760];
	v2 =	vadd.f32 v14, v2;
	v4 =	vadd.f32 v4, v8  }
0xff: {  	[tilespmem:$0x18A00] =	vst v0;
	v0 =	vadd.f32 v23, v12;
	v3 =	vadd.f32 v9, v3;
	v8 =	vld [tilespmem:$0x14770]  }
0x100: {  	v7 =	vadd.f32 v19, v7;
	[tilespmem:$0x18A10] =	vst v5;
	v4 =	vadd.f32 v44, v4  }
0x101: {  	[tilespmem:$0x18A20] =	vst v2;
	v0 =	vadd.f32 v24, v0;
	v2 =	vadd.f32 v46, v3  }
0x102: {  	v1 =	vadd.f32 v10, v1;
	[tilespmem:$0x18A30] =	vst v7;
	v3 =	vadd.f32 v11, v4  }
0x103: {  	s15 =	sshll.u32 s24, $0x7;
	[tilespmem:$0x18A40] =	vst v0;
	v0 =	vadd.f32 v47, v2  }
0x104: {  	s21 =	sadd.s32 s9, s15;
	[tilespmem:$0x18A50] =	vst v1;
	v1 =	vadd.f32 v8, v3  }
0x105: {  	s26 =	sshll.u32 s21, $0x3;
	[tilespmem:$0x18A60] =	vst v0  }
0x106: {  	s17 =	sadd.s32 s3, s26;
	s14 =	sshrl.u32 s21, $0x3;
	[tilespmem:$0x18A70] =	vst v1  }
0x107: {  	[hbm4b:s17+s6] =	stream.linear.scatter [tilespmem:s28], [sflag:$0x5], $0x2000, $0x38;
	[tilespmem:$0x18B00] =	vst v63  }
0x108: {  	s22 =	sadd.s32 s2, s14  }
0x109: {  	[hbm4b:s22+s6] =	stream.linear.scatter [tilespmem:s30], [sflag:$0x5], $0x80, $0x38;
	[tilespmem:$0x18B00] =	vst v63  }
0x10a: {  	_ =	swait.ge [sflag:s31], $0x2000  }
0x10b: {  	[sflag:s31] =	ssyncset.done $0x0  }
0x10c: {  	[sflag:s31] =	ssyncadd.s32 $0xFFFFE000  }
0x10d: {  	_ =	swait.ge [sflag:s31], $0x2000  }
0x10e: {  	[sflag:s31] =	ssyncset.done $0x0  }
0x10f: {  	[sflag:s31] =	ssyncadd.s32 $0xFFFFE000  }
0x110: {  	_ =	swait.ge [sflag:s31], $0x2000  }
0x111: {  	[sflag:s31] =	ssyncset.done $0x0  }
0x112: {  	[sflag:s31] =	ssyncadd.s32 $0xFFFFE000  }
0x113: {  	_ =	swait.ge [sflag:s31], $0x2000  }
0x114: {  	[sflag:s31] =	ssyncset.done $0x0  }
0x115: {  	[sflag:s31] =	ssyncadd.s32 $0xFFFFE000  }
0x116: {  	_ =	swait.ge [sflag:s31], $0x2000  }
0x117: {  	[sflag:s31] =	ssyncset.done $0x0  }
0x118: {  	[sflag:s31] =	ssyncadd.s32 $0xFFFFE000  }
0x119: {  	_ =	swait.ge [sflag:s31], $0x80  }
0x11a: {  	[sflag:s31] =	ssyncset.done $0x0  }
0x11b: {  	[sflag:s31] =	ssyncadd.s32 $0xFFFFFF80  }
0x11c: {  	_ =	swait.ge [sflag:s31], $0x80  }
0x11d: {  	[sflag:s31] =	ssyncset.done $0x0  }
0x11e: {  	[sflag:s31] =	ssyncadd.s32 $0xFFFFFF80  }
0x11f: {  	_ =	swait.ge [sflag:s31], $0x80  }
0x120: {  	[sflag:s31] =	ssyncset.done $0x0  }
0x121: {  	[sflag:s31] =	ssyncadd.s32 $0xFFFFFF80  }
0x122: {  	_ =	swait.ge [sflag:s31], $0x80  }
0x123: {  	[sflag:s31] =	ssyncset.done $0x0  }
0x124: {  	s15 =	sadd.s32 @!p0 s15, s16;
	[sflag:s31] =	ssyncadd.s32 $0xFFFFFF80  }
0x125: {  	s15 =	sshrl.u32 @!p0 s15, $0x3;
	_ =	swait.ge [sflag:s31], $0x80  }
0x126: {  	s20 =	simm.s32 @!p0 $0x32000;
	s15 =	sadd.s32 @!p0 s8, s15;
	[sflag:s31] =	ssyncset.done $0x0  }
0x127: {  	s21 =	simm.s32 @!p0 $0x280;
	s17 =	simm.s32 @!p0 $0x80;
	[sflag:s31] =	ssyncadd.s32 $0xFFFFFF80  }
0x128: {  	[tilespmem:s21], [sflag:$0x4] =	stream.strided.gather @!p0 [hbm4b:s15+s17], $0x280, s20, s17, $0x38;
	[tilespmem:$0x18B00] =	vst v63  }
0x129: {  	s15 =	simm.s32 @!p0 $0x3  }
0x12a: {  	_ =	swait.ge @!p0 [sflag:s15], $0x280  }
0x12b: {  	[sflag:s15] =	ssyncset.done @!p0 $0x0  }
0x12c: {  	s20 =	simm.s32 @!p0 $0x500;
	[sflag:s15] =	ssyncadd.s32 @!p0 $0xFFFFFD80;
	s15 =	simm.s32 @!p0 $0x0  }
0x12d: {  	[tilespmem:s20], [sflag:$0x1] =	stream.indirect.gather @!p0 [hbm4b:s10+s17], $0x40, s15, s17, $0xb8;
	[tilespmem:$0x18B00] =	vst v63  }
0x12e: {  	s20 =	simm.s32 @!p0 $0x2500  }
0x12f: {  	[tilespmem:s20], [sflag:$0x1] =	stream.indirect.gather @!p0 [hbm4b:s10+s17], $0x40, s17, s17, $0xb8;
	[tilespmem:$0x18B00] =	vst v63  }
0x130: {  	s21 =	simm.s32 @!p0 $0x4500;
	s20 =	simm.s32 @!p0 $0x100  }
0x131: {  	[tilespmem:s21], [sflag:$0x1] =	stream.indirect.gather @!p0 [hbm4b:s10+s17], $0x40, s20, s17, $0xb8;
	[tilespmem:$0x18B00] =	vst v63  }
0x132: {  	s29 =	simm.s32 @!p0 $0x6500;
	s21 =	simm.s32 @!p0 $0x180  }
0x133: {  	[tilespmem:s29], [sflag:$0x1] =	stream.indirect.gather @!p0 [hbm4b:s10+s17], $0x40, s21, s17, $0xb8;
	[tilespmem:$0x18B00] =	vst v63  }
0x134: {  	s22 =	simm.s32 @!p0 $0x8500;
	s29 =	simm.s32 @!p0 $0x200  }
0x135: {  	[tilespmem:s22], [sflag:$0x1] =	stream.indirect.gather @!p0 [hbm4b:s10+s17], $0x40, s29, s17, $0xb8;
	[tilespmem:$0x18B00] =	vst v63  }
0x136: {  	s22 =	simm.s32 @!p0 $0x14500  }
0x137: {  	[tilespmem:s22], [sflag:$0x1] =	stream.indirect.gather @!p0 [hbm4b:s1+s17], $0x1, s15, s17, $0xb8;
	[tilespmem:$0x18B00] =	vst v63  }
0x138: {  	s15 =	simm.s32 @!p0 $0x14580  }
0x139: {  	[tilespmem:s15], [sflag:$0x1] =	stream.indirect.gather @!p0 [hbm4b:s1+s17], $0x1, s17, s17, $0xb8;
	[tilespmem:$0x18B00] =	vst v63  }
0x13a: {  	s15 =	simm.s32 @!p0 $0x14600  }
0x13b: {  	[tilespmem:s15], [sflag:$0x1] =	stream.indirect.gather @!p0 [hbm4b:s1+s17], $0x1, s20, s17, $0xb8;
	[tilespmem:$0x18B00] =	vst v63  }
0x13c: {  	s15 =	simm.s32 @!p0 $0x14680  }
0x13d: {  	[tilespmem:s15], [sflag:$0x1] =	stream.indirect.gather @!p0 [hbm4b:s1+s17], $0x1, s21, s17, $0xb8;
	[tilespmem:$0x18B00] =	vst v63  }
0x13e: {  	s15 =	simm.s32 @!p0 $0x14700  }
0x13f: {  	[tilespmem:s15], [sflag:$0x1] =	stream.indirect.gather @!p0 [hbm4b:s1+s17], $0x1, s29, s17, $0xb8;
	[tilespmem:$0x18B00] =	vst v63  }
0x140: {  	s29 =	simm.s32 $0x0  }
0x141: {  	v0 =	vld [tilespmem:s29+$0xA570]  }
0x142: {  	v1 =	vld [tilespmem:s29+$0xC570]  }
0x143: {  	v2 =	vld [tilespmem:s29+$0xA500]  }
0x144: {  	v3 =	vld [tilespmem:s29+$0xE570]  }
0x145: {  	v4 =	vld [tilespmem:s29+$0xC500]  }
0x146: {  	v5 =	vld [tilespmem:s29+$0x10570]  }
0x147: {  	v6 =	vld [tilespmem:s29+$0xA510]  }
0x148: {  	v7 =	vld [tilespmem:s29+$0xC510]  }
0x149: {  	v8 =	vld [tilespmem:s29+$0xC520]  }
0x14a: {  	v9 =	vld [tilespmem:s29+$0xC530]  }
0x14b: {  	v10 =	vld [tilespmem:s29+$0xC540]  }
0x14c: {  	v11 =	vld [tilespmem:s29+$0xC550]  }
0x14d: {  	v48 =	vld [tilespmem:s29+$0xA560]  }
0x14e: {  	v49 =	vld [tilespmem:s29+$0xC560]  }
0x14f: {  	v50 =	vld [tilespmem:s29+$0xE500]  }
0x150: {  	v51 =	vld [tilespmem:s29+$0xE510]  }
0x151: {  	v52 =	vld [tilespmem:s29+$0xE520]  }
0x152: {  	v53 =	vld [tilespmem:s29+$0xE530]  }
0x153: {  	v54 =	vld [tilespmem:s29+$0xE540]  }
0x154: {  	v55 =	vld [tilespmem:s29+$0xE550]  }
0x155: {  	v56 =	vld [tilespmem:s29+$0xE560];
	v0 =	vadd.f32 v1, v0  }
0x156: {  	v1 =	vld [tilespmem:s29+$0x12570]  }
0x157: {  	v57 =	vld [tilespmem:s29+$0x10500];
	v0 =	vadd.f32 v3, v0  }
0x158: {  	v58 =	vld [tilespmem:s29+$0x10510]  }
0x159: {  	v59 =	vld [tilespmem:s29+$0x10560];
	v0 =	vadd.f32 v5, v0  }
0x15a: {  	v3 =	vld [tilespmem:s29+$0xA520]  }
0x15b: {  	v5 =	vld [tilespmem:s29+$0xA530];
	v0 =	vadd.f32 v1, v0  }
0x15c: {  	v2 =	vadd.f32 v4, v2;
	v4 =	vadd.f32 v7, v6;
	v1 =	vld [tilespmem:s29+$0xA540]  }
0x15d: {  	[tilespmem:s29+$0x16A70] =	vst v0;
	v0 =	vld [tilespmem:s29+$0xA550]  }
0x15e: {  	v61 =	vld [tilespmem:s29+$0x12500];
	v2 =	vadd.f32 v50, v2;
	v4 =	vadd.f32 v51, v4  }
0x15f: {  	v6 =	vld [tilespmem:s29+$0x10520];
	v3 =	vadd.f32 v8, v3;
	v8 =	vadd.f32 v49, v48  }
0x160: {  	v7 =	vld [tilespmem:s29+$0x10530];
	v63 =	vadd.f32 v57, v2;
	v5 =	vadd.f32 v9, v5  }
0x161: {  	v9 =	vld [tilespmem:s29+$0x10540];
	v3 =	vadd.f32 v52, v3;
	v62 =	vadd.f32 v56, v8  }
0x162: {  	v1 =	vadd.f32 v10, v1;
	v0 =	vadd.f32 v11, v0;
	v11 =	vld [tilespmem:s29+$0x10550]  }
0x163: {  	v60 =	vadd.f32 v53, v5;
	v10 =	vld [tilespmem:s29+$0x12510];
	v5 =	vadd.f32 v58, v4  }
0x164: {  	v8 =	vld [tilespmem:s29+$0x12520];
	v4 =	vadd.f32 v6, v3;
	v1 =	vadd.f32 v54, v1  }
0x165: {  	v6 =	vld [tilespmem:s29+$0x12530];
	v3 =	vadd.f32 v7, v60;
	v0 =	vadd.f32 v55, v0  }
0x166: {  	v7 =	vld [tilespmem:s29+$0x12540];
	v2 =	vadd.f32 v9, v1;
	v1 =	vadd.f32 v59, v62  }
0x167: {  	s15 =	simm.s32 $0x0;
	s17 =	simm.s32 $0x200;
	v9 =	vld [tilespmem:s29+$0x12550];
	v0 =	vadd.f32 v11, v0;
	v11 =	vadd.f32 v61, v63  }
.LBB2_5:
0x168: {  	s20 =	sshra.s32 s17, $0x2;
	v5 =	vadd.f32 v10, v5;
	v10 =	vld [tilespmem:s29+$0x12560]  }
0x169: {  	s15 =	sadd.s32 $0x2, s15;
	v12 =	vld [tilespmem:s20+$0xA570];
	[tilespmem:s29+$0x16A00] =	vst v11;
	v4 =	vadd.f32 v8, v4  }
0x16a: {  	p0 =	slt.u32 s15, $0x7E;
	v8 =	vld [tilespmem:s20+$0xC570];
	[tilespmem:s29+$0x16A10] =	vst v5;
	v3 =	vadd.f32 v6, v3  }
0x16b: {  	v5 =	vld [tilespmem:s20+$0xA500];
	[tilespmem:s29+$0x16A20] =	vst v4;
	v2 =	vadd.f32 v7, v2  }
0x16c: {  	v4 =	vld [tilespmem:s20+$0xE570];
	[tilespmem:s29+$0x16A30] =	vst v3;
	v0 =	vadd.f32 v9, v0  }
0x16d: {  	v3 =	vld [tilespmem:s20+$0xC500];
	[tilespmem:s29+$0x16A40] =	vst v2;
	v1 =	vadd.f32 v10, v1  }
0x16e: {  	v2 =	vld [tilespmem:s20+$0x10570];
	[tilespmem:s29+$0x16A50] =	vst v0  }
0x16f: {  	v0 =	vld [tilespmem:s20+$0xA510];
	v6 =	vadd.f32 v8, v12;
	[tilespmem:s29+$0x16A60] =	vst v1;
	s29 =	smov.u32 s20  }
0x170: {  	v1 =	vld [tilespmem:s29+$0x12570]  }
0x171: {  	v7 =	vld [tilespmem:s29+$0xC510];
	v4 =	vadd.f32 v4, v6  }
0x172: {  	v3 =	vadd.f32 v3, v5;
	v5 =	vld [tilespmem:s29+$0xA520]  }
0x173: {  	v6 =	vld [tilespmem:s29+$0xC520];
	v2 =	vadd.f32 v2, v4  }
0x174: {  	v4 =	vld [tilespmem:s29+$0xA530]  }
0x175: {  	v8 =	vld [tilespmem:s29+$0xC530];
	v1 =	vadd.f32 v1, v2  }
0x176: {  	v0 =	vadd.f32 v7, v0;
	v2 =	vld [tilespmem:s29+$0xA540]  }
0x177: {  	v7 =	vld [tilespmem:s29+$0xC540];
	[tilespmem:s29+$0x16A70] =	vst v1  }
0x178: {  	v1 =	vadd.f32 v6, v5;
	v5 =	vld [tilespmem:s29+$0xA550]  }
0x179: {  	v6 =	vld [tilespmem:s29+$0xC550]  }
0x17a: {  	v4 =	vadd.f32 v8, v4;
	v8 =	vld [tilespmem:s29+$0xA560]  }
0x17b: {  	v9 =	vld [tilespmem:s29+$0xC560]  }
0x17c: {  	v10 =	vld [tilespmem:s29+$0xE500];
	v2 =	vadd.f32 v7, v2  }
0x17d: {  	v7 =	vld [tilespmem:s29+$0xE510]  }
0x17e: {  	v11 =	vld [tilespmem:s29+$0xE520];
	v5 =	vadd.f32 v6, v5  }
0x17f: {  	v6 =	vld [tilespmem:s29+$0xE530]  }
0x180: {  	v12 =	vld [tilespmem:s29+$0xE540];
	v8 =	vadd.f32 v9, v8  }
0x181: {  	v3 =	vadd.f32 v10, v3;
	v9 =	vld [tilespmem:s29+$0xE550]  }
0x182: {  	v0 =	vadd.f32 v7, v0;
	v7 =	vld [tilespmem:s29+$0xE560]  }
0x183: {  	v10 =	vld [tilespmem:s29+$0x10500];
	v1 =	vadd.f32 v11, v1  }
0x184: {  	v11 =	vld [tilespmem:s29+$0x10510];
	v6 =	vadd.f32 v6, v4  }
0x185: {  	v4 =	vld [tilespmem:s29+$0x10520];
	v2 =	vadd.f32 v12, v2  }
0x186: {  	v12 =	vld [tilespmem:s29+$0x10530];
	v9 =	vadd.f32 v9, v5  }
0x187: {  	v13 =	vld [tilespmem:s29+$0x10540];
	v14 =	vadd.f32 v7, v8  }
0x188: {  	v15 =	vadd.f32 v10, v3;
	v7 =	vld [tilespmem:s29+$0x10550]  }
0x189: {  	v5 =	vadd.f32 v11, v0;
	v11 =	vld [tilespmem:s29+$0x10560]  }
0x18a: {  	v16 =	vld [tilespmem:s29+$0x12500];
	v4 =	vadd.f32 v4, v1  }
.Ltmp1:
0x18b: {  	v10 =	vld [tilespmem:s29+$0x12510];
	v3 =	vadd.f32 v12, v6;
	(pc) =	sbr.rel @p0 .LBB2_5-.Ltmp1, $4  }
0x18c: {  	v8 =	vld [tilespmem:s29+$0x12520];
	v2 =	vadd.f32 v13, v2  }
0x18d: {  	v6 =	vld [tilespmem:s29+$0x12530];
	v0 =	vadd.f32 v7, v9  }
0x18e: {  	v7 =	vld [tilespmem:s29+$0x12540];
	v1 =	vadd.f32 v11, v14  }
0x18f: {  	s17 =	sadd.s32 $0x200, s17;
	v11 =	vadd.f32 v16, v15;
	v9 =	vld [tilespmem:s29+$0x12550]  }
0x190: {  	v5 =	vadd.f32 v10, v5;
	v36 =	vld [tilespmem:s29+$0x12560]  }
0x191: {  	[tilespmem:s29+$0x16A00] =	vst v11;
	v4 =	vadd.f32 v8, v4  }
0x192: {  	[tilespmem:s29+$0x16A10] =	vst v5;
	v3 =	vadd.f32 v6, v3  }
0x193: {  	[tilespmem:s29+$0x16A20] =	vst v4;
	v2 =	vadd.f32 v7, v2  }
0x194: {  	[tilespmem:s29+$0x16A30] =	vst v3;
	v0 =	vadd.f32 v9, v0  }
0x195: {  	[tilespmem:s29+$0x16A40] =	vst v2;
	v1 =	vadd.f32 v36, v1  }
0x196: {  	[tilespmem:s29+$0x16A50] =	vst v0  }
0x197: {  	[tilespmem:s29+$0x16A60] =	vst v1  }
0x198: {  	v0 =	vld [tilespmem:$0x14780]  }
0x199: {  	v1 =	vld [tilespmem:$0x14800]  }
0x19a: {  	v2 =	vld [tilespmem:$0x14880]  }
0x19b: {  	v3 =	vld [tilespmem:$0x14900]  }
0x19c: {  	v4 =	vld [tilespmem:$0x14980]  }
0x19d: {  	v5 =	vld [tilespmem:$0x14790]  }
0x19e: {  	v37 =	vld [tilespmem:$0x14810]  }
0x19f: {  	v38 =	vld [tilespmem:$0x14890]  }
0x1a0: {  	v39 =	vld [tilespmem:$0x14910]  }
0x1a1: {  	v40 =	vld [tilespmem:$0x14990]  }
0x1a2: {  	v41 =	vld [tilespmem:$0x147A0]  }
0x1a3: {  	v11 =	vld [tilespmem:$0x14820]  }
0x1a4: {  	v12 =	vld [tilespmem:$0x148A0]  }
0x1a5: {  	v13 =	vld [tilespmem:$0x14920]  }
0x1a6: {  	v14 =	vld [tilespmem:$0x149A0]  }
0x1a7: {  	v15 =	vld [tilespmem:$0x147B0]  }
0x1a8: {  	v16 =	vld [tilespmem:$0x14830]  }
0x1a9: {  	v17 =	vld [tilespmem:$0x148B0]  }
0x1aa: {  	v18 =	vld [tilespmem:$0x14930]  }
0x1ab: {  	v19 =	vld [tilespmem:$0x149B0]  }
0x1ac: {  	v20 =	vld [tilespmem:$0x147C0]  }
0x1ad: {  	v21 =	vld [tilespmem:$0x14840]  }
0x1ae: {  	v22 =	vld [tilespmem:$0x148C0]  }
0x1af: {  	v23 =	vld [tilespmem:$0x14940]  }
0x1b0: {  	v25 =	vld [tilespmem:$0x147D0]  }
0x1b1: {  	v26 =	vld [tilespmem:$0x14850]  }
0x1b2: {  	v24 =	vld [tilespmem:$0x149C0]  }
0x1b3: {  	v42 =	vld [tilespmem:$0x148D0]  }
0x1b4: {  	v43 =	vld [tilespmem:$0x14950];
	v0 =	vadd.f32 v1, v0;
	v5 =	vadd.f32 v37, v5  }
0x1b5: {  	v45 =	vld [tilespmem:$0x149D0];
	v44 =	vadd.f32 v11, v41;
	v46 =	vadd.f32 v16, v15  }
0x1b6: {  	v47 =	vld [tilespmem:$0x147E0];
	v52 =	vadd.f32 v21, v20;
	v54 =	vadd.f32 v26, v25  }
0x1b7: {  	v48 =	vld [tilespmem:$0x14860];
	v0 =	vadd.f32 v2, v0;
	v5 =	vadd.f32 v38, v5  }
0x1b8: {  	v49 =	vld [tilespmem:$0x147F0];
	v2 =	vadd.f32 v12, v44;
	v7 =	vadd.f32 v17, v46  }
0x1b9: {  	v50 =	vld [tilespmem:$0x14870];
	v12 =	vadd.f32 v22, v52;
	v1 =	vadd.f32 v42, v54  }
0x1ba: {  	v51 =	vld [tilespmem:$0x148E0];
	v0 =	vadd.f32 v3, v0;
	v5 =	vadd.f32 v39, v5  }
0x1bb: {  	v53 =	vld [tilespmem:$0x148F0];
	v2 =	vadd.f32 v13, v2;
	v7 =	vadd.f32 v18, v7  }
0x1bc: {  	v55 =	vld [tilespmem:$0x14960];
	v3 =	vadd.f32 v48, v47;
	v58 =	vadd.f32 v23, v12  }
0x1bd: {  	v56 =	vld [tilespmem:$0x14970];
	v1 =	vadd.f32 v43, v1;
	v0 =	vadd.f32 v4, v0  }
0x1be: {  	v57 =	vld [tilespmem:$0x149E0];
	v5 =	vadd.f32 v40, v5;
	v4 =	vadd.f32 v50, v49  }
0x1bf: {  	v59 =	vld [tilespmem:$0x149F0];
	v2 =	vadd.f32 v14, v2;
	v3 =	vadd.f32 v51, v3;
	[tilespmem:$0x18A80] =	vst v0  }
0x1c0: {  	v7 =	vadd.f32 v19, v7;
	[tilespmem:$0x18A90] =	vst v5;
	v4 =	vadd.f32 v53, v4  }
0x1c1: {  	v1 =	vadd.f32 v45, v1;
	[tilespmem:$0x18AA0] =	vst v2;
	v60 =	vadd.f32 v55, v3  }
0x1c2: {  	v0 =	vadd.f32 v24, v58;
	[tilespmem:$0x18AB0] =	vst v7;
	v61 =	vadd.f32 v56, v4  }
0x1c3: {  	s24 =	sadd.s32 $0x1, s24;
	[tilespmem:$0x18AD0] =	vst v1;
	v62 =	vadd.f32 v57, v60  }
0x1c4: {  	p0 =	sne.s32 s24, $0x32;
	[tilespmem:$0x18AC0] =	vst v0;
	v63 =	vadd.f32 v59, v61  }
.Ltmp2:
0x1c5: {  	[tilespmem:$0x18AE0] =	vst v62;
	(pc) =	sbr.rel @p0 .LBB2_2-.Ltmp2, $4  }
0x1c6: {  	s15 =	sadd.s32 s5, s26;
	[tilespmem:$0x18AF0] =	vst v63  }
0x1c7: {  	[hbm4b:s15+s6] =	stream.linear.scatter [tilespmem:s0], [sflag:$0x6], $0x2000, $0x38;
	[tilespmem:$0x18B00] =	vst v63  }
0x1c8: {  	s14 =	sadd.s32 s13, s14  }
0x1c9: {  	[hbm4b:s14+s6] =	stream.linear.scatter [tilespmem:s4], [sflag:$0x6], $0x80, $0x38;
	[tilespmem:$0x18B00] =	vst v63  }
0x1ca: {  	s14 =	simm.s32 $0x5  }
0x1cb: {  	_ =	swait.ge [sflag:s14], $0x2000  }
0x1cc: {  	[sflag:s14] =	ssyncset.done $0x0  }
0x1cd: {  	[sflag:s14] =	ssyncadd.s32 $0xFFFFE000  }
0x1ce: {  	_ =	swait.ge [sflag:s14], $0x80  }
0x1cf: {  	[sflag:s14] =	ssyncset.done $0x0  }
0x1d0: {  	s15 =	simm.s32 $0x6;
	[sflag:s14] =	ssyncadd.s32 $0xFFFFFF80  }
0x1d1: {  	_ =	swait.ge [sflag:s15], $0x2000  }
0x1d2: {  	[sflag:s15] =	ssyncset.done $0x0  }
0x1d3: {  	[sflag:s15] =	ssyncadd.s32 $0xFFFFE000  }
0x1d4: {  	_ =	swait.ge [sflag:s15], $0x80  }
0x1d5: {  	s19 =	sadd.s32 $0x1, s19;
	s29 =	rddreg [dreg:$0x8]  }
0x1d6: {  	p0 =	sne.s32 s19, s29  }
.Ltmp3:
0x1d7: {  	_ = 	snop;
	(pc) =	sbr.rel @p0 .LBB2_1-.Ltmp3, $3  }
0x1d8: {  	_ =	sdelay $0x1  }
0x1d9: {  	[sflag:s15] =	ssyncset.done $0x0  }
0x1da: {  	[sflag:s15] =	ssyncadd.s32 $0xFFFFFF80  }
0x1db: {  	_ =	sfence.sel $0x180000  }
0x1dc: {  	[bflag:$0x0] =	sbarrier.arrive $0xFFFF  }
0x1dd: {  	_ =	strace $0x90000047  }
0x1de: {  	s0 =	stileid.u32;
	[bflag:$0x2] =	sbarrier.arrive $0xFFFF  }
0x1df: {  	p0 =	sne.s32 s0, $0x0;
	s0 =	rddreg [dreg:$0x5]  }
0x1e0: {  	s0 =	sadd.s32 @!p0 $0x100000, s0  }
0x1e1: {  	[sflag:s0] =	ssyncadd.tile.s32 @!p0 $0x1;
	_ =	shalt  }
.Lfunc_end2:
_tile_overlayer_lowered:
.L_overlay_start_2:
0x1e2: {  	(tag) =	ssettag $0x2  }
0x1e3: {  	s0 =	rddreg [dreg:$0x0];
	s2 =	stileid.u32  }
0x1e4: {  	s1 =	rddreg [dreg:$0x1];
	p0 =	sne.s32 s2, $0x0  }
0x1e5: {  	s3 =	rddreg [dreg:$0x2];
	[bflag:$0x3] =	sbarrier.arrive $0xFFFF;
	s2 =	simm.s32 @!p0 $0x1C07  }
0x1e6: {  	[timem:s3], [sflag:s2] =	dma.local @!p0 [hbm:s0], s1  }
0x1e7: {  	s0 =	simm.s32 @!p0 $0x7  }
0x1e8: {  	_ =	swait.ge @!p0 [sflag:s0], s1  }
0x1e9: {  	s1 =	ssub.s32 @!p0 $0x0, s1;
	[sflag:s0] =	ssyncset.done @!p0 $0x0  }
0x1ea: {  	[sflag:s0] =	ssyncadd.s32 @!p0 s1  }
0x1eb: {  	[bflag:$0x3] =	sbarrier.arrive $0xFFFF  }
0x1ec: {  	_ =	shalt  }

// kernel: sparse-core-data-format-call.1.cloned.1.call-start
scs
called_computation.1_lowered:
.L_overlay_start_0:
0x0: {  	s2 =	sld [smem:$0x3FD9]  }
0x1: {  	s3 =	sld [smem:$0x3FFE];
	_ =	sdelay $0x1  }
0x2: {  	s1 =	srdreg.scid  }
0x3: {  	s0 =	sand.u32 $0x1, s1  }
0x4: {  	s15 =	sshll.u32 s0, $0xA;
	s2 =	sadd.s32 s3, s2  }
0x5: {  	s2 =	sadd.s32 s2, s15  }
0x6: {  	[smem:$0x3FC2] =	sst s2  }
0x7: {  	_ = 	snop  }
0x8: {  	s2 =	sld [smem:$0x3FD0];
	_ =	sdelay $0x2  }
0x9: {  	s16 =	simm.s32 $0xB;
	s4 =	simm.s32 $0x10  }
0xa: {  	[smem:s4], [sflag:s16] =	dma.local [hbm:s2], $0x1  }
0xb: {  	_ =	swait.eq [sflag:s16], $0x1  }
0xc: {  	[sflag:s16] =	ssyncset.done $0x0  }
0xd: {  	[sflag:s16] =	ssyncadd.s32 $0xFFFFFFFF  }
0xe: {  	s17 =	sld [smem:$0x11];
	(tm) =	ssettm $0x1  }
0xf: {  	s18 =	sld [smem:$0x3FFB];
	_ =	sdelay $0x3  }
0x10: {  	_ =	strace s18  }
0x11: {  	s3 =	sld [smem:$0x3FFC];
	_ =	sdelay $0x3  }
0x12: {  	_ =	strace s3  }
0x13: {  	s3 =	sld [smem:$0x3FFD];
	_ =	sdelay $0x3  }
0x14: {  	_ =	strace s3  }
0x15: {  	_ =	strace $0x8FFFFFFF  }
0x16: {  	s19 =	sld [smem:$0x3FDB];
	_ =	sdelay $0x1  }
0x17: {  	s20 =	simm.s32 $_scs_section_size  }
0x18: {  	s5 =	simm.s32 $_size__tile_overlayer_lowered;
	s6 =	simm.s32 $_tile_overlayer_lowered  }
0x19: {  	s23 =	simm.s32 $0x1BFF;
	s22 =	sshll.u32 s6, $0x1;
	s3 =	sadd.s32 s20, s19  }
0x1a: {  	s7 =	simm.s32 $0x0;
	s21 =	sshll.u32 s5, $0x1;
	s5 =	sadd.s32 s22, s3  }
0x1b: {  	[timem:s7], [sflag:s23] =	dma.local [hbm:s5], s21  }
0x1c: {  	_ =	swait.ge [sflag:s23], s21  }
0x1d: {  	s4 =	ssub.s32 $0x0, s21;
	[sflag:s23] =	ssyncset.done $0x0  }
0x1e: {  	[sflag:s23] =	ssyncadd.s32 s4;
	_ =	sdelay $0x1  }
0x1f: {  	s24 =	simm.s32 $0x1B8B  }
0x20: {  	_ =	swait.ge [sflag:s24], $0x1  }
0x21: {  	[sflag:s24] =	ssyncset.done $0x0  }
0x22: {  	s26 =	simm.s32 $0x1B8E;
	s25 =	sld [smem:$0x3FFE];
	[sflag:s24] =	ssyncadd.s32 $0xFFFFFFFF  }
0x23: {  	s27 =	simm.s32 $execute0_lowered;
	[smem:$0x3FD2] =	sst s26  }
0x24: {  	s5 =	sshll.u32 s27, $0x1;
	_ =	strace $0x80000049;
	[dreg:$0x1] =	wrdreg $0xFFFFFFFF  }
0x25: {  	s28 =	simm.s32 $_size_execute0_lowered;
	s3 =	sadd.s32 s3, s5;
	[dreg:$0x0] =	wrdreg $0x0  }
0x26: {  	s5 =	sshll.u32 s28, $0x1;
	[dreg:$0x2] =	wrdreg s3  }
0x27: {  	[dreg:$0x3] =	wrdreg s5  }
0x28: {  	[dreg:$0x4] =	wrdreg $0xC0  }
0x29: {  	_ =	task [dreg:s7], $0x5FFFF  }
0x2a: {  	[dreg:$0x1] =	wrdreg $0xFFFFFFFF  }
0x2b: {  	[dreg:$0x0] =	wrdreg $0x60  }
0x2c: {  	[dreg:$0x2] =	wrdreg s25  }
0x2d: {  	[dreg:$0x3] =	wrdreg s17  }
0x2e: {  	[dreg:$0x4] =	wrdreg $0xA  }
0x2f: {  	_ =	task.clear_ibuf [dreg:s7], $0x5FFFF;
	_ =	strace $0x90000049  }
0x30: {  	s29 =	simm.s32 $0xA;
	_ =	strace $0x8000004B  }
0x31: {  	_ =	swait.ge [sflag:s29], $0x1  }
0x32: {  	[sflag:s29] =	ssyncadd.s32 $0xFFFFFFFF  }
0x33: {  	_ =	strace $0x9000004B  }
0x34: {  	_ =	sfence  }
0x35: {  	s30 =	sld [smem:$0x0];
	_ =	sdelay $0x2  }
0x36: {  	s31 =	sshll.u32 s1, $0xD;
	s1 =	sshrl.u32 s1, $0x2  }
0x37: {  	s3 =	sand.u32 $0x4000, s31;
	s1 =	sadd.s32 s1, s30  }
0x38: {  	s0 =	sor.u32 s3, s0;
	s1 =	sshll.u32 s1, $0x11  }
0x39: {  	s0 =	sor.u32 s1, s0  }
0x3a: {  	s0 =	sadd.s32 $0x8F2B, s0  }
0x3b: {  	[sflag:s0] =	ssyncadd.remote.s32 $0x1  }
0x3c: {  	_ =	sfence.sel $0xFFFF  }
0x3d: {  	[dreg:$0x0] =	wrdreg $0xFFFFFFFF;
	(pc) =	sbr.abs _section_cstart, $3  }
0x3e: {  	[dreg:$0x1] =	wrdreg $0xFFFFFFFF  }
0x3f: {  	_ =	task.clear_ibuf [dreg:s7], $0x2FFFF;
	_ =	strace $0x9FFFFFFF  }
0x40: {  	(tm) =	ssettm $0x7FFFFFFF  }
0x41: {  	_ =	shalt  }
tec
execute0_lowered:
.L_overlay_start_1:
0x0: {  	(tag) =	ssettag $0x1  }
0x1: {  	s0 =	srdreg.scid  }
0x2: {  	s1 =	sshll.u32 s0, $0x4  }
0x3: {  	s0 =	stileid.u32;
	s1 =	sand.u32 $0x10, s1  }
0x4: {  	s1 =	sor.u32 s0, s1  }
0x5: {  	s6 =	rddreg [dreg:$0x0];
	s4 =	simm.s32 $0x1;
	s2 =	sshll.u32 s1, $0x7  }
0x6: {  	s7 =	simm.s32 $0x2;
	s12 =	simm.s32 $0x0;
	s1 =	ssub.s32 $0x1000, s2  }
0x7: {  	s8 =	simm.s32 $0x8000;
	s13 =	simm.s32 $0x0;
	s3 =	sand.u32 $0xF80, s1  }
0x8: {  	s9 =	simm.s32 $0x0;
	s5 =	sshrl.u32 s1, $0xC;
	p0 =	sne.s32 s3, $0x0  }
.Ltmp0:
0x9: {  	s1 =	rddreg [dreg:$0x2];
	s4 =	simm.s32 @!p0 $0x0;
	(pc) =	sbr.rel .LBB1_1-.Ltmp0, $4  }
0xa: {  	s11 =	simm.s32 $0x0;
	s3 =	rddreg [dreg:$0x1];
	s5 =	sadd.s32 s4, s5  }
0xb: {  	_ =	strace $0x8000004A;
	s4 =	simm.s32 $0x1;
	s5 =	smul.u32 $0x32, s5  }
0xc: {  	s6 =	sadd.s32 $0x1D1800, s6;
	s10 =	smov.u32 s2;
	[sflag:s4] =	ssyncpa.u1 $0x0  }
0xd: {  	p0 =	por $0x0, $0x0;
	[sflag:s7] =	ssyncpa.u1 $0x0;
	s7 =	sor.u32 $0x1, s5  }
.LBB1_4:
0xe: {  	s16 =	sshll.u32 s13, $0x3;
	s17 =	sand.u32 $0x78, s13  }
0xf: {  	s30 =	sand.u32 $0x7E00, s13;
	s12 =	sshll.u32 s12, $0xF;
	s16 =	sand.u32 $0xC00, s16  }
0x10: {  	[tilespmem:s15+$0x810 ss:$0x81] =	vst.msk $0xffff, v2;
	s31 =	sand.u32 $0x7, s13;
	s16 =	sor.u32 s17, s16;
	s17 =	sadd.s32 s3, s30  }
0x11: {  	[tilespmem:s15+$0x1020 ss:$0x81] =	vst.msk $0xffff, v0;
	s13 =	sshll.u32 s31, $0x12;
	s12 =	sadd.s32 s12, s17;
	s16 =	sshrl.u32 s16, $0x3  }
0x12: {  	[tilespmem:s15+$0x0 ss:$0x81] =	vst.msk $0xffff, v1;
	s13 =	sor.u32 $0x400, s13;
	s12 =	sadd.s32 s16, s12  }
0x13: {  	[hbm4b:s12+s13] =	stream.strided.scatter [tilespmem:s14], [sflag:$0x2], $0x2000, s8, s13, $0x20;
	[tilespmem:$0x8080] =	vst v63  }
.LBB1_5:
0x14: {  	s14 =	sadd.s32 $0x1, s9  }
0x15: {  	s12 =	sadd.s32 $0x1000, s10;
	s16 =	smov.u32 s10;
	p2 =	sgt.s32 s14, $0x31  }
0x16: {  	s16 =	smov.u32 @p2 s12  }
0x17: {  	s14 =	simm.s32 @p2 $0x0;
	p2 =	sgt.s32 s16, $0xFFF  }
0x18: {  	s16 =	smov.u32 @p2 s2;
	p2 =	sne.s32 s11, s7  }
.Ltmp1:
0x19: {  	p1 =	slt.u32 s11, $0x2;
	(pc) =	sbr.rel @!p2 .LBB1_6-.Ltmp1, $4  }
0x1a: {  	s15 =	simm.s32 @!p1 $0x2  }
0x1b: {  	s13 =	smov.u32 s10;
	p0 =	por !p0, !p0;
	_ =	swait.ge @!p1 [sflag:s15], $0x2000  }
0x1c: {  	s12 =	smov.u32 s9;
	[sflag:s15] =	ssyncset.done @!p1 $0x0;
	s9 =	smov.u32 s14  }
0x1d: {  	s11 =	sadd.s32 $0x1, s11;
	[sflag:s15] =	ssyncadd.s32 @!p1 $0xFFFFE000;
	s10 =	smov.u32 s16  }
.LBB1_1:
0x1e: {  	p1 =	sge.u32 s11, s5  }
0x1f: {  	s14 =	sand.u32 @!p1 $0x1FFFFFF, s9  }
0x20: {  	s15 =	smulhi.u32 @!p1 $0x4924925, s14;
	_ =	sdelay $0x1  }
0x21: {  	s15 =	smul.u32 @!p1 $0x38, s15  }
0x22: {  	s16 =	sxor.u32 @!p1 $0xFFFFFFFF, s11;
	s17 =	smul.u32 @!p1 $0x380, s10  }
0x23: {  	s31 =	sadd.s32 $0xFFFFFFFF, s11;
	s16 =	sshll.u32 @!p1 s16, $0xD;
	s14 =	ssub.s32 @!p1 s14, s15  }
0x24: {  	s15 =	sand.u32 @!p1 $0x2000, s16;
	s16 =	sadd.s32 @!p1 s6, s17;
	s14 =	sshll.u32 @!p1 s14, $0x4  }
0x25: {  	s17 =	simm.s32 @!p1 $0x1C00;
	s14 =	sadd.s32 @!p1 s14, s16;
	s16 =	simm.s32 @!p1 $0x40  }
0x26: {  	[tilespmem:s15], [sflag:$0x1] =	stream.strided.gather @!p1 [hbm4b:s14+s16], $0x2000, s17, s16, $0x38;
	[tilespmem:$0x8080] =	vst v63  }
0x27: {  	p1 =	sge.u32 s31, s5  }
.Ltmp2:
0x28: {  	_ = 	snop;
	(pc) =	sbr.rel @p1 .LBB1_5-.Ltmp2, $1  }
0x29: {  	_ =	sdelay $0x3  }
0x2a: {  	s14 =	simm.s32 $0x1  }
0x2b: {  	_ =	swait.ge [sflag:s4], $0x2000;
	s14 =	simm.s32 @!p0 $0x0  }
0x2c: {  	[sflag:s4] =	ssyncset.done $0x0;
	s15 =	sshll.u32 s14, $0xD  }
0x2d: {  	[sflag:s4] =	ssyncadd.s32 $0xFFFFE000;
	s18 =	sor.u32 $0x20, s15  }
0x2e: {  	s14 =	smul.u32 $0x8100, s14;
	v3 =	vld [tilespmem:s18+$0x10]  }
0x2f: {  	s30 =	sand.u32 $0x1, s11;
	v2 =	vld [tilespmem:s18+$0xFFFFFFF0]  }
0x30: {  	s15 =	smul.u32 $0x8100, s30;
	s14 =	sshrl.u32 s14, $0x2;
	v0 =	vld [tilespmem:s18+$0x0]  }
0x31: {  	v1 =	vld [tilespmem:s18+$0xFFFFFFE0];
	s16 =	sor.u32 $0x4000, s14  }
0x32: {  	s31 =	sshrl.u32 s15, $0x2;
	s15 =	sadd.s32 $0x0, s16  }
0x33: {  	s17 =	simm.s32 $0x4;
	s18 =	sadd.s32 $0x40, s18;
	s14 =	sor.u32 $0x4000, s31;
	[tilespmem:s15+$0x1830 ss:$0x81] =	vst.msk $0xffff, v3  }
.LBB1_3:
0x34: {  	v3 =	vld [tilespmem:s18+$0x10];
	p1 =	sne.s32 s17, $0x1FC;
	[tilespmem:s15+$0x810 ss:$0x81] =	vst.msk $0xffff, v2;
	s19 =	smov.u32 s17;
	s17 =	sadd.s32 $0x4, s17  }
.Ltmp3:
0x35: {  	v2 =	vld [tilespmem:s18+$0xFFFFFFF0];
	[tilespmem:s15+$0x1020 ss:$0x81] =	vst.msk $0xffff, v0;
	(pc) =	sbr.rel @p1 .LBB1_3-.Ltmp3, $4  }
0x36: {  	v0 =	vld [tilespmem:s18+$0x0];
	[tilespmem:s15+$0x0 ss:$0x81] =	vst.msk $0xffff, v1  }
0x37: {  	s15 =	sshra.s32 s19, $0x2;
	v1 =	vld [tilespmem:s18+$0xFFFFFFE0]  }
0x38: {  	s15 =	sadd.s32 s15, s16  }
0x39: {  	s18 =	sadd.s32 $0x40, s18;
	[tilespmem:s15+$0x1830 ss:$0x81] =	vst.msk $0xffff, v3  }
.Ltmp4:
0x3a: {  	_ = 	snop;
	(pc) =	sbr.rel .LBB1_4-.Ltmp4, $1  }
0x3b: {  	_ =	sdelay $0x3  }
.LBB1_6:
0x3c: {  	_ =	sfence.sel $0x180000  }
0x3d: {  	s2 =	simm.s32 $0x1;
	[bflag:$0x0] =	sbarrier.arrive $0xFFFF  }
0x3e: {  	s31 =	simm.s32 $0x2;
	[sflag:s2] =	ssyncpa.u1 $0x1  }
0x3f: {  	[sflag:s31] =	ssyncpa.u1 $0x1  }
0x40: {  	p0 =	sne.s32 s0, $0x0;
	_ =	strace $0x9000004A  }
0x41: {  	s0 =	sadd.s32 @!p0 $0x100000, s1;
	[bflag:$0x2] =	sbarrier.arrive $0xFFFF  }
0x42: {  	[sflag:s0] =	ssyncadd.tile.s32 @!p0 $0x1;
	_ =	shalt  }
.Lfunc_end1:
_tile_overlayer_lowered:
.L_overlay_start_2:
0x43: {  	(tag) =	ssettag $0x2  }
0x44: {  	s0 =	rddreg [dreg:$0x0];
	s2 =	stileid.u32  }
0x45: {  	s1 =	rddreg [dreg:$0x1];
	p0 =	sne.s32 s2, $0x0  }
0x46: {  	s3 =	rddreg [dreg:$0x2];
	[bflag:$0x3] =	sbarrier.arrive $0xFFFF;
	s2 =	simm.s32 @!p0 $0x1C01  }
0x47: {  	[timem:s3], [sflag:s2] =	dma.local @!p0 [hbm:s0], s1  }
0x48: {  	s0 =	simm.s32 @!p0 $0x1  }
0x49: {  	_ =	swait.ge @!p0 [sflag:s0], s1  }
0x4a: {  	s1 =	ssub.s32 @!p0 $0x0, s1;
	[sflag:s0] =	ssyncset.done @!p0 $0x0  }
0x4b: {  	[sflag:s0] =	ssyncadd.s32 @!p0 s1  }
0x4c: {  	[bflag:$0x3] =	sbarrier.arrive $0xFFFF  }
0x4d: {  	_ =	shalt  }

// kernel: sparse-core-data-format-call.cloned.1.call-start
scs
called_computation_lowered:
.L_overlay_start_0:
0x0: {  	s2 =	sld [smem:$0x3FD9]  }
0x1: {  	s3 =	sld [smem:$0x3FFE];
	_ =	sdelay $0x1  }
0x2: {  	s1 =	srdreg.scid  }
0x3: {  	s0 =	sand.u32 $0x1, s1  }
0x4: {  	s16 =	sshll.u32 s0, $0xA;
	s2 =	sadd.s32 s3, s2  }
0x5: {  	s2 =	sadd.s32 s2, s16  }
0x6: {  	[smem:$0x3FC2] =	sst s2  }
0x7: {  	_ = 	snop  }
0x8: {  	s2 =	sld [smem:$0x3FD0];
	_ =	sdelay $0x2  }
0x9: {  	s17 =	simm.s32 $0xB;
	s4 =	simm.s32 $0x10  }
0xa: {  	[smem:s4], [sflag:s17] =	dma.local [hbm:s2], $0x1  }
0xb: {  	_ =	swait.eq [sflag:s17], $0x1  }
0xc: {  	[sflag:s17] =	ssyncset.done $0x0  }
0xd: {  	[sflag:s17] =	ssyncadd.s32 $0xFFFFFFFF  }
0xe: {  	s18 =	sld [smem:$0x13];
	(tm) =	ssettm $0x1  }
0xf: {  	s19 =	sld [smem:$0x3FFB];
	_ =	sdelay $0x3  }
0x10: {  	_ =	strace s19  }
0x11: {  	s2 =	sld [smem:$0x3FFC];
	_ =	sdelay $0x3  }
0x12: {  	_ =	strace s2  }
0x13: {  	s2 =	sld [smem:$0x3FFD];
	_ =	sdelay $0x3  }
0x14: {  	_ =	strace s2  }
0x15: {  	_ =	strace $0x8FFFFFFF  }
0x16: {  	s20 =	sld [smem:$0x3FDB];
	_ =	sdelay $0x1  }
0x17: {  	s21 =	simm.s32 $_scs_section_size  }
0x18: {  	s5 =	simm.s32 $_size__tile_overlayer_lowered;
	s6 =	simm.s32 $_tile_overlayer_lowered  }
0x19: {  	s7 =	simm.s32 $0x1BFF;
	s22 =	sshll.u32 s6, $0x1;
	s4 =	sadd.s32 s21, s20  }
0x1a: {  	s23 =	simm.s32 $0x0;
	s5 =	sshll.u32 s5, $0x1;
	s6 =	sadd.s32 s22, s4  }
0x1b: {  	[timem:s23], [sflag:s7] =	dma.local [hbm:s6], s5  }
0x1c: {  	_ =	swait.ge [sflag:s7], s5  }
0x1d: {  	s5 =	ssub.s32 $0x0, s5;
	[sflag:s7] =	ssyncset.done $0x0  }
0x1e: {  	[sflag:s7] =	ssyncadd.s32 s5;
	_ =	sdelay $0x1  }
0x1f: {  	s24 =	simm.s32 $0x1B8B  }
0x20: {  	_ =	swait.ge [sflag:s24], $0x1  }
0x21: {  	[sflag:s24] =	ssyncset.done $0x0  }
0x22: {  	[sflag:s24] =	ssyncadd.s32 $0xFFFFFFFF  }
0x23: {  	s5 =	sld [smem:$0x0]  }
0x24: {  	s6 =	sand.u32 $0xFFFFFFFE, s1  }
0x25: {  	p0 =	sne.s32 s1, s6  }
0x26: {  	s6 =	sshll.u32 @p0 s6, $0xE  }
0x27: {  	s6 =	sadd.s32 @p0 $0x11B8D, s6;
	s7 =	sshll.u32 @p0 s5, $0x11  }
0x28: {  	s6 =	sor.u32 @p0 s7, s6  }
0x29: {  	[sflag:s6] =	ssyncadd.remote.s32 @p0 $0x1;
	_ =	sdelay $0x1  }
0x2a: {  	s6 =	simm.s32 @p0 $0x1B8D  }
0x2b: {  	_ =	swait.eq @p0 [sflag:s6], $0x1  }
0x2c: {  	[sflag:s6] =	ssyncadd.s32 @p0 $0xFFFFFFFF  }
0x2d: {  	s7 =	sshll.u32 @!p0 s1, $0xE  }
0x2e: {  	s7 =	sor.u32 @!p0 $0x4000, s7;
	s6 =	simm.s32 @!p0 $0x1B8D  }
0x2f: {  	s5 =	sshll.u32 @!p0 s5, $0x11;
	s7 =	sadd.s32 @!p0 $0x11B8D, s7;
	_ =	swait.eq @!p0 [sflag:s6], $0x1  }
0x30: {  	s5 =	sor.u32 @!p0 s5, s7;
	[sflag:s6] =	ssyncadd.s32 @!p0 $0xFFFFFFFF  }
0x31: {  	s26 =	simm.s32 $0x1B8E;
	s25 =	sld [smem:$0x3FFE];
	[sflag:s5] =	ssyncadd.remote.s32 @!p0 $0x1  }
0x32: {  	s27 =	simm.s32 $execute0_lowered;
	[smem:$0x3FD2] =	sst s26  }
0x33: {  	s6 =	sshll.u32 s27, $0x1;
	_ =	strace $0x8000004C;
	[dreg:$0x1] =	wrdreg $0xFFFFFFFF  }
0x34: {  	s28 =	simm.s32 $_size_execute0_lowered;
	s4 =	sadd.s32 s4, s6;
	[dreg:$0x0] =	wrdreg $0x0  }
0x35: {  	s6 =	sshll.u32 s28, $0x1;
	[dreg:$0x2] =	wrdreg s4  }
0x36: {  	[dreg:$0x3] =	wrdreg s6  }
0x37: {  	[dreg:$0x4] =	wrdreg $0xC0  }
0x38: {  	_ =	task [dreg:s23], $0x5FFFF  }
0x39: {  	[dreg:$0x1] =	wrdreg $0xFFFFFFFF  }
0x3a: {  	[dreg:$0x0] =	wrdreg $0x60  }
0x3b: {  	[dreg:$0x2] =	wrdreg s25  }
0x3c: {  	[dreg:$0x3] =	wrdreg s18  }
0x3d: {  	[dreg:$0x4] =	wrdreg $0x9  }
0x3e: {  	_ =	task.clear_ibuf [dreg:s23], $0x5FFFF;
	_ =	strace $0x9000004C  }
0x3f: {  	s29 =	simm.s32 $0x9;
	_ =	strace $0x8000004E  }
0x40: {  	_ =	swait.ge [sflag:s29], $0x1  }
0x41: {  	[sflag:s29] =	ssyncadd.s32 $0xFFFFFFFF  }
0x42: {  	_ =	strace $0x9000004E  }
0x43: {  	_ =	sfence  }
0x44: {  	s30 =	sld [smem:$0x0];
	_ =	sdelay $0x2  }
0x45: {  	s31 =	sshll.u32 s1, $0xD;
	s1 =	sshrl.u32 s1, $0x2  }
0x46: {  	s4 =	sand.u32 $0x4000, s31;
	s1 =	sadd.s32 s1, s30  }
0x47: {  	s0 =	sor.u32 s4, s0;
	s1 =	sshll.u32 s1, $0x11  }
0x48: {  	s0 =	sor.u32 s1, s0  }
0x49: {  	s0 =	sadd.s32 $0x8F2B, s0  }
0x4a: {  	[sflag:s0] =	ssyncadd.remote.s32 $0x1  }
0x4b: {  	_ =	sfence.sel $0xFFFF  }
0x4c: {  	[dreg:$0x0] =	wrdreg $0xFFFFFFFF;
	(pc) =	sbr.abs _section_cstart, $3  }
0x4d: {  	[dreg:$0x1] =	wrdreg $0xFFFFFFFF  }
0x4e: {  	_ =	task.clear_ibuf [dreg:s23], $0x2FFFF;
	_ =	strace $0x9FFFFFFF  }
0x4f: {  	(tm) =	ssettm $0x7FFFFFFF  }
tec
execute0_lowered:
.L_overlay_start_1:
0x0: {  	(tag) =	ssettag $0x1  }
0x1: {  	s0 =	srdreg.scid  }
0x2: {  	s1 =	sshll.u32 s0, $0x4  }
0x3: {  	s0 =	stileid.u32;
	s1 =	sand.u32 $0x10, s1  }
0x4: {  	s1 =	sor.u32 s0, s1  }
0x5: {  	s6 =	rddreg [dreg:$0x0];
	s4 =	simm.s32 $0x1;
	s2 =	sshll.u32 s1, $0x7  }
0x6: {  	s7 =	simm.s32 $0x2;
	s12 =	simm.s32 $0x0;
	s1 =	ssub.s32 $0x1000, s2  }
0x7: {  	s8 =	simm.s32 $0x8000;
	s13 =	simm.s32 $0x0;
	s3 =	sand.u32 $0xF80, s1  }
0x8: {  	s9 =	simm.s32 $0x0;
	s5 =	sshrl.u32 s1, $0xC;
	p0 =	sne.s32 s3, $0x0  }
.Ltmp0:
0x9: {  	s1 =	rddreg [dreg:$0x2];
	s4 =	simm.s32 @!p0 $0x0;
	(pc) =	sbr.rel .LBB1_1-.Ltmp0, $4  }
0xa: {  	s11 =	simm.s32 $0x0;
	s3 =	rddreg [dreg:$0x1];
	s5 =	sadd.s32 s4, s5  }
0xb: {  	_ =	strace $0x8000004D;
	s4 =	simm.s32 $0x1;
	s5 =	smul.u32 $0x32, s5  }
0xc: {  	s6 =	sadd.s32 $0x551800, s6;
	s10 =	smov.u32 s2;
	[sflag:s4] =	ssyncpa.u1 $0x0  }
0xd: {  	p0 =	por $0x0, $0x0;
	[sflag:s7] =	ssyncpa.u1 $0x0;
	s7 =	sor.u32 $0x1, s5  }
.LBB1_4:
0xe: {  	s16 =	sshll.u32 s13, $0x3;
	s17 =	sand.u32 $0x78, s13  }
0xf: {  	s30 =	sand.u32 $0x7E00, s13;
	s12 =	sshll.u32 s12, $0xF;
	s16 =	sand.u32 $0xC00, s16  }
0x10: {  	[tilespmem:s15+$0x810 ss:$0x81] =	vst.msk $0xffff, v2;
	s31 =	sand.u32 $0x7, s13;
	s16 =	sor.u32 s17, s16;
	s17 =	sadd.s32 s3, s30  }
0x11: {  	[tilespmem:s15+$0x1020 ss:$0x81] =	vst.msk $0xffff, v0;
	s13 =	sshll.u32 s31, $0x12;
	s12 =	sadd.s32 s12, s17;
	s16 =	sshrl.u32 s16, $0x3  }
0x12: {  	[tilespmem:s15+$0x0 ss:$0x81] =	vst.msk $0xffff, v1;
	s13 =	sor.u32 $0x400, s13;
	s12 =	sadd.s32 s16, s12  }
0x13: {  	[hbm4b:s12+s13] =	stream.strided.scatter [tilespmem:s14], [sflag:$0x2], $0x2000, s8, s13, $0x20;
	[tilespmem:$0x8080] =	vst v63  }
.LBB1_5:
0x14: {  	s14 =	sadd.s32 $0x1, s9  }
0x15: {  	s12 =	sadd.s32 $0x1000, s10;
	s16 =	smov.u32 s10;
	p2 =	sgt.s32 s14, $0x31  }
0x16: {  	s16 =	smov.u32 @p2 s12  }
0x17: {  	s14 =	simm.s32 @p2 $0x0;
	p2 =	sgt.s32 s16, $0xFFF  }
0x18: {  	s16 =	smov.u32 @p2 s2;
	p2 =	sne.s32 s11, s7  }
.Ltmp1:
0x19: {  	p1 =	slt.u32 s11, $0x2;
	(pc) =	sbr.rel @!p2 .LBB1_6-.Ltmp1, $4  }
0x1a: {  	s15 =	simm.s32 @!p1 $0x2  }
0x1b: {  	s13 =	smov.u32 s10;
	p0 =	por !p0, !p0;
	_ =	swait.ge @!p1 [sflag:s15], $0x2000  }
0x1c: {  	s12 =	smov.u32 s9;
	[sflag:s15] =	ssyncset.done @!p1 $0x0;
	s9 =	smov.u32 s14  }
0x1d: {  	s11 =	sadd.s32 $0x1, s11;
	[sflag:s15] =	ssyncadd.s32 @!p1 $0xFFFFE000;
	s10 =	smov.u32 s16  }
.LBB1_1:
0x1e: {  	p1 =	sge.u32 s11, s5  }
0x1f: {  	s14 =	sand.u32 @!p1 $0x1FFFFFF, s9  }
0x20: {  	s15 =	smulhi.u32 @!p1 $0x4924925, s14;
	_ =	sdelay $0x1  }
0x21: {  	s15 =	smul.u32 @!p1 $0x38, s15  }
0x22: {  	s16 =	sxor.u32 @!p1 $0xFFFFFFFF, s11;
	s17 =	smul.u32 @!p1 $0x380, s10  }
0x23: {  	s31 =	sadd.s32 $0xFFFFFFFF, s11;
	s16 =	sshll.u32 @!p1 s16, $0xD;
	s14 =	ssub.s32 @!p1 s14, s15  }
0x24: {  	s15 =	sand.u32 @!p1 $0x2000, s16;
	s16 =	sadd.s32 @!p1 s6, s17;
	s14 =	sshll.u32 @!p1 s14, $0x4  }
0x25: {  	s17 =	simm.s32 @!p1 $0x1C00;
	s14 =	sadd.s32 @!p1 s14, s16;
	s16 =	simm.s32 @!p1 $0x40  }
0x26: {  	[tilespmem:s15], [sflag:$0x1] =	stream.strided.gather @!p1 [hbm4b:s14+s16], $0x2000, s17, s16, $0x38;
	[tilespmem:$0x8080] =	vst v63  }
0x27: {  	p1 =	sge.u32 s31, s5  }
.Ltmp2:
0x28: {  	_ = 	snop;
	(pc) =	sbr.rel @p1 .LBB1_5-.Ltmp2, $1  }
0x29: {  	_ =	sdelay $0x3  }
0x2a: {  	s14 =	simm.s32 $0x1  }
0x2b: {  	_ =	swait.ge [sflag:s4], $0x2000;
	s14 =	simm.s32 @!p0 $0x0  }
0x2c: {  	[sflag:s4] =	ssyncset.done $0x0;
	s15 =	sshll.u32 s14, $0xD  }
0x2d: {  	[sflag:s4] =	ssyncadd.s32 $0xFFFFE000;
	s18 =	sor.u32 $0x20, s15  }
0x2e: {  	s14 =	smul.u32 $0x8100, s14;
	v3 =	vld [tilespmem:s18+$0x10]  }
0x2f: {  	s30 =	sand.u32 $0x1, s11;
	v2 =	vld [tilespmem:s18+$0xFFFFFFF0]  }
0x30: {  	s15 =	smul.u32 $0x8100, s30;
	s14 =	sshrl.u32 s14, $0x2;
	v0 =	vld [tilespmem:s18+$0x0]  }
0x31: {  	v1 =	vld [tilespmem:s18+$0xFFFFFFE0];
	s16 =	sor.u32 $0x4000, s14  }
0x32: {  	s31 =	sshrl.u32 s15, $0x2;
	s15 =	sadd.s32 $0x0, s16  }
0x33: {  	s17 =	simm.s32 $0x4;
	s18 =	sadd.s32 $0x40, s18;
	s14 =	sor.u32 $0x4000, s31;
	[tilespmem:s15+$0x1830 ss:$0x81] =	vst.msk $0xffff, v3  }
.LBB1_3:
0x34: {  	v3 =	vld [tilespmem:s18+$0x10];
	p1 =	sne.s32 s17, $0x1FC;
	[tilespmem:s15+$0x810 ss:$0x81] =	vst.msk $0xffff, v2;
	s19 =	smov.u32 s17;
	s17 =	sadd.s32 $0x4, s17  }
.Ltmp3:
0x35: {  	v2 =	vld [tilespmem:s18+$0xFFFFFFF0];
	[tilespmem:s15+$0x1020 ss:$0x81] =	vst.msk $0xffff, v0;
	(pc) =	sbr.rel @p1 .LBB1_3-.Ltmp3, $4  }
0x36: {  	v0 =	vld [tilespmem:s18+$0x0];
	[tilespmem:s15+$0x0 ss:$0x81] =	vst.msk $0xffff, v1  }
0x37: {  	s15 =	sshra.s32 s19, $0x2;
	v1 =	vld [tilespmem:s18+$0xFFFFFFE0]  }
0x38: {  	s15 =	sadd.s32 s15, s16  }
0x39: {  	s18 =	sadd.s32 $0x40, s18;
	[tilespmem:s15+$0x1830 ss:$0x81] =	vst.msk $0xffff, v3  }
.Ltmp4:
0x3a: {  	_ = 	snop;
	(pc) =	sbr.rel .LBB1_4-.Ltmp4, $1  }
0x3b: {  	_ =	sdelay $0x3  }
.LBB1_6:
0x3c: {  	_ =	sfence.sel $0x180000  }
0x3d: {  	s2 =	simm.s32 $0x1;
	[bflag:$0x0] =	sbarrier.arrive $0xFFFF  }
0x3e: {  	s31 =	simm.s32 $0x2;
	[sflag:s2] =	ssyncpa.u1 $0x1  }
0x3f: {  	[sflag:s31] =	ssyncpa.u1 $0x1  }
0x40: {  	p0 =	sne.s32 s0, $0x0;
	_ =	strace $0x9000004D  }
0x41: {  	s0 =	sadd.s32 @!p0 $0x100000, s1;
	[bflag:$0x2] =	sbarrier.arrive $0xFFFF  }
0x42: {  	[sflag:s0] =	ssyncadd.tile.s32 @!p0 $0x1;
	_ =	shalt  }
.Lfunc_end1:
_tile_overlayer_lowered:
.L_overlay_start_2:
0x43: {  	(tag) =	ssettag $0x2  }
0x44: {  	s0 =	rddreg [dreg:$0x0];
	s2 =	stileid.u32  }
0x45: {  	s1 =	rddreg [dreg:$0x1];
	p0 =	sne.s32 s2, $0x0  }
0x46: {  	s3 =	rddreg [dreg:$0x2];
	[bflag:$0x3] =	sbarrier.arrive $0xFFFF;
	s2 =	simm.s32 @!p0 $0x1C01  }
0x47: {  	[timem:s3], [sflag:s2] =	dma.local @!p0 [hbm:s0], s1  }
0x48: {  	s0 =	simm.s32 @!p0 $0x1  }
0x49: {  	_ =	swait.ge @!p0 [sflag:s0], s1  }
0x4a: {  	s1 =	ssub.s32 @!p0 $0x0, s1;
	[sflag:s0] =	ssyncset.done @!p0 $0x0  }
0x4b: {  	[sflag:s0] =	ssyncadd.s32 @!p0 s1  }
0x4c: {  	[bflag:$0x3] =	sbarrier.arrive $0xFFFF  }
0x4d: {  	_ =	shalt  }

</sc_bundles>
